<compile_context>
chip_gen: v7x
topology: tpu7x:2x2x1
jax: 0.10.2.dev20260603
libtpu: 0.0.44.dev20260713+nightly
codegen_flags: <defaults>
</compile_context>

<pallas_src>
import functools

import jax
import jax.numpy as jnp
from jax import lax
from jax.experimental import pallas as pl
from jax.experimental.pallas import tpu as pltpu
from jax.experimental.pallas import tpu_sc as plsc

_N = 16384
_CIN = 64
_COUT = 128
_K = 16
_M = _N // 4
_EPS = 1e-5
_TPAD = 128
_BIG = 1 << 30

_QB = 64
_RB = 2048


def _fps_body(px_ref, py_ref, pz_ref, npx_ref, npy_ref, npz_ref, dists_ref):
    px = px_ref[:]
    py = py_ref[:]
    pz = pz_ref[:]
    riota = lax.broadcasted_iota(jnp.int32, (128, 1), 0)
    liota = lax.broadcasted_iota(jnp.int32, (1, 128), 1)
    lx0 = px[0:1, 0:1]
    ly0 = py[0:1, 0:1]
    lz0 = pz[0:1, 0:1]
    dists_ref[:] = jnp.full((128, 128), jnp.inf, jnp.float32)
    first = liota == 0
    b0x = jnp.where(first, lx0, 0.0)
    b0y = jnp.where(first, ly0, 0.0)
    b0z = jnp.where(first, lz0, 0.0)

    def body(i, carry):
        lx, ly, lz, bx, by, bz = carry
        dx = px - lx
        dy = py - ly
        dz = pz - lz
        d = dx * dx + dy * dy + dz * dz
        dm = jnp.minimum(dists_ref[:], d)
        dists_ref[:] = dm
        rmax = jnp.max(dm, axis=1, keepdims=True)
        mx = jnp.max(rmax, axis=0, keepdims=True)
        r = jnp.min(jnp.where(rmax == mx, riota, _BIG))
        row = dists_ref[pl.ds(r, 1), :]
        c = jnp.min(jnp.where(row == mx, liota, _BIG), axis=1, keepdims=True)
        lmask = liota == c
        nlx = jnp.sum(jnp.where(lmask, px_ref[pl.ds(r, 1), :], 0.0),
                      axis=1, keepdims=True)
        nly = jnp.sum(jnp.where(lmask, py_ref[pl.ds(r, 1), :], 0.0),
                      axis=1, keepdims=True)
        nlz = jnp.sum(jnp.where(lmask, pz_ref[pl.ds(r, 1), :], 0.0),
                      axis=1, keepdims=True)
        here = liota == (i % 128)
        bx = jnp.where(here, nlx, bx)
        by = jnp.where(here, nly, by)
        bz = jnp.where(here, nlz, bz)
        g = i // 128
        npx_ref[pl.ds(g, 1), :] = bx
        npy_ref[pl.ds(g, 1), :] = by
        npz_ref[pl.ds(g, 1), :] = bz
        return (nlx, nly, nlz, bx, by, bz)

    lax.fori_loop(1, _M, body, (lx0, ly0, lz0, b0x, b0y, b0z))


def _fps(px2, py2, pz2, interpret=False):
    return pl.pallas_call(
        _fps_body,
        out_shape=[jax.ShapeDtypeStruct((32, 128), jnp.float32)] * 3,
        scratch_shapes=[pltpu.VMEM((128, 128), jnp.float32)],
        interpret=interpret,
    )(px2, py2, pz2)


def _knn_body(qx_ref, qy_ref, qz_ref, px_ref, py_ref, pz_ref, nn_ref, d2_ref):
    lane16 = lax.broadcasted_iota(jnp.int32, (_QB, _K), 1)

    def compute_d2():
        dx = qx_ref[:] - px_ref[:]
        dy = qy_ref[:] - py_ref[:]
        dz = qz_ref[:] - pz_ref[:]
        return dx * dx + dy * dy + dz * dz

    viota = lax.broadcasted_iota(jnp.int32, (_QB, 128, 128), 1)
    j128 = lax.broadcasted_iota(jnp.int32, (_QB, 128), 1)
    vals = []
    gidx = []
    w = compute_d2().reshape(_QB, 128, 128)
    for k in range(4):
        mk = jnp.min(w, axis=1)
        vk = jnp.min(jnp.where(w == mk[:, None, :], viota, _BIG), axis=1)
        masked = jnp.where(viota == vk[:, None, :], jnp.inf, w)
        if k < 3:
            d2_ref[:] = masked.reshape(_QB, _N)
            w = d2_ref[:].reshape(_QB, 128, 128)
        vals.append(mk)
        gidx.append(vk * 128 + j128)

    cur = vals[0]
    curi = gidx[0]
    cnt = jnp.zeros((_QB, 128), jnp.int32)
    nn = jnp.zeros((_QB, _K), jnp.int32)
    for k in range(_K):
        m = jnp.min(cur, axis=1, keepdims=True)
        sel = jnp.min(jnp.where(cur == m, curi, _BIG), axis=1, keepdims=True)
        hit = curi == sel
        cnt = cnt + hit.astype(jnp.int32)
        nv = jnp.where(cnt == 1, vals[1],
                       jnp.where(cnt == 2, vals[2],
                                 jnp.where(cnt == 3, vals[3], jnp.inf)))
        ni = jnp.where(cnt == 1, gidx[1],
                       jnp.where(cnt == 2, gidx[2],
                                 jnp.where(cnt == 3, gidx[3], _BIG)))
        cur = jnp.where(hit, nv, cur)
        curi = jnp.where(hit, ni, curi)
        nn = jnp.where(lane16 == k, sel, nn)

    def full_scan():
        lane = lax.broadcasted_iota(jnp.int32, (_QB, _N), 1)
        d2_ref[:] = compute_d2()

        def step(k, acc):
            d2 = d2_ref[:]
            m = jnp.min(d2, axis=1, keepdims=True)
            sel = jnp.min(jnp.where(d2 == m, lane, _BIG), axis=1, keepdims=True)
            d2_ref[:] = jnp.where(lane == sel, jnp.inf, d2)
            return jnp.where(lane16 == k, sel, acc)

        return lax.fori_loop(0, _K, step, jnp.zeros((_QB, _K), jnp.int32))

    nn_ref[:] = lax.cond(jnp.any(cnt >= 4), full_scan, lambda: nn)


def _knn(qx, qy, qz, pxr, pyr, pzr, interpret=False):
    grid = _M // _QB
    qspec = pl.BlockSpec((_QB, 1), lambda i: (i, 0))
    pspec = pl.BlockSpec((1, _N), lambda i: (0, 0))
    return pl.pallas_call(
        _knn_body,
        grid=(grid,),
        in_specs=[qspec, qspec, qspec, pspec, pspec, pspec],
        out_specs=pl.BlockSpec((_QB, _K), lambda i: (i, 0)),
        out_shape=jax.ShapeDtypeStruct((_M, _K), jnp.int32),
        scratch_shapes=[pltpu.VMEM((_QB, _N), jnp.float32)],
        interpret=interpret,
    )(qx, qy, qz, pxr, pyr, pzr)


def _sc_gather(idx_flat, table):
    info = plsc.get_sparse_core_info()
    nw = info.num_cores * info.num_subcores
    rows_per_w = (_M * _K) // nw
    chunk = 128
    nchunk = rows_per_w // chunk
    mesh = plsc.VectorSubcoreMesh(core_axis_name="c", subcore_axis_name="s")

    @functools.partial(
        pl.kernel,
        mesh=mesh,
        out_type=jax.ShapeDtypeStruct((_M * _K, _TPAD), jnp.float32),
        scratch_types=[
            pltpu.VMEM((chunk,), jnp.int32),
            pltpu.VMEM((chunk, _TPAD), jnp.float32),
            pltpu.SemaphoreType.DMA,
        ],
    )
    def gather_k(idx_hbm, table_hbm, out_hbm, idx_v, rows_v, sem):
        wid = lax.axis_index("s") * info.num_cores + lax.axis_index("c")
        base = wid * rows_per_w
        for j in range(nchunk):
            off = base + j * chunk
            pltpu.sync_copy(idx_hbm.at[pl.ds(off, chunk)], idx_v)
            pltpu.async_copy(table_hbm.at[idx_v], rows_v, sem).wait()
            pltpu.sync_copy(rows_v, out_hbm.at[pl.ds(off, chunk)])

    return gather_k(idx_flat, table)


def _mm_body(g_ref, npx_ref, npy_ref, npz_ref, w3_ref, wp_ref,
             zmax_ref, zmin_ref, s1_ref, s2_ref):
    z = jnp.dot(g_ref[:], wp_ref[:], preferred_element_type=jnp.float32)
    qproj = (npx_ref[:] * w3_ref[0:1, :] + npy_ref[:] * w3_ref[1:2, :]
             + npz_ref[:] * w3_ref[2:3, :])
    zq = z.reshape(_RB // _K, _K, _COUT) - qproj[:, None, :]
    zmax_ref[:] = jnp.max(zq, axis=1)
    zmin_ref[:] = jnp.min(zq, axis=1)

    @pl.when(pl.program_id(0) == 0)
    def _():
        s1_ref[:] = jnp.zeros_like(s1_ref)
        s2_ref[:] = jnp.zeros_like(s2_ref)

    s1_ref[:] += jnp.sum(jnp.sum(zq, axis=1), axis=0, keepdims=True)
    s2_ref[:] += jnp.sum(jnp.sum(zq * zq, axis=1), axis=0, keepdims=True)


def _mm(grouped, npx_c, npy_c, npz_c, w3, wp, interpret=False):
    grid = (_M * _K) // _RB
    qb = _RB // _K
    cspec = pl.BlockSpec((qb, 1), lambda i: (i, 0))
    full = lambda shape: pl.BlockSpec(shape, lambda i: (0, 0))
    return pl.pallas_call(
        _mm_body,
        grid=(grid,),
        in_specs=[
            pl.BlockSpec((_RB, _TPAD), lambda i: (i, 0)),
            cspec, cspec, cspec,
            full((8, _COUT)),
            full((_TPAD, _COUT)),
        ],
        out_specs=[
            pl.BlockSpec((qb, _COUT), lambda i: (i, 0)),
            pl.BlockSpec((qb, _COUT), lambda i: (i, 0)),
            full((1, _COUT)),
            full((1, _COUT)),
        ],
        out_shape=[
            jax.ShapeDtypeStruct((_M, _COUT), jnp.float32),
            jax.ShapeDtypeStruct((_M, _COUT), jnp.float32),
            jax.ShapeDtypeStruct((1, _COUT), jnp.float32),
            jax.ShapeDtypeStruct((1, _COUT), jnp.float32),
        ],
        interpret=interpret,
    )(grouped, npx_c, npy_c, npz_c, w3, wp)


def _fin_body(zmax_ref, zmin_ref, s1_ref, s2_ref, g_ref, b_ref, out_ref):
    cnt = jnp.float32(_M * _K)
    mean = s1_ref[:] / cnt
    var = s2_ref[:] / cnt - mean * mean
    sq = jnp.sqrt(var + _EPS)
    gm = g_ref[:]
    bt = b_ref[:]
    a = (zmax_ref[:] - mean) / sq * gm + bt
    b2 = (zmin_ref[:] - mean) / sq * gm + bt
    out_ref[:] = jnp.maximum(jnp.where(gm > 0, a, b2), 0.0)


def _fin(zmax, zmin, s1, s2, gm, bt, interpret=False):
    return pl.pallas_call(
        _fin_body,
        out_shape=jax.ShapeDtypeStruct((_M, _COUT), jnp.float32),
        interpret=interpret,
    )(zmax, zmin, s1, s2, gm, bt)


def kernel(p, x, o, W, gamma, beta):
    del o
    px2 = p[:, 0].reshape(128, 128)
    py2 = p[:, 1].reshape(128, 128)
    pz2 = p[:, 2].reshape(128, 128)
    npx, npy, npz = _fps(px2, py2, pz2)
    n_p = jnp.stack([npx.reshape(-1), npy.reshape(-1), npz.reshape(-1)], axis=1)

    nn = _knn(
        npx.reshape(_M, 1), npy.reshape(_M, 1), npz.reshape(_M, 1),
        p[:, 0].reshape(1, _N), p[:, 1].reshape(1, _N), p[:, 2].reshape(1, _N),
    )

    table = jnp.concatenate(
        [p, jnp.zeros((_N, 13), jnp.float32), x,
         jnp.zeros((_N, _TPAD - 16 - _CIN), jnp.float32)], axis=1)
    grouped = _sc_gather(nn.reshape(-1), table)

    w3 = jnp.zeros((8, _COUT), jnp.float32).at[0:3, :].set(W[:, :3].T)
    wp = jnp.concatenate(
        [W[:, :3], jnp.zeros((_COUT, 13), jnp.float32), W[:, 3:],
         jnp.zeros((_COUT, _TPAD - 16 - _CIN), jnp.float32)], axis=1).T
    zmax, zmin, s1, s2 = _mm(
        grouped, npx.reshape(_M, 1), npy.reshape(_M, 1), npz.reshape(_M, 1),
        w3, wp)

    x_out = _fin(zmax, zmin, s1, s2,
                 gamma.reshape(1, _COUT), beta.reshape(1, _COUT))
    n_o = jnp.array([_M], dtype=jnp.int32)
    return (n_p, x_out, n_o)

# --- scband reference (transcript-rebuilt; emitter-appended) ---
"""Pipeline reference for scband-transition-down-89043261980757 (READ-ONLY COPY).

The authoritative reference and input builder live on the scoring server;
editing this copy changes nothing except your own understanding.
"""

import jax, jax.numpy as jnp
import numpy as np

N = 16384
C_IN = 64
C_OUT = 128
STRIDE = 4
NSAMPLE = 16
M = N // STRIDE
EPS = 1e-5


def setup_inputs(seed: int = 0):
    key = jax.random.key(seed)
    k1, k2, k3 = jax.random.split(key, 3)
    p = jax.random.uniform(k1, (N, 3), dtype=jnp.float32) * 10.0
    x = jax.random.normal(k2, (N, C_IN), dtype=jnp.float32)
    o = jnp.array([N], dtype=jnp.int32)
    W = jax.random.normal(k3, (C_OUT, 3 + C_IN), dtype=jnp.float32) * (1.0 / np.sqrt(3 + C_IN))
    gamma = jnp.ones((C_OUT,), dtype=jnp.float32)
    beta = jnp.zeros((C_OUT,), dtype=jnp.float32)
    return {"p": p, "x": x, "o": o, "W": W, "gamma": gamma, "beta": beta}


def _furthest_point_sampling(p, m):
    n = p.shape[0]

    def body(i, state):
        dists, idxs, last = state
        d = jnp.sum((p - p[last]) ** 2, axis=1)
        dists = jnp.minimum(dists, d)
        nxt = jnp.argmax(dists).astype(jnp.int32)
        idxs = idxs.at[i].set(nxt)
        return (dists, idxs, nxt)

    dists0 = jnp.full((n,), jnp.inf, dtype=p.dtype)
    idxs0 = jnp.zeros((m,), dtype=jnp.int32)
    _, idxs, _ = jax.lax.fori_loop(1, m, body, (dists0, idxs0, jnp.int32(0)))
    return idxs


def reference(p, x, o, W, gamma, beta):
    # n_o computed from o and stride (single batch): M = o[0] // stride
    idx = _furthest_point_sampling(jax.lax.stop_gradient(p), M)
    n_p = p[idx]  # [M, 3]
    # queryandgroup: kNN of each sampled point among all N points
    d2 = jnp.sum((n_p[:, None, :] - p[None, :, :]) ** 2, axis=-1)  # [M, N]
    _, nn_idx = jax.lax.top_k(-d2, NSAMPLE)  # [M, NSAMPLE]
    grouped_xyz = p[nn_idx] - n_p[:, None, :]  # relative coords [M, K, 3]
    grouped_feat = x[nn_idx]  # [M, K, C_IN]
    grouped = jnp.concatenate([grouped_xyz, grouped_feat], axis=-1)  # [M, K, 3+C_IN]
    # linear (no bias) -> transpose -> BN1d (batch stats) -> relu -> maxpool over K
    z = grouped @ W.T  # [M, K, C_OUT]
    z = jnp.transpose(z, (0, 2, 1))  # [M, C_OUT, K]
    mean = jnp.mean(z, axis=(0, 2))
    var = jnp.var(z, axis=(0, 2))
    z = (z - mean[None, :, None]) / jnp.sqrt(var[None, :, None] + EPS)
    z = z * gamma[None, :, None] + beta[None, :, None]
    z = jnp.maximum(z, 0.0)
    x_out = jnp.max(z, axis=-1)  # [M, C_OUT]
    n_o = jnp.array([M], dtype=jnp.int32)
    return (n_p, x_out, n_o)

if __name__ == "__main__":
    import jax
    _d = setup_inputs()
    print(jax.jit(kernel)(*tuple(_d.values())))

</pallas_src>

<mosaic_0001>
#map = affine_map<(d0, d1) -> (0)>
#map1 = affine_map<(d0, d1) -> (0, 0)>
module attributes {stable_mosaic.version = 14 : i64} {
  func.func @gather_k(%arg0: i32, %arg1: i32, %arg2: memref<65536xi32, #tpu.memory_space<hbm>>, %arg3: memref<16384x128xf32, #tpu.memory_space<hbm>>, %arg4: memref<65536x128xf32, #tpu.memory_space<hbm>>, %arg5: memref<128xi32, #tpu.memory_space<vmem>>, %arg6: memref<128x128xf32, #tpu.memory_space<vmem>>, %arg7: memref<!tpu.dma_semaphore, #tpu.memory_space<semaphore_mem>>) attributes {dimension_semantics = [#tpu.dimension_semantics<core_parallel>, #tpu.dimension_semantics<subcore_parallel>], iteration_bounds = array<i64: 2, 16>, scalar_prefetch = 0 : i64, scratch_operands = 3 : i64, tpu.core_type = #tpu.core_type<sc_vector_subcore>, window_params = [{transform_indices = #map}, {transform_indices = #map1}, {transform_indices = #map1}]} {
    %mul3A = arith.constant 2 : i32
    %mul3A_0 = arith.muli %arg1, %mul3A : i32
    %add3A = arith.addi %mul3A_0, %arg0 : i32
    %mul3A_1 = arith.constant 2048 : i32
    %mul3A_2 = arith.muli %add3A, %mul3A_1 : i32
    %add3A_3 = arith.constant 0 : i32
    %add3A_4 = arith.addi %mul3A_2, %add3A_3 : i32
    "tpu.region"() ({
      %run_scoped3A = tpu.sem_alloc : memref<!tpu.dma_semaphore, #tpu.memory_space<semaphore_mem>>
      %dma_start3A_129 = tpu.memref_slice %arg2[%add3A_4] : memref<65536xi32, #tpu.memory_space<hbm>> -> memref<128xi32, #tpu.memory_space<hbm>>
      %dma_start3A_130 = tpu.memref_slice %arg2[%add3A_4] : memref<65536xi32, #tpu.memory_space<hbm>> -> memref<128xi32, #tpu.memory_space<hbm>>
      tpu.enqueue_dma source(%dma_start3A_130 : memref<128xi32, #tpu.memory_space<hbm>>) target(%arg5 : memref<128xi32, #tpu.memory_space<vmem>>) target_semaphore(%run_scoped3A : memref<!tpu.dma_semaphore, #tpu.memory_space<semaphore_mem>>)
      %dma_wait3A_131 = tpu.memref_slice %arg2[%add3A_4] : memref<65536xi32, #tpu.memory_space<hbm>> -> memref<128xi32, #tpu.memory_space<hbm>>
      %dma_wait3A_132 = tpu.memref_slice %arg2[%add3A_4] : memref<65536xi32, #tpu.memory_space<hbm>> -> memref<128xi32, #tpu.memory_space<hbm>>
      tpu.wait_dma2 semaphore(%run_scoped3A : memref<!tpu.dma_semaphore, #tpu.memory_space<semaphore_mem>>) src(%dma_wait3A_132 : memref<128xi32, #tpu.memory_space<hbm>>) dst(%arg5 : memref<128xi32, #tpu.memory_space<vmem>>)
      tpu.yield
    }) : () -> ()
    %dma_start3A = arith.constant 0 : i32
    %dma_start3A_5 = arith.constant 0 : i32
    %dma_start3A_6 = tpu.memref_slice %arg3[%dma_start3A, %dma_start3A_5] : memref<16384x128xf32, #tpu.memory_space<hbm>> -> memref<16384x128xf32, #tpu.memory_space<hbm>>
    tpu.enqueue_indirect_dma source(%dma_start3A_6 : memref<16384x128xf32, #tpu.memory_space<hbm>>) target(%arg6 : memref<128x128xf32, #tpu.memory_space<vmem>>) offsets(%arg5 : memref<128xi32, #tpu.memory_space<vmem>>) semaphore(%arg7 : memref<!tpu.dma_semaphore, #tpu.memory_space<semaphore_mem>>)
    %dma_wait3A = arith.constant 0 : i32
    %dma_wait3A_7 = arith.constant 0 : i32
    %dma_wait3A_8 = tpu.memref_slice %arg3[%dma_wait3A, %dma_wait3A_7] : memref<16384x128xf32, #tpu.memory_space<hbm>> -> memref<16384x128xf32, #tpu.memory_space<hbm>>
    tpu.wait_indirect_dma semaphore(%arg7 : memref<!tpu.dma_semaphore, #tpu.memory_space<semaphore_mem>>) src(%dma_wait3A_8 : memref<16384x128xf32, #tpu.memory_space<hbm>>) dst(%arg6 : memref<128x128xf32, #tpu.memory_space<vmem>>)
    "tpu.region"() ({
      %run_scoped3A = tpu.sem_alloc : memref<!tpu.dma_semaphore, #tpu.memory_space<semaphore_mem>>
      %dma_start3A_129 = arith.constant 0 : i32
      %dma_start3A_130 = tpu.memref_slice %arg4[%add3A_4, %dma_start3A_129] : memref<65536x128xf32, #tpu.memory_space<hbm>> -> memref<128x128xf32, #tpu.memory_space<hbm>>
      %dma_start3A_131 = arith.constant 0 : i32
      %dma_start3A_132 = tpu.memref_slice %arg4[%add3A_4, %dma_start3A_131] : memref<65536x128xf32, #tpu.memory_space<hbm>> -> memref<128x128xf32, #tpu.memory_space<hbm>>
      tpu.enqueue_dma source(%arg6 : memref<128x128xf32, #tpu.memory_space<vmem>>) target(%dma_start3A_132 : memref<128x128xf32, #tpu.memory_space<hbm>>) target_semaphore(%run_scoped3A : memref<!tpu.dma_semaphore, #tpu.memory_space<semaphore_mem>>)
      %dma_wait3A_133 = arith.constant 0 : i32
      %dma_wait3A_134 = tpu.memref_slice %arg4[%add3A_4, %dma_wait3A_133] : memref<65536x128xf32, #tpu.memory_space<hbm>> -> memref<128x128xf32, #tpu.memory_space<hbm>>
      %dma_wait3A_135 = arith.constant 0 : i32
      %dma_wait3A_136 = tpu.memref_slice %arg4[%add3A_4, %dma_wait3A_135] : memref<65536x128xf32, #tpu.memory_space<hbm>> -> memref<128x128xf32, #tpu.memory_space<hbm>>
      tpu.wait_dma2 semaphore(%run_scoped3A : memref<!tpu.dma_semaphore, #tpu.memory_space<semaphore_mem>>) src(%arg6 : memref<128x128xf32, #tpu.memory_space<vmem>>) dst(%dma_wait3A_136 : memref<128x128xf32, #tpu.memory_space<hbm>>)
      tpu.yield
    }) : () -> ()
    %add3A_9 = arith.constant 128 : i32
    %add3A_10 = arith.addi %mul3A_2, %add3A_9 : i32
    "tpu.region"() ({
      %run_scoped3A = tpu.sem_alloc : memref<!tpu.dma_semaphore, #tpu.memory_space<semaphore_mem>>
      %dma_start3A_129 = tpu.memref_slice %arg2[%add3A_10] : memref<65536xi32, #tpu.memory_space<hbm>> -> memref<128xi32, #tpu.memory_space<hbm>>
      %dma_start3A_130 = tpu.memref_slice %arg2[%add3A_10] : memref<65536xi32, #tpu.memory_space<hbm>> -> memref<128xi32, #tpu.memory_space<hbm>>
      tpu.enqueue_dma source(%dma_start3A_130 : memref<128xi32, #tpu.memory_space<hbm>>) target(%arg5 : memref<128xi32, #tpu.memory_space<vmem>>) target_semaphore(%run_scoped3A : memref<!tpu.dma_semaphore, #tpu.memory_space<semaphore_mem>>)
      %dma_wait3A_131 = tpu.memref_slice %arg2[%add3A_10] : memref<65536xi32, #tpu.memory_space<hbm>> -> memref<128xi32, #tpu.memory_space<hbm>>
      %dma_wait3A_132 = tpu.memref_slice %arg2[%add3A_10] : memref<65536xi32, #tpu.memory_space<hbm>> -> memref<128xi32, #tpu.memory_space<hbm>>
      tpu.wait_dma2 semaphore(%run_scoped3A : memref<!tpu.dma_semaphore, #tpu.memory_space<semaphore_mem>>) src(%dma_wait3A_132 : memref<128xi32, #tpu.memory_space<hbm>>) dst(%arg5 : memref<128xi32, #tpu.memory_space<vmem>>)
      tpu.yield
    }) : () -> ()
    %dma_start3A_11 = arith.constant 0 : i32
    %dma_start3A_12 = arith.constant 0 : i32
    %dma_start3A_13 = tpu.memref_slice %arg3[%dma_start3A_11, %dma_start3A_12] : memref<16384x128xf32, #tpu.memory_space<hbm>> -> memref<16384x128xf32, #tpu.memory_space<hbm>>
    tpu.enqueue_indirect_dma source(%dma_start3A_13 : memref<16384x128xf32, #tpu.memory_space<hbm>>) target(%arg6 : memref<128x128xf32, #tpu.memory_space<vmem>>) offsets(%arg5 : memref<128xi32, #tpu.memory_space<vmem>>) semaphore(%arg7 : memref<!tpu.dma_semaphore, #tpu.memory_space<semaphore_mem>>)
    %dma_wait3A_14 = arith.constant 0 : i32
    %dma_wait3A_15 = arith.constant 0 : i32
    %dma_wait3A_16 = tpu.memref_slice %arg3[%dma_wait3A_14, %dma_wait3A_15] : memref<16384x128xf32, #tpu.memory_space<hbm>> -> memref<16384x128xf32, #tpu.memory_space<hbm>>
    tpu.wait_indirect_dma semaphore(%arg7 : memref<!tpu.dma_semaphore, #tpu.memory_space<semaphore_mem>>) src(%dma_wait3A_16 : memref<16384x128xf32, #tpu.memory_space<hbm>>) dst(%arg6 : memref<128x128xf32, #tpu.memory_space<vmem>>)
    "tpu.region"() ({
      %run_scoped3A = tpu.sem_alloc : memref<!tpu.dma_semaphore, #tpu.memory_space<semaphore_mem>>
      %dma_start3A_129 = arith.constant 0 : i32
      %dma_start3A_130 = tpu.memref_slice %arg4[%add3A_10, %dma_start3A_129] : memref<65536x128xf32, #tpu.memory_space<hbm>> -> memref<128x128xf32, #tpu.memory_space<hbm>>
      %dma_start3A_131 = arith.constant 0 : i32
      %dma_start3A_132 = tpu.memref_slice %arg4[%add3A_10, %dma_start3A_131] : memref<65536x128xf32, #tpu.memory_space<hbm>> -> memref<128x128xf32, #tpu.memory_space<hbm>>
      tpu.enqueue_dma source(%arg6 : memref<128x128xf32, #tpu.memory_space<vmem>>) target(%dma_start3A_132 : memref<128x128xf32, #tpu.memory_space<hbm>>) target_semaphore(%run_scoped3A : memref<!tpu.dma_semaphore, #tpu.memory_space<semaphore_mem>>)
      %dma_wait3A_133 = arith.constant 0 : i32
      %dma_wait3A_134 = tpu.memref_slice %arg4[%add3A_10, %dma_wait3A_133] : memref<65536x128xf32, #tpu.memory_space<hbm>> -> memref<128x128xf32, #tpu.memory_space<hbm>>
      %dma_wait3A_135 = arith.constant 0 : i32
      %dma_wait3A_136 = tpu.memref_slice %arg4[%add3A_10, %dma_wait3A_135] : memref<65536x128xf32, #tpu.memory_space<hbm>> -> memref<128x128xf32, #tpu.memory_space<hbm>>
      tpu.wait_dma2 semaphore(%run_scoped3A : memref<!tpu.dma_semaphore, #tpu.memory_space<semaphore_mem>>) src(%arg6 : memref<128x128xf32, #tpu.memory_space<vmem>>) dst(%dma_wait3A_136 : memref<128x128xf32, #tpu.memory_space<hbm>>)
      tpu.yield
    }) : () -> ()
    %add3A_17 = arith.constant 256 : i32
    %add3A_18 = arith.addi %mul3A_2, %add3A_17 : i32
    "tpu.region"() ({
      %run_scoped3A = tpu.sem_alloc : memref<!tpu.dma_semaphore, #tpu.memory_space<semaphore_mem>>
      %dma_start3A_129 = tpu.memref_slice %arg2[%add3A_18] : memref<65536xi32, #tpu.memory_space<hbm>> -> memref<128xi32, #tpu.memory_space<hbm>>
      %dma_start3A_130 = tpu.memref_slice %arg2[%add3A_18] : memref<65536xi32, #tpu.memory_space<hbm>> -> memref<128xi32, #tpu.memory_space<hbm>>
      tpu.enqueue_dma source(%dma_start3A_130 : memref<128xi32, #tpu.memory_space<hbm>>) target(%arg5 : memref<128xi32, #tpu.memory_space<vmem>>) target_semaphore(%run_scoped3A : memref<!tpu.dma_semaphore, #tpu.memory_space<semaphore_mem>>)
      %dma_wait3A_131 = tpu.memref_slice %arg2[%add3A_18] : memref<65536xi32, #tpu.memory_space<hbm>> -> memref<128xi32, #tpu.memory_space<hbm>>
      %dma_wait3A_132 = tpu.memref_slice %arg2[%add3A_18] : memref<65536xi32, #tpu.memory_space<hbm>> -> memref<128xi32, #tpu.memory_space<hbm>>
      tpu.wait_dma2 semaphore(%run_scoped3A : memref<!tpu.dma_semaphore, #tpu.memory_space<semaphore_mem>>) src(%dma_wait3A_132 : memref<128xi32, #tpu.memory_space<hbm>>) dst(%arg5 : memref<128xi32, #tpu.memory_space<vmem>>)
      tpu.yield
    }) : () -> ()
    %dma_start3A_19 = arith.constant 0 : i32
    %dma_start3A_20 = arith.constant 0 : i32
    %dma_start3A_21 = tpu.memref_slice %arg3[%dma_start3A_19, %dma_start3A_20] : memref<16384x128xf32, #tpu.memory_space<hbm>> -> memref<16384x128xf32, #tpu.memory_space<hbm>>
    tpu.enqueue_indirect_dma source(%dma_start3A_21 : memref<16384x128xf32, #tpu.memory_space<hbm>>) target(%arg6 : memref<128x128xf32, #tpu.memory_space<vmem>>) offsets(%arg5 : memref<128xi32, #tpu.memory_space<vmem>>) semaphore(%arg7 : memref<!tpu.dma_semaphore, #tpu.memory_space<semaphore_mem>>)
    %dma_wait3A_22 = arith.constant 0 : i32
    %dma_wait3A_23 = arith.constant 0 : i32
    %dma_wait3A_24 = tpu.memref_slice %arg3[%dma_wait3A_22, %dma_wait3A_23] : memref<16384x128xf32, #tpu.memory_space<hbm>> -> memref<16384x128xf32, #tpu.memory_space<hbm>>
    tpu.wait_indirect_dma semaphore(%arg7 : memref<!tpu.dma_semaphore, #tpu.memory_space<semaphore_mem>>) src(%dma_wait3A_24 : memref<16384x128xf32, #tpu.memory_space<hbm>>) dst(%arg6 : memref<128x128xf32, #tpu.memory_space<vmem>>)
    "tpu.region"() ({
      %run_scoped3A = tpu.sem_alloc : memref<!tpu.dma_semaphore, #tpu.memory_space<semaphore_mem>>
      %dma_start3A_129 = arith.constant 0 : i32
      %dma_start3A_130 = tpu.memref_slice %arg4[%add3A_18, %dma_start3A_129] : memref<65536x128xf32, #tpu.memory_space<hbm>> -> memref<128x128xf32, #tpu.memory_space<hbm>>
      %dma_start3A_131 = arith.constant 0 : i32
      %dma_start3A_132 = tpu.memref_slice %arg4[%add3A_18, %dma_start3A_131] : memref<65536x128xf32, #tpu.memory_space<hbm>> -> memref<128x128xf32, #tpu.memory_space<hbm>>
      tpu.enqueue_dma source(%arg6 : memref<128x128xf32, #tpu.memory_space<vmem>>) target(%dma_start3A_132 : memref<128x128xf32, #tpu.memory_space<hbm>>) target_semaphore(%run_scoped3A : memref<!tpu.dma_semaphore, #tpu.memory_space<semaphore_mem>>)
      %dma_wait3A_133 = arith.constant 0 : i32
      %dma_wait3A_134 = tpu.memref_slice %arg4[%add3A_18, %dma_wait3A_133] : memref<65536x128xf32, #tpu.memory_space<hbm>> -> memref<128x128xf32, #tpu.memory_space<hbm>>
      %dma_wait3A_135 = arith.constant 0 : i32
      %dma_wait3A_136 = tpu.memref_slice %arg4[%add3A_18, %dma_wait3A_135] : memref<65536x128xf32, #tpu.memory_space<hbm>> -> memref<128x128xf32, #tpu.memory_space<hbm>>
      tpu.wait_dma2 semaphore(%run_scoped3A : memref<!tpu.dma_semaphore, #tpu.memory_space<semaphore_mem>>) src(%arg6 : memref<128x128xf32, #tpu.memory_space<vmem>>) dst(%dma_wait3A_136 : memref<128x128xf32, #tpu.memory_space<hbm>>)
      tpu.yield
    }) : () -> ()
    %add3A_25 = arith.constant 384 : i32
    %add3A_26 = arith.addi %mul3A_2, %add3A_25 : i32
    "tpu.region"() ({
      %run_scoped3A = tpu.sem_alloc : memref<!tpu.dma_semaphore, #tpu.memory_space<semaphore_mem>>
      %dma_start3A_129 = tpu.memref_slice %arg2[%add3A_26] : memref<65536xi32, #tpu.memory_space<hbm>> -> memref<128xi32, #tpu.memory_space<hbm>>
      %dma_start3A_130 = tpu.memref_slice %arg2[%add3A_26] : memref<65536xi32, #tpu.memory_space<hbm>> -> memref<128xi32, #tpu.memory_space<hbm>>
      tpu.enqueue_dma source(%dma_start3A_130 : memref<128xi32, #tpu.memory_space<hbm>>) target(%arg5 : memref<128xi32, #tpu.memory_space<vmem>>) target_semaphore(%run_scoped3A : memref<!tpu.dma_semaphore, #tpu.memory_space<semaphore_mem>>)
      %dma_wait3A_131 = tpu.memref_slice %arg2[%add3A_26] : memref<65536xi32, #tpu.memory_space<hbm>> -> memref<128xi32, #tpu.memory_space<hbm>>
      %dma_wait3A_132 = tpu.memref_slice %arg2[%add3A_26] : memref<65536xi32, #tpu.memory_space<hbm>> -> memref<128xi32, #tpu.memory_space<hbm>>
      tpu.wait_dma2 semaphore(%run_scoped3A : memref<!tpu.dma_semaphore, #tpu.memory_space<semaphore_mem>>) src(%dma_wait3A_132 : memref<128xi32, #tpu.memory_space<hbm>>) dst(%arg5 : memref<128xi32, #tpu.memory_space<vmem>>)
      tpu.yield
    }) : () -> ()
    %dma_start3A_27 = arith.constant 0 : i32
    %dma_start3A_28 = arith.constant 0 : i32
    %dma_start3A_29 = tpu.memref_slice %arg3[%dma_start3A_27, %dma_start3A_28] : memref<16384x128xf32, #tpu.memory_space<hbm>> -> memref<16384x128xf32, #tpu.memory_space<hbm>>
    tpu.enqueue_indirect_dma source(%dma_start3A_29 : memref<16384x128xf32, #tpu.memory_space<hbm>>) target(%arg6 : memref<128x128xf32, #tpu.memory_space<vmem>>) offsets(%arg5 : memref<128xi32, #tpu.memory_space<vmem>>) semaphore(%arg7 : memref<!tpu.dma_semaphore, #tpu.memory_space<semaphore_mem>>)
    %dma_wait3A_30 = arith.constant 0 : i32
    %dma_wait3A_31 = arith.constant 0 : i32
    %dma_wait3A_32 = tpu.memref_slice %arg3[%dma_wait3A_30, %dma_wait3A_31] : memref<16384x128xf32, #tpu.memory_space<hbm>> -> memref<16384x128xf32, #tpu.memory_space<hbm>>
    tpu.wait_indirect_dma semaphore(%arg7 : memref<!tpu.dma_semaphore, #tpu.memory_space<semaphore_mem>>) src(%dma_wait3A_32 : memref<16384x128xf32, #tpu.memory_space<hbm>>) dst(%arg6 : memref<128x128xf32, #tpu.memory_space<vmem>>)
    "tpu.region"() ({
      %run_scoped3A = tpu.sem_alloc : memref<!tpu.dma_semaphore, #tpu.memory_space<semaphore_mem>>
      %dma_start3A_129 = arith.constant 0 : i32
      %dma_start3A_130 = tpu.memref_slice %arg4[%add3A_26, %dma_start3A_129] : memref<65536x128xf32, #tpu.memory_space<hbm>> -> memref<128x128xf32, #tpu.memory_space<hbm>>
      %dma_start3A_131 = arith.constant 0 : i32
      %dma_start3A_132 = tpu.memref_slice %arg4[%add3A_26, %dma_start3A_131] : memref<65536x128xf32, #tpu.memory_space<hbm>> -> memref<128x128xf32, #tpu.memory_space<hbm>>
      tpu.enqueue_dma source(%arg6 : memref<128x128xf32, #tpu.memory_space<vmem>>) target(%dma_start3A_132 : memref<128x128xf32, #tpu.memory_space<hbm>>) target_semaphore(%run_scoped3A : memref<!tpu.dma_semaphore, #tpu.memory_space<semaphore_mem>>)
      %dma_wait3A_133 = arith.constant 0 : i32
      %dma_wait3A_134 = tpu.memref_slice %arg4[%add3A_26, %dma_wait3A_133] : memref<65536x128xf32, #tpu.memory_space<hbm>> -> memref<128x128xf32, #tpu.memory_space<hbm>>
      %dma_wait3A_135 = arith.constant 0 : i32
      %dma_wait3A_136 = tpu.memref_slice %arg4[%add3A_26, %dma_wait3A_135] : memref<65536x128xf32, #tpu.memory_space<hbm>> -> memref<128x128xf32, #tpu.memory_space<hbm>>
      tpu.wait_dma2 semaphore(%run_scoped3A : memref<!tpu.dma_semaphore, #tpu.memory_space<semaphore_mem>>) src(%arg6 : memref<128x128xf32, #tpu.memory_space<vmem>>) dst(%dma_wait3A_136 : memref<128x128xf32, #tpu.memory_space<hbm>>)
      tpu.yield
    }) : () -> ()
    %add3A_33 = arith.constant 512 : i32
    %add3A_34 = arith.addi %mul3A_2, %add3A_33 : i32
    "tpu.region"() ({
      %run_scoped3A = tpu.sem_alloc : memref<!tpu.dma_semaphore, #tpu.memory_space<semaphore_mem>>
      %dma_start3A_129 = tpu.memref_slice %arg2[%add3A_34] : memref<65536xi32, #tpu.memory_space<hbm>> -> memref<128xi32, #tpu.memory_space<hbm>>
      %dma_start3A_130 = tpu.memref_slice %arg2[%add3A_34] : memref<65536xi32, #tpu.memory_space<hbm>> -> memref<128xi32, #tpu.memory_space<hbm>>
      tpu.enqueue_dma source(%dma_start3A_130 : memref<128xi32, #tpu.memory_space<hbm>>) target(%arg5 : memref<128xi32, #tpu.memory_space<vmem>>) target_semaphore(%run_scoped3A : memref<!tpu.dma_semaphore, #tpu.memory_space<semaphore_mem>>)
      %dma_wait3A_131 = tpu.memref_slice %arg2[%add3A_34] : memref<65536xi32, #tpu.memory_space<hbm>> -> memref<128xi32, #tpu.memory_space<hbm>>
      %dma_wait3A_132 = tpu.memref_slice %arg2[%add3A_34] : memref<65536xi32, #tpu.memory_space<hbm>> -> memref<128xi32, #tpu.memory_space<hbm>>
      tpu.wait_dma2 semaphore(%run_scoped3A : memref<!tpu.dma_semaphore, #tpu.memory_space<semaphore_mem>>) src(%dma_wait3A_132 : memref<128xi32, #tpu.memory_space<hbm>>) dst(%arg5 : memref<128xi32, #tpu.memory_space<vmem>>)
      tpu.yield
    }) : () -> ()
    %dma_start3A_35 = arith.constant 0 : i32
    %dma_start3A_36 = arith.constant 0 : i32
    %dma_start3A_37 = tpu.memref_slice %arg3[%dma_start3A_35, %dma_start3A_36] : memref<16384x128xf32, #tpu.memory_space<hbm>> -> memref<16384x128xf32, #tpu.memory_space<hbm>>
    tpu.enqueue_indirect_dma source(%dma_start3A_37 : memref<16384x128xf32, #tpu.memory_space<hbm>>) target(%arg6 : memref<128x128xf32, #tpu.memory_space<vmem>>) offsets(%arg5 : memref<128xi32, #tpu.memory_space<vmem>>) semaphore(%arg7 : memref<!tpu.dma_semaphore, #tpu.memory_space<semaphore_mem>>)
    %dma_wait3A_38 = arith.constant 0 : i32
    %dma_wait3A_39 = arith.constant 0 : i32
    %dma_wait3A_40 = tpu.memref_slice %arg3[%dma_wait3A_38, %dma_wait3A_39] : memref<16384x128xf32, #tpu.memory_space<hbm>> -> memref<16384x128xf32, #tpu.memory_space<hbm>>
    tpu.wait_indirect_dma semaphore(%arg7 : memref<!tpu.dma_semaphore, #tpu.memory_space<semaphore_mem>>) src(%dma_wait3A_40 : memref<16384x128xf32, #tpu.memory_space<hbm>>) dst(%arg6 : memref<128x128xf32, #tpu.memory_space<vmem>>)
    "tpu.region"() ({
      %run_scoped3A = tpu.sem_alloc : memref<!tpu.dma_semaphore, #tpu.memory_space<semaphore_mem>>
      %dma_start3A_129 = arith.constant 0 : i32
      %dma_start3A_130 = tpu.memref_slice %arg4[%add3A_34, %dma_start3A_129] : memref<65536x128xf32, #tpu.memory_space<hbm>> -> memref<128x128xf32, #tpu.memory_space<hbm>>
      %dma_start3A_131 = arith.constant 0 : i32
      %dma_start3A_132 = tpu.memref_slice %arg4[%add3A_34, %dma_start3A_131] : memref<65536x128xf32, #tpu.memory_space<hbm>> -> memref<128x128xf32, #tpu.memory_space<hbm>>
      tpu.enqueue_dma source(%arg6 : memref<128x128xf32, #tpu.memory_space<vmem>>) target(%dma_start3A_132 : memref<128x128xf32, #tpu.memory_space<hbm>>) target_semaphore(%run_scoped3A : memref<!tpu.dma_semaphore, #tpu.memory_space<semaphore_mem>>)
      %dma_wait3A_133 = arith.constant 0 : i32
      %dma_wait3A_134 = tpu.memref_slice %arg4[%add3A_34, %dma_wait3A_133] : memref<65536x128xf32, #tpu.memory_space<hbm>> -> memref<128x128xf32, #tpu.memory_space<hbm>>
      %dma_wait3A_135 = arith.constant 0 : i32
      %dma_wait3A_136 = tpu.memref_slice %arg4[%add3A_34, %dma_wait3A_135] : memref<65536x128xf32, #tpu.memory_space<hbm>> -> memref<128x128xf32, #tpu.memory_space<hbm>>
      tpu.wait_dma2 semaphore(%run_scoped3A : memref<!tpu.dma_semaphore, #tpu.memory_space<semaphore_mem>>) src(%arg6 : memref<128x128xf32, #tpu.memory_space<vmem>>) dst(%dma_wait3A_136 : memref<128x128xf32, #tpu.memory_space<hbm>>)
      tpu.yield
    }) : () -> ()
    %add3A_41 = arith.constant 640 : i32
    %add3A_42 = arith.addi %mul3A_2, %add3A_41 : i32
    "tpu.region"() ({
      %run_scoped3A = tpu.sem_alloc : memref<!tpu.dma_semaphore, #tpu.memory_space<semaphore_mem>>
      %dma_start3A_129 = tpu.memref_slice %arg2[%add3A_42] : memref<65536xi32, #tpu.memory_space<hbm>> -> memref<128xi32, #tpu.memory_space<hbm>>
      %dma_start3A_130 = tpu.memref_slice %arg2[%add3A_42] : memref<65536xi32, #tpu.memory_space<hbm>> -> memref<128xi32, #tpu.memory_space<hbm>>
      tpu.enqueue_dma source(%dma_start3A_130 : memref<128xi32, #tpu.memory_space<hbm>>) target(%arg5 : memref<128xi32, #tpu.memory_space<vmem>>) target_semaphore(%run_scoped3A : memref<!tpu.dma_semaphore, #tpu.memory_space<semaphore_mem>>)
      %dma_wait3A_131 = tpu.memref_slice %arg2[%add3A_42] : memref<65536xi32, #tpu.memory_space<hbm>> -> memref<128xi32, #tpu.memory_space<hbm>>
      %dma_wait3A_132 = tpu.memref_slice %arg2[%add3A_42] : memref<65536xi32, #tpu.memory_space<hbm>> -> memref<128xi32, #tpu.memory_space<hbm>>
      tpu.wait_dma2 semaphore(%run_scoped3A : memref<!tpu.dma_semaphore, #tpu.memory_space<semaphore_mem>>) src(%dma_wait3A_132 : memref<128xi32, #tpu.memory_space<hbm>>) dst(%arg5 : memref<128xi32, #tpu.memory_space<vmem>>)
      tpu.yield
    }) : () -> ()
    %dma_start3A_43 = arith.constant 0 : i32
    %dma_start3A_44 = arith.constant 0 : i32
    %dma_start3A_45 = tpu.memref_slice %arg3[%dma_start3A_43, %dma_start3A_44] : memref<16384x128xf32, #tpu.memory_space<hbm>> -> memref<16384x128xf32, #tpu.memory_space<hbm>>
    tpu.enqueue_indirect_dma source(%dma_start3A_45 : memref<16384x128xf32, #tpu.memory_space<hbm>>) target(%arg6 : memref<128x128xf32, #tpu.memory_space<vmem>>) offsets(%arg5 : memref<128xi32, #tpu.memory_space<vmem>>) semaphore(%arg7 : memref<!tpu.dma_semaphore, #tpu.memory_space<semaphore_mem>>)
    %dma_wait3A_46 = arith.constant 0 : i32
    %dma_wait3A_47 = arith.constant 0 : i32
    %dma_wait3A_48 = tpu.memref_slice %arg3[%dma_wait3A_46, %dma_wait3A_47] : memref<16384x128xf32, #tpu.memory_space<hbm>> -> memref<16384x128xf32, #tpu.memory_space<hbm>>
    tpu.wait_indirect_dma semaphore(%arg7 : memref<!tpu.dma_semaphore, #tpu.memory_space<semaphore_mem>>) src(%dma_wait3A_48 : memref<16384x128xf32, #tpu.memory_space<hbm>>) dst(%arg6 : memref<128x128xf32, #tpu.memory_space<vmem>>)
    "tpu.region"() ({
      %run_scoped3A = tpu.sem_alloc : memref<!tpu.dma_semaphore, #tpu.memory_space<semaphore_mem>>
      %dma_start3A_129 = arith.constant 0 : i32
      %dma_start3A_130 = tpu.memref_slice %arg4[%add3A_42, %dma_start3A_129] : memref<65536x128xf32, #tpu.memory_space<hbm>> -> memref<128x128xf32, #tpu.memory_space<hbm>>
      %dma_start3A_131 = arith.constant 0 : i32
      %dma_start3A_132 = tpu.memref_slice %arg4[%add3A_42, %dma_start3A_131] : memref<65536x128xf32, #tpu.memory_space<hbm>> -> memref<128x128xf32, #tpu.memory_space<hbm>>
      tpu.enqueue_dma source(%arg6 : memref<128x128xf32, #tpu.memory_space<vmem>>) target(%dma_start3A_132 : memref<128x128xf32, #tpu.memory_space<hbm>>) target_semaphore(%run_scoped3A : memref<!tpu.dma_semaphore, #tpu.memory_space<semaphore_mem>>)
      %dma_wait3A_133 = arith.constant 0 : i32
      %dma_wait3A_134 = tpu.memref_slice %arg4[%add3A_42, %dma_wait3A_133] : memref<65536x128xf32, #tpu.memory_space<hbm>> -> memref<128x128xf32, #tpu.memory_space<hbm>>
      %dma_wait3A_135 = arith.constant 0 : i32
      %dma_wait3A_136 = tpu.memref_slice %arg4[%add3A_42, %dma_wait3A_135] : memref<65536x128xf32, #tpu.memory_space<hbm>> -> memref<128x128xf32, #tpu.memory_space<hbm>>
      tpu.wait_dma2 semaphore(%run_scoped3A : memref<!tpu.dma_semaphore, #tpu.memory_space<semaphore_mem>>) src(%arg6 : memref<128x128xf32, #tpu.memory_space<vmem>>) dst(%dma_wait3A_136 : memref<128x128xf32, #tpu.memory_space<hbm>>)
      tpu.yield
    }) : () -> ()
    %add3A_49 = arith.constant 768 : i32
    %add3A_50 = arith.addi %mul3A_2, %add3A_49 : i32
    "tpu.region"() ({
      %run_scoped3A = tpu.sem_alloc : memref<!tpu.dma_semaphore, #tpu.memory_space<semaphore_mem>>
      %dma_start3A_129 = tpu.memref_slice %arg2[%add3A_50] : memref<65536xi32, #tpu.memory_space<hbm>> -> memref<128xi32, #tpu.memory_space<hbm>>
      %dma_start3A_130 = tpu.memref_slice %arg2[%add3A_50] : memref<65536xi32, #tpu.memory_space<hbm>> -> memref<128xi32, #tpu.memory_space<hbm>>
      tpu.enqueue_dma source(%dma_start3A_130 : memref<128xi32, #tpu.memory_space<hbm>>) target(%arg5 : memref<128xi32, #tpu.memory_space<vmem>>) target_semaphore(%run_scoped3A : memref<!tpu.dma_semaphore, #tpu.memory_space<semaphore_mem>>)
      %dma_wait3A_131 = tpu.memref_slice %arg2[%add3A_50] : memref<65536xi32, #tpu.memory_space<hbm>> -> memref<128xi32, #tpu.memory_space<hbm>>
      %dma_wait3A_132 = tpu.memref_slice %arg2[%add3A_50] : memref<65536xi32, #tpu.memory_space<hbm>> -> memref<128xi32, #tpu.memory_space<hbm>>
      tpu.wait_dma2 semaphore(%run_scoped3A : memref<!tpu.dma_semaphore, #tpu.memory_space<semaphore_mem>>) src(%dma_wait3A_132 : memref<128xi32, #tpu.memory_space<hbm>>) dst(%arg5 : memref<128xi32, #tpu.memory_space<vmem>>)
      tpu.yield
    }) : () -> ()
    %dma_start3A_51 = arith.constant 0 : i32
    %dma_start3A_52 = arith.constant 0 : i32
    %dma_start3A_53 = tpu.memref_slice %arg3[%dma_start3A_51, %dma_start3A_52] : memref<16384x128xf32, #tpu.memory_space<hbm>> -> memref<16384x128xf32, #tpu.memory_space<hbm>>
    tpu.enqueue_indirect_dma source(%dma_start3A_53 : memref<16384x128xf32, #tpu.memory_space<hbm>>) target(%arg6 : memref<128x128xf32, #tpu.memory_space<vmem>>) offsets(%arg5 : memref<128xi32, #tpu.memory_space<vmem>>) semaphore(%arg7 : memref<!tpu.dma_semaphore, #tpu.memory_space<semaphore_mem>>)
    %dma_wait3A_54 = arith.constant 0 : i32
    %dma_wait3A_55 = arith.constant 0 : i32
    %dma_wait3A_56 = tpu.memref_slice %arg3[%dma_wait3A_54, %dma_wait3A_55] : memref<16384x128xf32, #tpu.memory_space<hbm>> -> memref<16384x128xf32, #tpu.memory_space<hbm>>
    tpu.wait_indirect_dma semaphore(%arg7 : memref<!tpu.dma_semaphore, #tpu.memory_space<semaphore_mem>>) src(%dma_wait3A_56 : memref<16384x128xf32, #tpu.memory_space<hbm>>) dst(%arg6 : memref<128x128xf32, #tpu.memory_space<vmem>>)
    "tpu.region"() ({
      %run_scoped3A = tpu.sem_alloc : memref<!tpu.dma_semaphore, #tpu.memory_space<semaphore_mem>>
      %dma_start3A_129 = arith.constant 0 : i32
      %dma_start3A_130 = tpu.memref_slice %arg4[%add3A_50, %dma_start3A_129] : memref<65536x128xf32, #tpu.memory_space<hbm>> -> memref<128x128xf32, #tpu.memory_space<hbm>>
      %dma_start3A_131 = arith.constant 0 : i32
      %dma_start3A_132 = tpu.memref_slice %arg4[%add3A_50, %dma_start3A_131] : memref<65536x128xf32, #tpu.memory_space<hbm>> -> memref<128x128xf32, #tpu.memory_space<hbm>>
      tpu.enqueue_dma source(%arg6 : memref<128x128xf32, #tpu.memory_space<vmem>>) target(%dma_start3A_132 : memref<128x128xf32, #tpu.memory_space<hbm>>) target_semaphore(%run_scoped3A : memref<!tpu.dma_semaphore, #tpu.memory_space<semaphore_mem>>)
      %dma_wait3A_133 = arith.constant 0 : i32
      %dma_wait3A_134 = tpu.memref_slice %arg4[%add3A_50, %dma_wait3A_133] : memref<65536x128xf32, #tpu.memory_space<hbm>> -> memref<128x128xf32, #tpu.memory_space<hbm>>
      %dma_wait3A_135 = arith.constant 0 : i32
      %dma_wait3A_136 = tpu.memref_slice %arg4[%add3A_50, %dma_wait3A_135] : memref<65536x128xf32, #tpu.memory_space<hbm>> -> memref<128x128xf32, #tpu.memory_space<hbm>>
      tpu.wait_dma2 semaphore(%run_scoped3A : memref<!tpu.dma_semaphore, #tpu.memory_space<semaphore_mem>>) src(%arg6 : memref<128x128xf32, #tpu.memory_space<vmem>>) dst(%dma_wait3A_136 : memref<128x128xf32, #tpu.memory_space<hbm>>)
      tpu.yield
    }) : () -> ()
    %add3A_57 = arith.constant 896 : i32
    %add3A_58 = arith.addi %mul3A_2, %add3A_57 : i32
    "tpu.region"() ({
      %run_scoped3A = tpu.sem_alloc : memref<!tpu.dma_semaphore, #tpu.memory_space<semaphore_mem>>
      %dma_start3A_129 = tpu.memref_slice %arg2[%add3A_58] : memref<65536xi32, #tpu.memory_space<hbm>> -> memref<128xi32, #tpu.memory_space<hbm>>
      %dma_start3A_130 = tpu.memref_slice %arg2[%add3A_58] : memref<65536xi32, #tpu.memory_space<hbm>> -> memref<128xi32, #tpu.memory_space<hbm>>
      tpu.enqueue_dma source(%dma_start3A_130 : memref<128xi32, #tpu.memory_space<hbm>>) target(%arg5 : memref<128xi32, #tpu.memory_space<vmem>>) target_semaphore(%run_scoped3A : memref<!tpu.dma_semaphore, #tpu.memory_space<semaphore_mem>>)
      %dma_wait3A_131 = tpu.memref_slice %arg2[%add3A_58] : memref<65536xi32, #tpu.memory_space<hbm>> -> memref<128xi32, #tpu.memory_space<hbm>>
      %dma_wait3A_132 = tpu.memref_slice %arg2[%add3A_58] : memref<65536xi32, #tpu.memory_space<hbm>> -> memref<128xi32, #tpu.memory_space<hbm>>
      tpu.wait_dma2 semaphore(%run_scoped3A : memref<!tpu.dma_semaphore, #tpu.memory_space<semaphore_mem>>) src(%dma_wait3A_132 : memref<128xi32, #tpu.memory_space<hbm>>) dst(%arg5 : memref<128xi32, #tpu.memory_space<vmem>>)
      tpu.yield
    }) : () -> ()
    %dma_start3A_59 = arith.constant 0 : i32
    %dma_start3A_60 = arith.constant 0 : i32
    %dma_start3A_61 = tpu.memref_slice %arg3[%dma_start3A_59, %dma_start3A_60] : memref<16384x128xf32, #tpu.memory_space<hbm>> -> memref<16384x128xf32, #tpu.memory_space<hbm>>
    tpu.enqueue_indirect_dma source(%dma_start3A_61 : memref<16384x128xf32, #tpu.memory_space<hbm>>) target(%arg6 : memref<128x128xf32, #tpu.memory_space<vmem>>) offsets(%arg5 : memref<128xi32, #tpu.memory_space<vmem>>) semaphore(%arg7 : memref<!tpu.dma_semaphore, #tpu.memory_space<semaphore_mem>>)
    %dma_wait3A_62 = arith.constant 0 : i32
    %dma_wait3A_63 = arith.constant 0 : i32
    %dma_wait3A_64 = tpu.memref_slice %arg3[%dma_wait3A_62, %dma_wait3A_63] : memref<16384x128xf32, #tpu.memory_space<hbm>> -> memref<16384x128xf32, #tpu.memory_space<hbm>>
    tpu.wait_indirect_dma semaphore(%arg7 : memref<!tpu.dma_semaphore, #tpu.memory_space<semaphore_mem>>) src(%dma_wait3A_64 : memref<16384x128xf32, #tpu.memory_space<hbm>>) dst(%arg6 : memref<128x128xf32, #tpu.memory_space<vmem>>)
    "tpu.region"() ({
      %run_scoped3A = tpu.sem_alloc : memref<!tpu.dma_semaphore, #tpu.memory_space<semaphore_mem>>
      %dma_start3A_129 = arith.constant 0 : i32
      %dma_start3A_130 = tpu.memref_slice %arg4[%add3A_58, %dma_start3A_129] : memref<65536x128xf32, #tpu.memory_space<hbm>> -> memref<128x128xf32, #tpu.memory_space<hbm>>
      %dma_start3A_131 = arith.constant 0 : i32
      %dma_start3A_132 = tpu.memref_slice %arg4[%add3A_58, %dma_start3A_131] : memref<65536x128xf32, #tpu.memory_space<hbm>> -> memref<128x128xf32, #tpu.memory_space<hbm>>
      tpu.enqueue_dma source(%arg6 : memref<128x128xf32, #tpu.memory_space<vmem>>) target(%dma_start3A_132 : memref<128x128xf32, #tpu.memory_space<hbm>>) target_semaphore(%run_scoped3A : memref<!tpu.dma_semaphore, #tpu.memory_space<semaphore_mem>>)
      %dma_wait3A_133 = arith.constant 0 : i32
      %dma_wait3A_134 = tpu.memref_slice %arg4[%add3A_58, %dma_wait3A_133] : memref<65536x128xf32, #tpu.memory_space<hbm>> -> memref<128x128xf32, #tpu.memory_space<hbm>>
      %dma_wait3A_135 = arith.constant 0 : i32
      %dma_wait3A_136 = tpu.memref_slice %arg4[%add3A_58, %dma_wait3A_135] : memref<65536x128xf32, #tpu.memory_space<hbm>> -> memref<128x128xf32, #tpu.memory_space<hbm>>
      tpu.wait_dma2 semaphore(%run_scoped3A : memref<!tpu.dma_semaphore, #tpu.memory_space<semaphore_mem>>) src(%arg6 : memref<128x128xf32, #tpu.memory_space<vmem>>) dst(%dma_wait3A_136 : memref<128x128xf32, #tpu.memory_space<hbm>>)
      tpu.yield
    }) : () -> ()
    %add3A_65 = arith.constant 1024 : i32
    %add3A_66 = arith.addi %mul3A_2, %add3A_65 : i32
    "tpu.region"() ({
      %run_scoped3A = tpu.sem_alloc : memref<!tpu.dma_semaphore, #tpu.memory_space<semaphore_mem>>
      %dma_start3A_129 = tpu.memref_slice %arg2[%add3A_66] : memref<65536xi32, #tpu.memory_space<hbm>> -> memref<128xi32, #tpu.memory_space<hbm>>
      %dma_start3A_130 = tpu.memref_slice %arg2[%add3A_66] : memref<65536xi32, #tpu.memory_space<hbm>> -> memref<128xi32, #tpu.memory_space<hbm>>
      tpu.enqueue_dma source(%dma_start3A_130 : memref<128xi32, #tpu.memory_space<hbm>>) target(%arg5 : memref<128xi32, #tpu.memory_space<vmem>>) target_semaphore(%run_scoped3A : memref<!tpu.dma_semaphore, #tpu.memory_space<semaphore_mem>>)
      %dma_wait3A_131 = tpu.memref_slice %arg2[%add3A_66] : memref<65536xi32, #tpu.memory_space<hbm>> -> memref<128xi32, #tpu.memory_space<hbm>>
      %dma_wait3A_132 = tpu.memref_slice %arg2[%add3A_66] : memref<65536xi32, #tpu.memory_space<hbm>> -> memref<128xi32, #tpu.memory_space<hbm>>
      tpu.wait_dma2 semaphore(%run_scoped3A : memref<!tpu.dma_semaphore, #tpu.memory_space<semaphore_mem>>) src(%dma_wait3A_132 : memref<128xi32, #tpu.memory_space<hbm>>) dst(%arg5 : memref<128xi32, #tpu.memory_space<vmem>>)
      tpu.yield
    }) : () -> ()
    %dma_start3A_67 = arith.constant 0 : i32
    %dma_start3A_68 = arith.constant 0 : i32
    %dma_start3A_69 = tpu.memref_slice %arg3[%dma_start3A_67, %dma_start3A_68] : memref<16384x128xf32, #tpu.memory_space<hbm>> -> memref<16384x128xf32, #tpu.memory_space<hbm>>
    tpu.enqueue_indirect_dma source(%dma_start3A_69 : memref<16384x128xf32, #tpu.memory_space<hbm>>) target(%arg6 : memref<128x128xf32, #tpu.memory_space<vmem>>) offsets(%arg5 : memref<128xi32, #tpu.memory_space<vmem>>) semaphore(%arg7 : memref<!tpu.dma_semaphore, #tpu.memory_space<semaphore_mem>>)
    %dma_wait3A_70 = arith.constant 0 : i32
    %dma_wait3A_71 = arith.constant 0 : i32
    %dma_wait3A_72 = tpu.memref_slice %arg3[%dma_wait3A_70, %dma_wait3A_71] : memref<16384x128xf32, #tpu.memory_space<hbm>> -> memref<16384x128xf32, #tpu.memory_space<hbm>>
    tpu.wait_indirect_dma semaphore(%arg7 : memref<!tpu.dma_semaphore, #tpu.memory_space<semaphore_mem>>) src(%dma_wait3A_72 : memref<16384x128xf32, #tpu.memory_space<hbm>>) dst(%arg6 : memref<128x128xf32, #tpu.memory_space<vmem>>)
    "tpu.region"() ({
      %run_scoped3A = tpu.sem_alloc : memref<!tpu.dma_semaphore, #tpu.memory_space<semaphore_mem>>
      %dma_start3A_129 = arith.constant 0 : i32
      %dma_start3A_130 = tpu.memref_slice %arg4[%add3A_66, %dma_start3A_129] : memref<65536x128xf32, #tpu.memory_space<hbm>> -> memref<128x128xf32, #tpu.memory_space<hbm>>
      %dma_start3A_131 = arith.constant 0 : i32
      %dma_start3A_132 = tpu.memref_slice %arg4[%add3A_66, %dma_start3A_131] : memref<65536x128xf32, #tpu.memory_space<hbm>> -> memref<128x128xf32, #tpu.memory_space<hbm>>
      tpu.enqueue_dma source(%arg6 : memref<128x128xf32, #tpu.memory_space<vmem>>) target(%dma_start3A_132 : memref<128x128xf32, #tpu.memory_space<hbm>>) target_semaphore(%run_scoped3A : memref<!tpu.dma_semaphore, #tpu.memory_space<semaphore_mem>>)
      %dma_wait3A_133 = arith.constant 0 : i32
      %dma_wait3A_134 = tpu.memref_slice %arg4[%add3A_66, %dma_wait3A_133] : memref<65536x128xf32, #tpu.memory_space<hbm>> -> memref<128x128xf32, #tpu.memory_space<hbm>>
      %dma_wait3A_135 = arith.constant 0 : i32
      %dma_wait3A_136 = tpu.memref_slice %arg4[%add3A_66, %dma_wait3A_135] : memref<65536x128xf32, #tpu.memory_space<hbm>> -> memref<128x128xf32, #tpu.memory_space<hbm>>
      tpu.wait_dma2 semaphore(%run_scoped3A : memref<!tpu.dma_semaphore, #tpu.memory_space<semaphore_mem>>) src(%arg6 : memref<128x128xf32, #tpu.memory_space<vmem>>) dst(%dma_wait3A_136 : memref<128x128xf32, #tpu.memory_space<hbm>>)
      tpu.yield
    }) : () -> ()
    %add3A_73 = arith.constant 1152 : i32
    %add3A_74 = arith.addi %mul3A_2, %add3A_73 : i32
    "tpu.region"() ({
      %run_scoped3A = tpu.sem_alloc : memref<!tpu.dma_semaphore, #tpu.memory_space<semaphore_mem>>
      %dma_start3A_129 = tpu.memref_slice %arg2[%add3A_74] : memref<65536xi32, #tpu.memory_space<hbm>> -> memref<128xi32, #tpu.memory_space<hbm>>
      %dma_start3A_130 = tpu.memref_slice %arg2[%add3A_74] : memref<65536xi32, #tpu.memory_space<hbm>> -> memref<128xi32, #tpu.memory_space<hbm>>
      tpu.enqueue_dma source(%dma_start3A_130 : memref<128xi32, #tpu.memory_space<hbm>>) target(%arg5 : memref<128xi32, #tpu.memory_space<vmem>>) target_semaphore(%run_scoped3A : memref<!tpu.dma_semaphore, #tpu.memory_space<semaphore_mem>>)
      %dma_wait3A_131 = tpu.memref_slice %arg2[%add3A_74] : memref<65536xi32, #tpu.memory_space<hbm>> -> memref<128xi32, #tpu.memory_space<hbm>>
      %dma_wait3A_132 = tpu.memref_slice %arg2[%add3A_74] : memref<65536xi32, #tpu.memory_space<hbm>> -> memref<128xi32, #tpu.memory_space<hbm>>
      tpu.wait_dma2 semaphore(%run_scoped3A : memref<!tpu.dma_semaphore, #tpu.memory_space<semaphore_mem>>) src(%dma_wait3A_132 : memref<128xi32, #tpu.memory_space<hbm>>) dst(%arg5 : memref<128xi32, #tpu.memory_space<vmem>>)
      tpu.yield
    }) : () -> ()
    %dma_start3A_75 = arith.constant 0 : i32
    %dma_start3A_76 = arith.constant 0 : i32
    %dma_start3A_77 = tpu.memref_slice %arg3[%dma_start3A_75, %dma_start3A_76] : memref<16384x128xf32, #tpu.memory_space<hbm>> -> memref<16384x128xf32, #tpu.memory_space<hbm>>
    tpu.enqueue_indirect_dma source(%dma_start3A_77 : memref<16384x128xf32, #tpu.memory_space<hbm>>) target(%arg6 : memref<128x128xf32, #tpu.memory_space<vmem>>) offsets(%arg5 : memref<128xi32, #tpu.memory_space<vmem>>) semaphore(%arg7 : memref<!tpu.dma_semaphore, #tpu.memory_space<semaphore_mem>>)
    %dma_wait3A_78 = arith.constant 0 : i32
    %dma_wait3A_79 = arith.constant 0 : i32
    %dma_wait3A_80 = tpu.memref_slice %arg3[%dma_wait3A_78, %dma_wait3A_79] : memref<16384x128xf32, #tpu.memory_space<hbm>> -> memref<16384x128xf32, #tpu.memory_space<hbm>>
    tpu.wait_indirect_dma semaphore(%arg7 : memref<!tpu.dma_semaphore, #tpu.memory_space<semaphore_mem>>) src(%dma_wait3A_80 : memref<16384x128xf32, #tpu.memory_space<hbm>>) dst(%arg6 : memref<128x128xf32, #tpu.memory_space<vmem>>)
    "tpu.region"() ({
      %run_scoped3A = tpu.sem_alloc : memref<!tpu.dma_semaphore, #tpu.memory_space<semaphore_mem>>
      %dma_start3A_129 = arith.constant 0 : i32
      %dma_start3A_130 = tpu.memref_slice %arg4[%add3A_74, %dma_start3A_129] : memref<65536x128xf32, #tpu.memory_space<hbm>> -> memref<128x128xf32, #tpu.memory_space<hbm>>
      %dma_start3A_131 = arith.constant 0 : i32
      %dma_start3A_132 = tpu.memref_slice %arg4[%add3A_74, %dma_start3A_131] : memref<65536x128xf32, #tpu.memory_space<hbm>> -> memref<128x128xf32, #tpu.memory_space<hbm>>
      tpu.enqueue_dma source(%arg6 : memref<128x128xf32, #tpu.memory_space<vmem>>) target(%dma_start3A_132 : memref<128x128xf32, #tpu.memory_space<hbm>>) target_semaphore(%run_scoped3A : memref<!tpu.dma_semaphore, #tpu.memory_space<semaphore_mem>>)
      %dma_wait3A_133 = arith.constant 0 : i32
      %dma_wait3A_134 = tpu.memref_slice %arg4[%add3A_74, %dma_wait3A_133] : memref<65536x128xf32, #tpu.memory_space<hbm>> -> memref<128x128xf32, #tpu.memory_space<hbm>>
      %dma_wait3A_135 = arith.constant 0 : i32
      %dma_wait3A_136 = tpu.memref_slice %arg4[%add3A_74, %dma_wait3A_135] : memref<65536x128xf32, #tpu.memory_space<hbm>> -> memref<128x128xf32, #tpu.memory_space<hbm>>
      tpu.wait_dma2 semaphore(%run_scoped3A : memref<!tpu.dma_semaphore, #tpu.memory_space<semaphore_mem>>) src(%arg6 : memref<128x128xf32, #tpu.memory_space<vmem>>) dst(%dma_wait3A_136 : memref<128x128xf32, #tpu.memory_space<hbm>>)
      tpu.yield
    }) : () -> ()
    %add3A_81 = arith.constant 1280 : i32
    %add3A_82 = arith.addi %mul3A_2, %add3A_81 : i32
    "tpu.region"() ({
      %run_scoped3A = tpu.sem_alloc : memref<!tpu.dma_semaphore, #tpu.memory_space<semaphore_mem>>
      %dma_start3A_129 = tpu.memref_slice %arg2[%add3A_82] : memref<65536xi32, #tpu.memory_space<hbm>> -> memref<128xi32, #tpu.memory_space<hbm>>
      %dma_start3A_130 = tpu.memref_slice %arg2[%add3A_82] : memref<65536xi32, #tpu.memory_space<hbm>> -> memref<128xi32, #tpu.memory_space<hbm>>
      tpu.enqueue_dma source(%dma_start3A_130 : memref<128xi32, #tpu.memory_space<hbm>>) target(%arg5 : memref<128xi32, #tpu.memory_space<vmem>>) target_semaphore(%run_scoped3A : memref<!tpu.dma_semaphore, #tpu.memory_space<semaphore_mem>>)
      %dma_wait3A_131 = tpu.memref_slice %arg2[%add3A_82] : memref<65536xi32, #tpu.memory_space<hbm>> -> memref<128xi32, #tpu.memory_space<hbm>>
      %dma_wait3A_132 = tpu.memref_slice %arg2[%add3A_82] : memref<65536xi32, #tpu.memory_space<hbm>> -> memref<128xi32, #tpu.memory_space<hbm>>
      tpu.wait_dma2 semaphore(%run_scoped3A : memref<!tpu.dma_semaphore, #tpu.memory_space<semaphore_mem>>) src(%dma_wait3A_132 : memref<128xi32, #tpu.memory_space<hbm>>) dst(%arg5 : memref<128xi32, #tpu.memory_space<vmem>>)
      tpu.yield
    }) : () -> ()
    %dma_start3A_83 = arith.constant 0 : i32
    %dma_start3A_84 = arith.constant 0 : i32
    %dma_start3A_85 = tpu.memref_slice %arg3[%dma_start3A_83, %dma_start3A_84] : memref<16384x128xf32, #tpu.memory_space<hbm>> -> memref<16384x128xf32, #tpu.memory_space<hbm>>
    tpu.enqueue_indirect_dma source(%dma_start3A_85 : memref<16384x128xf32, #tpu.memory_space<hbm>>) target(%arg6 : memref<128x128xf32, #tpu.memory_space<vmem>>) offsets(%arg5 : memref<128xi32, #tpu.memory_space<vmem>>) semaphore(%arg7 : memref<!tpu.dma_semaphore, #tpu.memory_space<semaphore_mem>>)
    %dma_wait3A_86 = arith.constant 0 : i32
    %dma_wait3A_87 = arith.constant 0 : i32
    %dma_wait3A_88 = tpu.memref_slice %arg3[%dma_wait3A_86, %dma_wait3A_87] : memref<16384x128xf32, #tpu.memory_space<hbm>> -> memref<16384x128xf32, #tpu.memory_space<hbm>>
    tpu.wait_indirect_dma semaphore(%arg7 : memref<!tpu.dma_semaphore, #tpu.memory_space<semaphore_mem>>) src(%dma_wait3A_88 : memref<16384x128xf32, #tpu.memory_space<hbm>>) dst(%arg6 : memref<128x128xf32, #tpu.memory_space<vmem>>)
    "tpu.region"() ({
      %run_scoped3A = tpu.sem_alloc : memref<!tpu.dma_semaphore, #tpu.memory_space<semaphore_mem>>
      %dma_start3A_129 = arith.constant 0 : i32
      %dma_start3A_130 = tpu.memref_slice %arg4[%add3A_82, %dma_start3A_129] : memref<65536x128xf32, #tpu.memory_space<hbm>> -> memref<128x128xf32, #tpu.memory_space<hbm>>
      %dma_start3A_131 = arith.constant 0 : i32
      %dma_start3A_132 = tpu.memref_slice %arg4[%add3A_82, %dma_start3A_131] : memref<65536x128xf32, #tpu.memory_space<hbm>> -> memref<128x128xf32, #tpu.memory_space<hbm>>
      tpu.enqueue_dma source(%arg6 : memref<128x128xf32, #tpu.memory_space<vmem>>) target(%dma_start3A_132 : memref<128x128xf32, #tpu.memory_space<hbm>>) target_semaphore(%run_scoped3A : memref<!tpu.dma_semaphore, #tpu.memory_space<semaphore_mem>>)
      %dma_wait3A_133 = arith.constant 0 : i32
      %dma_wait3A_134 = tpu.memref_slice %arg4[%add3A_82, %dma_wait3A_133] : memref<65536x128xf32, #tpu.memory_space<hbm>> -> memref<128x128xf32, #tpu.memory_space<hbm>>
      %dma_wait3A_135 = arith.constant 0 : i32
      %dma_wait3A_136 = tpu.memref_slice %arg4[%add3A_82, %dma_wait3A_135] : memref<65536x128xf32, #tpu.memory_space<hbm>> -> memref<128x128xf32, #tpu.memory_space<hbm>>
      tpu.wait_dma2 semaphore(%run_scoped3A : memref<!tpu.dma_semaphore, #tpu.memory_space<semaphore_mem>>) src(%arg6 : memref<128x128xf32, #tpu.memory_space<vmem>>) dst(%dma_wait3A_136 : memref<128x128xf32, #tpu.memory_space<hbm>>)
      tpu.yield
    }) : () -> ()
    %add3A_89 = arith.constant 1408 : i32
    %add3A_90 = arith.addi %mul3A_2, %add3A_89 : i32
    "tpu.region"() ({
      %run_scoped3A = tpu.sem_alloc : memref<!tpu.dma_semaphore, #tpu.memory_space<semaphore_mem>>
      %dma_start3A_129 = tpu.memref_slice %arg2[%add3A_90] : memref<65536xi32, #tpu.memory_space<hbm>> -> memref<128xi32, #tpu.memory_space<hbm>>
      %dma_start3A_130 = tpu.memref_slice %arg2[%add3A_90] : memref<65536xi32, #tpu.memory_space<hbm>> -> memref<128xi32, #tpu.memory_space<hbm>>
      tpu.enqueue_dma source(%dma_start3A_130 : memref<128xi32, #tpu.memory_space<hbm>>) target(%arg5 : memref<128xi32, #tpu.memory_space<vmem>>) target_semaphore(%run_scoped3A : memref<!tpu.dma_semaphore, #tpu.memory_space<semaphore_mem>>)
      %dma_wait3A_131 = tpu.memref_slice %arg2[%add3A_90] : memref<65536xi32, #tpu.memory_space<hbm>> -> memref<128xi32, #tpu.memory_space<hbm>>
      %dma_wait3A_132 = tpu.memref_slice %arg2[%add3A_90] : memref<65536xi32, #tpu.memory_space<hbm>> -> memref<128xi32, #tpu.memory_space<hbm>>
      tpu.wait_dma2 semaphore(%run_scoped3A : memref<!tpu.dma_semaphore, #tpu.memory_space<semaphore_mem>>) src(%dma_wait3A_132 : memref<128xi32, #tpu.memory_space<hbm>>) dst(%arg5 : memref<128xi32, #tpu.memory_space<vmem>>)
      tpu.yield
    }) : () -> ()
    %dma_start3A_91 = arith.constant 0 : i32
    %dma_start3A_92 = arith.constant 0 : i32
    %dma_start3A_93 = tpu.memref_slice %arg3[%dma_start3A_91, %dma_start3A_92] : memref<16384x128xf32, #tpu.memory_space<hbm>> -> memref<16384x128xf32, #tpu.memory_space<hbm>>
    tpu.enqueue_indirect_dma source(%dma_start3A_93 : memref<16384x128xf32, #tpu.memory_space<hbm>>) target(%arg6 : memref<128x128xf32, #tpu.memory_space<vmem>>) offsets(%arg5 : memref<128xi32, #tpu.memory_space<vmem>>) semaphore(%arg7 : memref<!tpu.dma_semaphore, #tpu.memory_space<semaphore_mem>>)
    %dma_wait3A_94 = arith.constant 0 : i32
    %dma_wait3A_95 = arith.constant 0 : i32
    %dma_wait3A_96 = tpu.memref_slice %arg3[%dma_wait3A_94, %dma_wait3A_95] : memref<16384x128xf32, #tpu.memory_space<hbm>> -> memref<16384x128xf32, #tpu.memory_space<hbm>>
    tpu.wait_indirect_dma semaphore(%arg7 : memref<!tpu.dma_semaphore, #tpu.memory_space<semaphore_mem>>) src(%dma_wait3A_96 : memref<16384x128xf32, #tpu.memory_space<hbm>>) dst(%arg6 : memref<128x128xf32, #tpu.memory_space<vmem>>)
    "tpu.region"() ({
      %run_scoped3A = tpu.sem_alloc : memref<!tpu.dma_semaphore, #tpu.memory_space<semaphore_mem>>
      %dma_start3A_129 = arith.constant 0 : i32
      %dma_start3A_130 = tpu.memref_slice %arg4[%add3A_90, %dma_start3A_129] : memref<65536x128xf32, #tpu.memory_space<hbm>> -> memref<128x128xf32, #tpu.memory_space<hbm>>
      %dma_start3A_131 = arith.constant 0 : i32
      %dma_start3A_132 = tpu.memref_slice %arg4[%add3A_90, %dma_start3A_131] : memref<65536x128xf32, #tpu.memory_space<hbm>> -> memref<128x128xf32, #tpu.memory_space<hbm>>
      tpu.enqueue_dma source(%arg6 : memref<128x128xf32, #tpu.memory_space<vmem>>) target(%dma_start3A_132 : memref<128x128xf32, #tpu.memory_space<hbm>>) target_semaphore(%run_scoped3A : memref<!tpu.dma_semaphore, #tpu.memory_space<semaphore_mem>>)
      %dma_wait3A_133 = arith.constant 0 : i32
      %dma_wait3A_134 = tpu.memref_slice %arg4[%add3A_90, %dma_wait3A_133] : memref<65536x128xf32, #tpu.memory_space<hbm>> -> memref<128x128xf32, #tpu.memory_space<hbm>>
      %dma_wait3A_135 = arith.constant 0 : i32
      %dma_wait3A_136 = tpu.memref_slice %arg4[%add3A_90, %dma_wait3A_135] : memref<65536x128xf32, #tpu.memory_space<hbm>> -> memref<128x128xf32, #tpu.memory_space<hbm>>
      tpu.wait_dma2 semaphore(%run_scoped3A : memref<!tpu.dma_semaphore, #tpu.memory_space<semaphore_mem>>) src(%arg6 : memref<128x128xf32, #tpu.memory_space<vmem>>) dst(%dma_wait3A_136 : memref<128x128xf32, #tpu.memory_space<hbm>>)
      tpu.yield
    }) : () -> ()
    %add3A_97 = arith.constant 1536 : i32
    %add3A_98 = arith.addi %mul3A_2, %add3A_97 : i32
    "tpu.region"() ({
      %run_scoped3A = tpu.sem_alloc : memref<!tpu.dma_semaphore, #tpu.memory_space<semaphore_mem>>
      %dma_start3A_129 = tpu.memref_slice %arg2[%add3A_98] : memref<65536xi32, #tpu.memory_space<hbm>> -> memref<128xi32, #tpu.memory_space<hbm>>
      %dma_start3A_130 = tpu.memref_slice %arg2[%add3A_98] : memref<65536xi32, #tpu.memory_space<hbm>> -> memref<128xi32, #tpu.memory_space<hbm>>
      tpu.enqueue_dma source(%dma_start3A_130 : memref<128xi32, #tpu.memory_space<hbm>>) target(%arg5 : memref<128xi32, #tpu.memory_space<vmem>>) target_semaphore(%run_scoped3A : memref<!tpu.dma_semaphore, #tpu.memory_space<semaphore_mem>>)
      %dma_wait3A_131 = tpu.memref_slice %arg2[%add3A_98] : memref<65536xi32, #tpu.memory_space<hbm>> -> memref<128xi32, #tpu.memory_space<hbm>>
      %dma_wait3A_132 = tpu.memref_slice %arg2[%add3A_98] : memref<65536xi32, #tpu.memory_space<hbm>> -> memref<128xi32, #tpu.memory_space<hbm>>
      tpu.wait_dma2 semaphore(%run_scoped3A : memref<!tpu.dma_semaphore, #tpu.memory_space<semaphore_mem>>) src(%dma_wait3A_132 : memref<128xi32, #tpu.memory_space<hbm>>) dst(%arg5 : memref<128xi32, #tpu.memory_space<vmem>>)
      tpu.yield
    }) : () -> ()
    %dma_start3A_99 = arith.constant 0 : i32
    %dma_start3A_100 = arith.constant 0 : i32
    %dma_start3A_101 = tpu.memref_slice %arg3[%dma_start3A_99, %dma_start3A_100] : memref<16384x128xf32, #tpu.memory_space<hbm>> -> memref<16384x128xf32, #tpu.memory_space<hbm>>
    tpu.enqueue_indirect_dma source(%dma_start3A_101 : memref<16384x128xf32, #tpu.memory_space<hbm>>) target(%arg6 : memref<128x128xf32, #tpu.memory_space<vmem>>) offsets(%arg5 : memref<128xi32, #tpu.memory_space<vmem>>) semaphore(%arg7 : memref<!tpu.dma_semaphore, #tpu.memory_space<semaphore_mem>>)
    %dma_wait3A_102 = arith.constant 0 : i32
    %dma_wait3A_103 = arith.constant 0 : i32
    %dma_wait3A_104 = tpu.memref_slice %arg3[%dma_wait3A_102, %dma_wait3A_103] : memref<16384x128xf32, #tpu.memory_space<hbm>> -> memref<16384x128xf32, #tpu.memory_space<hbm>>
    tpu.wait_indirect_dma semaphore(%arg7 : memref<!tpu.dma_semaphore, #tpu.memory_space<semaphore_mem>>) src(%dma_wait3A_104 : memref<16384x128xf32, #tpu.memory_space<hbm>>) dst(%arg6 : memref<128x128xf32, #tpu.memory_space<vmem>>)
    "tpu.region"() ({
      %run_scoped3A = tpu.sem_alloc : memref<!tpu.dma_semaphore, #tpu.memory_space<semaphore_mem>>
      %dma_start3A_129 = arith.constant 0 : i32
      %dma_start3A_130 = tpu.memref_slice %arg4[%add3A_98, %dma_start3A_129] : memref<65536x128xf32, #tpu.memory_space<hbm>> -> memref<128x128xf32, #tpu.memory_space<hbm>>
      %dma_start3A_131 = arith.constant 0 : i32
      %dma_start3A_132 = tpu.memref_slice %arg4[%add3A_98, %dma_start3A_131] : memref<65536x128xf32, #tpu.memory_space<hbm>> -> memref<128x128xf32, #tpu.memory_space<hbm>>
      tpu.enqueue_dma source(%arg6 : memref<128x128xf32, #tpu.memory_space<vmem>>) target(%dma_start3A_132 : memref<128x128xf32, #tpu.memory_space<hbm>>) target_semaphore(%run_scoped3A : memref<!tpu.dma_semaphore, #tpu.memory_space<semaphore_mem>>)
      %dma_wait3A_133 = arith.constant 0 : i32
      %dma_wait3A_134 = tpu.memref_slice %arg4[%add3A_98, %dma_wait3A_133] : memref<65536x128xf32, #tpu.memory_space<hbm>> -> memref<128x128xf32, #tpu.memory_space<hbm>>
      %dma_wait3A_135 = arith.constant 0 : i32
      %dma_wait3A_136 = tpu.memref_slice %arg4[%add3A_98, %dma_wait3A_135] : memref<65536x128xf32, #tpu.memory_space<hbm>> -> memref<128x128xf32, #tpu.memory_space<hbm>>
      tpu.wait_dma2 semaphore(%run_scoped3A : memref<!tpu.dma_semaphore, #tpu.memory_space<semaphore_mem>>) src(%arg6 : memref<128x128xf32, #tpu.memory_space<vmem>>) dst(%dma_wait3A_136 : memref<128x128xf32, #tpu.memory_space<hbm>>)
      tpu.yield
    }) : () -> ()
    %add3A_105 = arith.constant 1664 : i32
    %add3A_106 = arith.addi %mul3A_2, %add3A_105 : i32
    "tpu.region"() ({
      %run_scoped3A = tpu.sem_alloc : memref<!tpu.dma_semaphore, #tpu.memory_space<semaphore_mem>>
      %dma_start3A_129 = tpu.memref_slice %arg2[%add3A_106] : memref<65536xi32, #tpu.memory_space<hbm>> -> memref<128xi32, #tpu.memory_space<hbm>>
      %dma_start3A_130 = tpu.memref_slice %arg2[%add3A_106] : memref<65536xi32, #tpu.memory_space<hbm>> -> memref<128xi32, #tpu.memory_space<hbm>>
      tpu.enqueue_dma source(%dma_start3A_130 : memref<128xi32, #tpu.memory_space<hbm>>) target(%arg5 : memref<128xi32, #tpu.memory_space<vmem>>) target_semaphore(%run_scoped3A : memref<!tpu.dma_semaphore, #tpu.memory_space<semaphore_mem>>)
      %dma_wait3A_131 = tpu.memref_slice %arg2[%add3A_106] : memref<65536xi32, #tpu.memory_space<hbm>> -> memref<128xi32, #tpu.memory_space<hbm>>
      %dma_wait3A_132 = tpu.memref_slice %arg2[%add3A_106] : memref<65536xi32, #tpu.memory_space<hbm>> -> memref<128xi32, #tpu.memory_space<hbm>>
      tpu.wait_dma2 semaphore(%run_scoped3A : memref<!tpu.dma_semaphore, #tpu.memory_space<semaphore_mem>>) src(%dma_wait3A_132 : memref<128xi32, #tpu.memory_space<hbm>>) dst(%arg5 : memref<128xi32, #tpu.memory_space<vmem>>)
      tpu.yield
    }) : () -> ()
    %dma_start3A_107 = arith.constant 0 : i32
    %dma_start3A_108 = arith.constant 0 : i32
    %dma_start3A_109 = tpu.memref_slice %arg3[%dma_start3A_107, %dma_start3A_108] : memref<16384x128xf32, #tpu.memory_space<hbm>> -> memref<16384x128xf32, #tpu.memory_space<hbm>>
    tpu.enqueue_indirect_dma source(%dma_start3A_109 : memref<16384x128xf32, #tpu.memory_space<hbm>>) target(%arg6 : memref<128x128xf32, #tpu.memory_space<vmem>>) offsets(%arg5 : memref<128xi32, #tpu.memory_space<vmem>>) semaphore(%arg7 : memref<!tpu.dma_semaphore, #tpu.memory_space<semaphore_mem>>)
    %dma_wait3A_110 = arith.constant 0 : i32
    %dma_wait3A_111 = arith.constant 0 : i32
    %dma_wait3A_112 = tpu.memref_slice %arg3[%dma_wait3A_110, %dma_wait3A_111] : memref<16384x128xf32, #tpu.memory_space<hbm>> -> memref<16384x128xf32, #tpu.memory_space<hbm>>
    tpu.wait_indirect_dma semaphore(%arg7 : memref<!tpu.dma_semaphore, #tpu.memory_space<semaphore_mem>>) src(%dma_wait3A_112 : memref<16384x128xf32, #tpu.memory_space<hbm>>) dst(%arg6 : memref<128x128xf32, #tpu.memory_space<vmem>>)
    "tpu.region"() ({
      %run_scoped3A = tpu.sem_alloc : memref<!tpu.dma_semaphore, #tpu.memory_space<semaphore_mem>>
      %dma_start3A_129 = arith.constant 0 : i32
      %dma_start3A_130 = tpu.memref_slice %arg4[%add3A_106, %dma_start3A_129] : memref<65536x128xf32, #tpu.memory_space<hbm>> -> memref<128x128xf32, #tpu.memory_space<hbm>>
      %dma_start3A_131 = arith.constant 0 : i32
      %dma_start3A_132 = tpu.memref_slice %arg4[%add3A_106, %dma_start3A_131] : memref<65536x128xf32, #tpu.memory_space<hbm>> -> memref<128x128xf32, #tpu.memory_space<hbm>>
      tpu.enqueue_dma source(%arg6 : memref<128x128xf32, #tpu.memory_space<vmem>>) target(%dma_start3A_132 : memref<128x128xf32, #tpu.memory_space<hbm>>) target_semaphore(%run_scoped3A : memref<!tpu.dma_semaphore, #tpu.memory_space<semaphore_mem>>)
      %dma_wait3A_133 = arith.constant 0 : i32
      %dma_wait3A_134 = tpu.memref_slice %arg4[%add3A_106, %dma_wait3A_133] : memref<65536x128xf32, #tpu.memory_space<hbm>> -> memref<128x128xf32, #tpu.memory_space<hbm>>
      %dma_wait3A_135 = arith.constant 0 : i32
      %dma_wait3A_136 = tpu.memref_slice %arg4[%add3A_106, %dma_wait3A_135] : memref<65536x128xf32, #tpu.memory_space<hbm>> -> memref<128x128xf32, #tpu.memory_space<hbm>>
      tpu.wait_dma2 semaphore(%run_scoped3A : memref<!tpu.dma_semaphore, #tpu.memory_space<semaphore_mem>>) src(%arg6 : memref<128x128xf32, #tpu.memory_space<vmem>>) dst(%dma_wait3A_136 : memref<128x128xf32, #tpu.memory_space<hbm>>)
      tpu.yield
    }) : () -> ()
    %add3A_113 = arith.constant 1792 : i32
    %add3A_114 = arith.addi %mul3A_2, %add3A_113 : i32
    "tpu.region"() ({
      %run_scoped3A = tpu.sem_alloc : memref<!tpu.dma_semaphore, #tpu.memory_space<semaphore_mem>>
      %dma_start3A_129 = tpu.memref_slice %arg2[%add3A_114] : memref<65536xi32, #tpu.memory_space<hbm>> -> memref<128xi32, #tpu.memory_space<hbm>>
      %dma_start3A_130 = tpu.memref_slice %arg2[%add3A_114] : memref<65536xi32, #tpu.memory_space<hbm>> -> memref<128xi32, #tpu.memory_space<hbm>>
      tpu.enqueue_dma source(%dma_start3A_130 : memref<128xi32, #tpu.memory_space<hbm>>) target(%arg5 : memref<128xi32, #tpu.memory_space<vmem>>) target_semaphore(%run_scoped3A : memref<!tpu.dma_semaphore, #tpu.memory_space<semaphore_mem>>)
      %dma_wait3A_131 = tpu.memref_slice %arg2[%add3A_114] : memref<65536xi32, #tpu.memory_space<hbm>> -> memref<128xi32, #tpu.memory_space<hbm>>
      %dma_wait3A_132 = tpu.memref_slice %arg2[%add3A_114] : memref<65536xi32, #tpu.memory_space<hbm>> -> memref<128xi32, #tpu.memory_space<hbm>>
      tpu.wait_dma2 semaphore(%run_scoped3A : memref<!tpu.dma_semaphore, #tpu.memory_space<semaphore_mem>>) src(%dma_wait3A_132 : memref<128xi32, #tpu.memory_space<hbm>>) dst(%arg5 : memref<128xi32, #tpu.memory_space<vmem>>)
      tpu.yield
    }) : () -> ()
    %dma_start3A_115 = arith.constant 0 : i32
    %dma_start3A_116 = arith.constant 0 : i32
    %dma_start3A_117 = tpu.memref_slice %arg3[%dma_start3A_115, %dma_start3A_116] : memref<16384x128xf32, #tpu.memory_space<hbm>> -> memref<16384x128xf32, #tpu.memory_space<hbm>>
    tpu.enqueue_indirect_dma source(%dma_start3A_117 : memref<16384x128xf32, #tpu.memory_space<hbm>>) target(%arg6 : memref<128x128xf32, #tpu.memory_space<vmem>>) offsets(%arg5 : memref<128xi32, #tpu.memory_space<vmem>>) semaphore(%arg7 : memref<!tpu.dma_semaphore, #tpu.memory_space<semaphore_mem>>)
    %dma_wait3A_118 = arith.constant 0 : i32
    %dma_wait3A_119 = arith.constant 0 : i32
    %dma_wait3A_120 = tpu.memref_slice %arg3[%dma_wait3A_118, %dma_wait3A_119] : memref<16384x128xf32, #tpu.memory_space<hbm>> -> memref<16384x128xf32, #tpu.memory_space<hbm>>
    tpu.wait_indirect_dma semaphore(%arg7 : memref<!tpu.dma_semaphore, #tpu.memory_space<semaphore_mem>>) src(%dma_wait3A_120 : memref<16384x128xf32, #tpu.memory_space<hbm>>) dst(%arg6 : memref<128x128xf32, #tpu.memory_space<vmem>>)
    "tpu.region"() ({
      %run_scoped3A = tpu.sem_alloc : memref<!tpu.dma_semaphore, #tpu.memory_space<semaphore_mem>>
      %dma_start3A_129 = arith.constant 0 : i32
      %dma_start3A_130 = tpu.memref_slice %arg4[%add3A_114, %dma_start3A_129] : memref<65536x128xf32, #tpu.memory_space<hbm>> -> memref<128x128xf32, #tpu.memory_space<hbm>>
      %dma_start3A_131 = arith.constant 0 : i32
      %dma_start3A_132 = tpu.memref_slice %arg4[%add3A_114, %dma_start3A_131] : memref<65536x128xf32, #tpu.memory_space<hbm>> -> memref<128x128xf32, #tpu.memory_space<hbm>>
      tpu.enqueue_dma source(%arg6 : memref<128x128xf32, #tpu.memory_space<vmem>>) target(%dma_start3A_132 : memref<128x128xf32, #tpu.memory_space<hbm>>) target_semaphore(%run_scoped3A : memref<!tpu.dma_semaphore, #tpu.memory_space<semaphore_mem>>)
      %dma_wait3A_133 = arith.constant 0 : i32
      %dma_wait3A_134 = tpu.memref_slice %arg4[%add3A_114, %dma_wait3A_133] : memref<65536x128xf32, #tpu.memory_space<hbm>> -> memref<128x128xf32, #tpu.memory_space<hbm>>
      %dma_wait3A_135 = arith.constant 0 : i32
      %dma_wait3A_136 = tpu.memref_slice %arg4[%add3A_114, %dma_wait3A_135] : memref<65536x128xf32, #tpu.memory_space<hbm>> -> memref<128x128xf32, #tpu.memory_space<hbm>>
      tpu.wait_dma2 semaphore(%run_scoped3A : memref<!tpu.dma_semaphore, #tpu.memory_space<semaphore_mem>>) src(%arg6 : memref<128x128xf32, #tpu.memory_space<vmem>>) dst(%dma_wait3A_136 : memref<128x128xf32, #tpu.memory_space<hbm>>)
      tpu.yield
    }) : () -> ()
    %add3A_121 = arith.constant 1920 : i32
    %add3A_122 = arith.addi %mul3A_2, %add3A_121 : i32
    "tpu.region"() ({
      %run_scoped3A = tpu.sem_alloc : memref<!tpu.dma_semaphore, #tpu.memory_space<semaphore_mem>>
      %dma_start3A_129 = tpu.memref_slice %arg2[%add3A_122] : memref<65536xi32, #tpu.memory_space<hbm>> -> memref<128xi32, #tpu.memory_space<hbm>>
      %dma_start3A_130 = tpu.memref_slice %arg2[%add3A_122] : memref<65536xi32, #tpu.memory_space<hbm>> -> memref<128xi32, #tpu.memory_space<hbm>>
      tpu.enqueue_dma source(%dma_start3A_130 : memref<128xi32, #tpu.memory_space<hbm>>) target(%arg5 : memref<128xi32, #tpu.memory_space<vmem>>) target_semaphore(%run_scoped3A : memref<!tpu.dma_semaphore, #tpu.memory_space<semaphore_mem>>)
      %dma_wait3A_131 = tpu.memref_slice %arg2[%add3A_122] : memref<65536xi32, #tpu.memory_space<hbm>> -> memref<128xi32, #tpu.memory_space<hbm>>
      %dma_wait3A_132 = tpu.memref_slice %arg2[%add3A_122] : memref<65536xi32, #tpu.memory_space<hbm>> -> memref<128xi32, #tpu.memory_space<hbm>>
      tpu.wait_dma2 semaphore(%run_scoped3A : memref<!tpu.dma_semaphore, #tpu.memory_space<semaphore_mem>>) src(%dma_wait3A_132 : memref<128xi32, #tpu.memory_space<hbm>>) dst(%arg5 : memref<128xi32, #tpu.memory_space<vmem>>)
      tpu.yield
    }) : () -> ()
    %dma_start3A_123 = arith.constant 0 : i32
    %dma_start3A_124 = arith.constant 0 : i32
    %dma_start3A_125 = tpu.memref_slice %arg3[%dma_start3A_123, %dma_start3A_124] : memref<16384x128xf32, #tpu.memory_space<hbm>> -> memref<16384x128xf32, #tpu.memory_space<hbm>>
    tpu.enqueue_indirect_dma source(%dma_start3A_125 : memref<16384x128xf32, #tpu.memory_space<hbm>>) target(%arg6 : memref<128x128xf32, #tpu.memory_space<vmem>>) offsets(%arg5 : memref<128xi32, #tpu.memory_space<vmem>>) semaphore(%arg7 : memref<!tpu.dma_semaphore, #tpu.memory_space<semaphore_mem>>)
    %dma_wait3A_126 = arith.constant 0 : i32
    %dma_wait3A_127 = arith.constant 0 : i32
    %dma_wait3A_128 = tpu.memref_slice %arg3[%dma_wait3A_126, %dma_wait3A_127] : memref<16384x128xf32, #tpu.memory_space<hbm>> -> memref<16384x128xf32, #tpu.memory_space<hbm>>
    tpu.wait_indirect_dma semaphore(%arg7 : memref<!tpu.dma_semaphore, #tpu.memory_space<semaphore_mem>>) src(%dma_wait3A_128 : memref<16384x128xf32, #tpu.memory_space<hbm>>) dst(%arg6 : memref<128x128xf32, #tpu.memory_space<vmem>>)
    "tpu.region"() ({
      %run_scoped3A = tpu.sem_alloc : memref<!tpu.dma_semaphore, #tpu.memory_space<semaphore_mem>>
      %dma_start3A_129 = arith.constant 0 : i32
      %dma_start3A_130 = tpu.memref_slice %arg4[%add3A_122, %dma_start3A_129] : memref<65536x128xf32, #tpu.memory_space<hbm>> -> memref<128x128xf32, #tpu.memory_space<hbm>>
      %dma_start3A_131 = arith.constant 0 : i32
      %dma_start3A_132 = tpu.memref_slice %arg4[%add3A_122, %dma_start3A_131] : memref<65536x128xf32, #tpu.memory_space<hbm>> -> memref<128x128xf32, #tpu.memory_space<hbm>>
      tpu.enqueue_dma source(%arg6 : memref<128x128xf32, #tpu.memory_space<vmem>>) target(%dma_start3A_132 : memref<128x128xf32, #tpu.memory_space<hbm>>) target_semaphore(%run_scoped3A : memref<!tpu.dma_semaphore, #tpu.memory_space<semaphore_mem>>)
      %dma_wait3A_133 = arith.constant 0 : i32
      %dma_wait3A_134 = tpu.memref_slice %arg4[%add3A_122, %dma_wait3A_133] : memref<65536x128xf32, #tpu.memory_space<hbm>> -> memref<128x128xf32, #tpu.memory_space<hbm>>
      %dma_wait3A_135 = arith.constant 0 : i32
      %dma_wait3A_136 = tpu.memref_slice %arg4[%add3A_122, %dma_wait3A_135] : memref<65536x128xf32, #tpu.memory_space<hbm>> -> memref<128x128xf32, #tpu.memory_space<hbm>>
      tpu.wait_dma2 semaphore(%run_scoped3A : memref<!tpu.dma_semaphore, #tpu.memory_space<semaphore_mem>>) src(%arg6 : memref<128x128xf32, #tpu.memory_space<vmem>>) dst(%dma_wait3A_136 : memref<128x128xf32, #tpu.memory_space<hbm>>)
      tpu.yield
    }) : () -> ()
    return
  }
}

module attributes {stable_mosaic.version = 14 : i64} {
  func.func @_fps_body(%arg0: memref<128x128xf32, #tpu.memory_space<vmem>>, %arg1: memref<128x128xf32, #tpu.memory_space<vmem>>, %arg2: memref<128x128xf32, #tpu.memory_space<vmem>>, %arg3: memref<32x128xf32, #tpu.memory_space<vmem>>, %arg4: memref<32x128xf32, #tpu.memory_space<vmem>>, %arg5: memref<32x128xf32, #tpu.memory_space<vmem>>, %arg6: memref<128x128xf32, #tpu.memory_space<vmem>>) attributes {dimension_semantics = [], scalar_prefetch = 0 : i64, scratch_operands = 1 : i64, tpu.core_type = #tpu.core_type<tc>} {
    %get3A = arith.constant 0 : index
    %get3A_0 = arith.constant 0 : index
    %get3A_1 = vector.load %arg0[%get3A, %get3A_0] : memref<128x128xf32, #tpu.memory_space<vmem>>, vector<128x128xf32>
    %get3A_2 = arith.constant 0 : index
    %get3A_3 = arith.constant 0 : index
    %get3A_4 = vector.load %arg1[%get3A_2, %get3A_3] : memref<128x128xf32, #tpu.memory_space<vmem>>, vector<128x128xf32>
    %get3A_5 = arith.constant 0 : index
    %get3A_6 = arith.constant 0 : index
    %get3A_7 = vector.load %arg2[%get3A_5, %get3A_6] : memref<128x128xf32, #tpu.memory_space<vmem>>, vector<128x128xf32>
    %iota3A = tpu.iota {dimensions = array<i32: 0>} : vector<128x1xi32>
    %iota3A_8 = tpu.iota {dimensions = array<i32: 1>} : vector<1x128xi32>
    %slice3A = vector.extract_strided_slice %get3A_1 {offsets = [0, 0], sizes = [1, 1], strides = [1, 1]} : vector<128x128xf32> to vector<1x1xf32>
    %slice3A_9 = vector.extract_strided_slice %get3A_4 {offsets = [0, 0], sizes = [1, 1], strides = [1, 1]} : vector<128x128xf32> to vector<1x1xf32>
    %slice3A_10 = vector.extract_strided_slice %get3A_7 {offsets = [0, 0], sizes = [1, 1], strides = [1, 1]} : vector<128x128xf32> to vector<1x1xf32>
    %broadcast_in_dim3A = arith.constant 0x7F800000 : f32
    %broadcast_in_dim3A_11 = vector.broadcast %broadcast_in_dim3A : f32 to vector<128x128xf32>
    %swap3A = arith.constant 0 : index
    %swap3A_12 = arith.constant 0 : index
    %swap3A_13 = vector.load %arg6[%swap3A, %swap3A_12] : memref<128x128xf32, #tpu.memory_space<vmem>>, vector<128x128xf32>
    tpu.vector_store %arg6[%swap3A, %swap3A_12], %broadcast_in_dim3A_11 {strides = array<i32>} : memref<128x128xf32, #tpu.memory_space<vmem>>, vector<128x128xf32>,
    %eq3A = arith.constant 0 : i32
    %eq3A_14 = vector.broadcast %eq3A : i32 to vector<1x128xi32>
    %eq3A_15 = arith.cmpi eq, %iota3A_8, %eq3A_14 : vector<1x128xi32>
    %jit3A = arith.constant 0.000000e+00 : f32
    %broadcast_in_dim3A_16 = vector.shape_cast %slice3A : vector<1x1xf32> to vector<1x1xf32>
    %broadcast_in_dim3A_17 = vector.broadcast %broadcast_in_dim3A_16 : vector<1x1xf32> to vector<1x128xf32>
    %broadcast_in_dim3A_18 = vector.broadcast %jit3A : f32 to vector<1x128xf32>
    %select_n3A = arith.select %eq3A_15, %broadcast_in_dim3A_17, %broadcast_in_dim3A_18 : vector<1x128xi1>, vector<1x128xf32>
    %jit3A_19 = arith.constant 0.000000e+00 : f32
    %broadcast_in_dim3A_20 = vector.shape_cast %slice3A_9 : vector<1x1xf32> to vector<1x1xf32>
    %broadcast_in_dim3A_21 = vector.broadcast %broadcast_in_dim3A_20 : vector<1x1xf32> to vector<1x128xf32>
    %broadcast_in_dim3A_22 = vector.broadcast %jit3A_19 : f32 to vector<1x128xf32>
    %select_n3A_23 = arith.select %eq3A_15, %broadcast_in_dim3A_21, %broadcast_in_dim3A_22 : vector<1x128xi1>, vector<1x128xf32>
    %jit3A_24 = arith.constant 0.000000e+00 : f32
    %broadcast_in_dim3A_25 = vector.shape_cast %slice3A_10 : vector<1x1xf32> to vector<1x1xf32>
    %broadcast_in_dim3A_26 = vector.broadcast %broadcast_in_dim3A_25 : vector<1x1xf32> to vector<1x128xf32>
    %broadcast_in_dim3A_27 = vector.broadcast %jit3A_24 : f32 to vector<1x128xf32>
    %select_n3A_28 = arith.select %eq3A_15, %broadcast_in_dim3A_26, %broadcast_in_dim3A_27 : vector<1x128xi1>, vector<1x128xf32>
    %scan3A = arith.constant 1 : i32
    %scan3A_29 = arith.constant 4095 : i32
    %scan3A_30 = arith.addi %scan3A, %scan3A_29 : i32
    %scan3A_31 = arith.constant 1 : i32
    %scan3A_32:6 = scf.for %scan3A_34 = %scan3A to %scan3A_30 step %scan3A_31 iter_args(%scan3A_35 = %slice3A, %scan3A_36 = %slice3A_9, %scan3A_37 = %slice3A_10, %scan3A_38 = %select_n3A, %scan3A_39 = %select_n3A_23, %scan3A_40 = %select_n3A_28) -> (vector<1x1xf32>, vector<1x1xf32>, vector<1x1xf32>, vector<1x128xf32>, vector<1x128xf32>, vector<1x128xf32>)  : i32 {
      %sub3A = vector.broadcast %scan3A_35 : vector<1x1xf32> to vector<128x128xf32>
      %sub3A_41 = arith.subf %get3A_1, %sub3A : vector<128x128xf32>
      %sub3A_42 = vector.broadcast %scan3A_36 : vector<1x1xf32> to vector<128x128xf32>
      %sub3A_43 = arith.subf %get3A_4, %sub3A_42 : vector<128x128xf32>
      %sub3A_44 = vector.broadcast %scan3A_37 : vector<1x1xf32> to vector<128x128xf32>
      %sub3A_45 = arith.subf %get3A_7, %sub3A_44 : vector<128x128xf32>
      %mul3A = arith.mulf %sub3A_41, %sub3A_41 : vector<128x128xf32>
      %mul3A_46 = arith.mulf %sub3A_43, %sub3A_43 : vector<128x128xf32>
      %add3A = arith.addf %mul3A, %mul3A_46 : vector<128x128xf32>
      %mul3A_47 = arith.mulf %sub3A_45, %sub3A_45 : vector<128x128xf32>
      %add3A_48 = arith.addf %add3A, %mul3A_47 : vector<128x128xf32>
      %get3A_49 = arith.constant 0 : index
      %get3A_50 = arith.constant 0 : index
      %get3A_51 = vector.load %arg6[%get3A_49, %get3A_50] : memref<128x128xf32, #tpu.memory_space<vmem>>, vector<128x128xf32>
      %min3A = arith.minimumf %get3A_51, %add3A_48 : vector<128x128xf32>
      %swap3A_52 = arith.constant 0 : index
      %swap3A_53 = arith.constant 0 : index
      %swap3A_54 = vector.load %arg6[%swap3A_52, %swap3A_53] : memref<128x128xf32, #tpu.memory_space<vmem>>, vector<128x128xf32>
      tpu.vector_store %arg6[%swap3A_52, %swap3A_53], %min3A {strides = array<i32>} : memref<128x128xf32, #tpu.memory_space<vmem>>, vector<128x128xf32>,
      %reduce_max3A = arith.constant dense<0xFF800000> : vector<128xf32>
      %reduce_max3A_55 = vector.multi_reduction <maximumf>, %min3A, %reduce_max3A [1] : vector<128x128xf32> to vector<128xf32>
      %broadcast_in_dim3A_56 = vector.shape_cast %reduce_max3A_55 : vector<128xf32> to vector<128x1xf32>
      %reduce_max3A_57 = arith.constant dense<0xFF800000> : vector<1xf32>
      %reduce_max3A_58 = vector.multi_reduction <maximumf>, %broadcast_in_dim3A_56, %reduce_max3A_57 [0] : vector<128x1xf32> to vector<1xf32>
      %broadcast_in_dim3A_59 = vector.shape_cast %reduce_max3A_58 : vector<1xf32> to vector<1x1xf32>
      %eq3A_60 = vector.broadcast %broadcast_in_dim3A_59 : vector<1x1xf32> to vector<128x1xf32>
      %eq3A_61 = arith.cmpf oeq, %broadcast_in_dim3A_56, %eq3A_60 : vector<128x1xf32>
      %jit3A_62 = arith.constant 1073741824 : i32
      %broadcast_in_dim3A_63 = vector.broadcast %jit3A_62 : i32 to vector<128x1xi32>
      %select_n3A_64 = arith.select %eq3A_61, %iota3A, %broadcast_in_dim3A_63 : vector<128x1xi1>, vector<128x1xi32>
      %reduce_min3A = vector.shape_cast %select_n3A_64 : vector<128x1xi32> to vector<1x128x1xi32>
      %reduce_min3A_65 = arith.constant dense<2147483647> : vector<1xi32>
      %reduce_min3A_66 = vector.multi_reduction <minsi>, %reduce_min3A, %reduce_min3A_65 [1, 2] : vector<1x128x1xi32> to vector<1xi32>
      %reduce_min3A_67 = vector.shape_cast %reduce_min3A_66 : vector<1xi32> to vector<1x1x1xi32>
      %reduce_min3A_68 = vector.extract %reduce_min3A_67[0, 0, 0] : i32 from vector<1x1x1xi32>
      %get3A_69 = arith.index_cast %reduce_min3A_68 : i32 to index
      %get3A_70 = arith.constant 0 : index
      %get3A_71 = vector.load %arg6[%get3A_69, %get3A_70] : memref<128x128xf32, #tpu.memory_space<vmem>>, vector<1x128xf32>
      %eq3A_72 = vector.broadcast %broadcast_in_dim3A_59 : vector<1x1xf32> to vector<1x128xf32>
      %eq3A_73 = arith.cmpf oeq, %get3A_71, %eq3A_72 : vector<1x128xf32>
      %jit3A_74 = arith.constant 1073741824 : i32
      %broadcast_in_dim3A_75 = vector.broadcast %jit3A_74 : i32 to vector<1x128xi32>
      %select_n3A_76 = arith.select %eq3A_73, %iota3A_8, %broadcast_in_dim3A_75 : vector<1x128xi1>, vector<1x128xi32>
      %reduce_min3A_77 = arith.constant dense<2147483647> : vector<1xi32>
      %reduce_min3A_78 = vector.multi_reduction <minsi>, %select_n3A_76, %reduce_min3A_77 [1] : vector<1x128xi32> to vector<1xi32>
      %broadcast_in_dim3A_79 = vector.shape_cast %reduce_min3A_78 : vector<1xi32> to vector<1x1xi32>
      %eq3A_80 = vector.broadcast %broadcast_in_dim3A_79 : vector<1x1xi32> to vector<1x128xi32>
      %eq3A_81 = arith.cmpi eq, %iota3A_8, %eq3A_80 : vector<1x128xi32>
      %get3A_82 = arith.index_cast %reduce_min3A_68 : i32 to index
      %get3A_83 = arith.constant 0 : index
      %get3A_84 = vector.load %arg0[%get3A_82, %get3A_83] : memref<128x128xf32, #tpu.memory_space<vmem>>, vector<1x128xf32>
      %jit3A_85 = arith.constant 0.000000e+00 : f32
      %broadcast_in_dim3A_86 = vector.broadcast %jit3A_85 : f32 to vector<1x128xf32>
      %select_n3A_87 = arith.select %eq3A_81, %get3A_84, %broadcast_in_dim3A_86 : vector<1x128xi1>, vector<1x128xf32>
      %reduce_sum3A = arith.constant dense<0.000000e+00> : vector<1xf32>
      %reduce_sum3A_88 = vector.multi_reduction <add>, %select_n3A_87, %reduce_sum3A [1] : vector<1x128xf32> to vector<1xf32>
      %broadcast_in_dim3A_89 = vector.shape_cast %reduce_sum3A_88 : vector<1xf32> to vector<1x1xf32>
      %get3A_90 = arith.index_cast %reduce_min3A_68 : i32 to index
      %get3A_91 = arith.constant 0 : index
      %get3A_92 = vector.load %arg1[%get3A_90, %get3A_91] : memref<128x128xf32, #tpu.memory_space<vmem>>, vector<1x128xf32>
      %jit3A_93 = arith.constant 0.000000e+00 : f32
      %broadcast_in_dim3A_94 = vector.broadcast %jit3A_93 : f32 to vector<1x128xf32>
      %select_n3A_95 = arith.select %eq3A_81, %get3A_92, %broadcast_in_dim3A_94 : vector<1x128xi1>, vector<1x128xf32>
      %reduce_sum3A_96 = arith.constant dense<0.000000e+00> : vector<1xf32>
      %reduce_sum3A_97 = vector.multi_reduction <add>, %select_n3A_95, %reduce_sum3A_96 [1] : vector<1x128xf32> to vector<1xf32>
      %broadcast_in_dim3A_98 = vector.shape_cast %reduce_sum3A_97 : vector<1xf32> to vector<1x1xf32>
      %get3A_99 = arith.index_cast %reduce_min3A_68 : i32 to index
      %get3A_100 = arith.constant 0 : index
      %get3A_101 = vector.load %arg2[%get3A_99, %get3A_100] : memref<128x128xf32, #tpu.memory_space<vmem>>, vector<1x128xf32>
      %jit3A_102 = arith.constant 0.000000e+00 : f32
      %broadcast_in_dim3A_103 = vector.broadcast %jit3A_102 : f32 to vector<1x128xf32>
      %select_n3A_104 = arith.select %eq3A_81, %get3A_101, %broadcast_in_dim3A_103 : vector<1x128xi1>, vector<1x128xf32>
      %reduce_sum3A_105 = arith.constant dense<0.000000e+00> : vector<1xf32>
      %reduce_sum3A_106 = vector.multi_reduction <add>, %select_n3A_104, %reduce_sum3A_105 [1] : vector<1x128xf32> to vector<1xf32>
      %broadcast_in_dim3A_107 = vector.shape_cast %reduce_sum3A_106 : vector<1xf32> to vector<1x1xf32>
      %jit3A_108 = arith.constant 128 : i32
      %eq3A_109 = arith.constant 0 : i32
      %eq3A_110 = arith.cmpi eq, %jit3A_108, %eq3A_109 : i32
      %jit3A_111 = arith.constant 1 : i32
      %select_n3A_112 = arith.select %eq3A_110, %jit3A_111, %jit3A_108 : i32
      %rem3A = arith.remsi %scan3A_34, %select_n3A_112 : i32
      %ne3A = arith.constant 0 : i32
      %ne3A_113 = arith.cmpi ne, %rem3A, %ne3A : i32
      %lt3A = arith.constant 0 : i32
      %lt3A_114 = arith.cmpi slt, %rem3A, %lt3A : i32
      %lt3A_115 = arith.constant 0 : i32
      %lt3A_116 = arith.cmpi slt, %select_n3A_112, %lt3A_115 : i32
      %ne3A_117 = arith.xori %lt3A_114, %lt3A_116 : i1
      %and3A = arith.andi %ne3A_117, %ne3A_113 : i1
      %add3A_118 = arith.addi %rem3A, %select_n3A_112 : i32
      %select_n3A_119 = arith.select %and3A, %add3A_118, %rem3A : i32
      %eq3A_120 = vector.broadcast %select_n3A_119 : i32 to vector<1x128xi32>
      %eq3A_121 = arith.cmpi eq, %iota3A_8, %eq3A_120 : vector<1x128xi32>
      %broadcast_in_dim3A_122 = vector.shape_cast %broadcast_in_dim3A_89 : vector<1x1xf32> to vector<1x1xf32>
      %broadcast_in_dim3A_123 = vector.broadcast %broadcast_in_dim3A_122 : vector<1x1xf32> to vector<1x128xf32>
      %select_n3A_124 = arith.select %eq3A_121, %broadcast_in_dim3A_123, %scan3A_38 : vector<1x128xi1>, vector<1x128xf32>
      %broadcast_in_dim3A_125 = vector.shape_cast %broadcast_in_dim3A_98 : vector<1x1xf32> to vector<1x1xf32>
      %broadcast_in_dim3A_126 = vector.broadcast %broadcast_in_dim3A_125 : vector<1x1xf32> to vector<1x128xf32>
      %select_n3A_127 = arith.select %eq3A_121, %broadcast_in_dim3A_126, %scan3A_39 : vector<1x128xi1>, vector<1x128xf32>
      %broadcast_in_dim3A_128 = vector.shape_cast %broadcast_in_dim3A_107 : vector<1x1xf32> to vector<1x1xf32>
      %broadcast_in_dim3A_129 = vector.broadcast %broadcast_in_dim3A_128 : vector<1x1xf32> to vector<1x128xf32>
      %select_n3A_130 = arith.select %eq3A_121, %broadcast_in_dim3A_129, %scan3A_40 : vector<1x128xi1>, vector<1x128xf32>
      %jit3A_131 = arith.constant 128 : i32
      %div3A = arith.divsi %scan3A_34, %jit3A_131 : i32
      %sign3A = arith.constant 0 : i32
      %sign3A_132 = arith.cmpi sgt, %scan3A_34, %sign3A : i32
      %sign3A_133 = arith.extui %sign3A_132 : i1 to i32
      %sign3A_134 = arith.constant 0 : i32
      %sign3A_135 = arith.cmpi slt, %scan3A_34, %sign3A_134 : i32
      %sign3A_136 = arith.extui %sign3A_135 : i1 to i32
      %sign3A_137 = arith.subi %sign3A_133, %sign3A_136 : i32
      %sign3A_138 = arith.constant 0 : i32
      %sign3A_139 = arith.cmpi sgt, %jit3A_131, %sign3A_138 : i32
      %sign3A_140 = arith.extui %sign3A_139 : i1 to i32
      %sign3A_141 = arith.constant 0 : i32
      %sign3A_142 = arith.cmpi slt, %jit3A_131, %sign3A_141 : i32
      %sign3A_143 = arith.extui %sign3A_142 : i1 to i32
      %sign3A_144 = arith.subi %sign3A_140, %sign3A_143 : i32
      %ne3A_145 = arith.cmpi ne, %sign3A_137, %sign3A_144 : i32
      %rem3A_146 = arith.remsi %scan3A_34, %jit3A_131 : i32
      %ne3A_147 = arith.constant 0 : i32
      %ne3A_148 = arith.cmpi ne, %rem3A_146, %ne3A_147 : i32
      %and3A_149 = arith.andi %ne3A_145, %ne3A_148 : i1
      %sub3A_150 = arith.constant 1 : i32
      %sub3A_151 = arith.subi %div3A, %sub3A_150 : i32
      %select_n3A_152 = arith.select %and3A_149, %sub3A_151, %div3A : i32
      %swap3A_153 = arith.index_cast %select_n3A_152 : i32 to index
      %swap3A_154 = arith.constant 0 : index
      %swap3A_155 = vector.load %arg3[%swap3A_153, %swap3A_154] : memref<32x128xf32, #tpu.memory_space<vmem>>, vector<1x128xf32>
      tpu.vector_store %arg3[%swap3A_153, %swap3A_154], %select_n3A_124 {strides = array<i32>} : memref<32x128xf32, #tpu.memory_space<vmem>>, vector<1x128xf32>,
      %swap3A_156 = arith.index_cast %select_n3A_152 : i32 to index
      %swap3A_157 = arith.constant 0 : index
      %swap3A_158 = vector.load %arg4[%swap3A_156, %swap3A_157] : memref<32x128xf32, #tpu.memory_space<vmem>>, vector<1x128xf32>
      tpu.vector_store %arg4[%swap3A_156, %swap3A_157], %select_n3A_127 {strides = array<i32>} : memref<32x128xf32, #tpu.memory_space<vmem>>, vector<1x128xf32>,
      %swap3A_159 = arith.index_cast %select_n3A_152 : i32 to index
      %swap3A_160 = arith.constant 0 : index
      %swap3A_161 = vector.load %arg5[%swap3A_159, %swap3A_160] : memref<32x128xf32, #tpu.memory_space<vmem>>, vector<1x128xf32>
      tpu.vector_store %arg5[%swap3A_159, %swap3A_160], %select_n3A_130 {strides = array<i32>} : memref<32x128xf32, #tpu.memory_space<vmem>>, vector<1x128xf32>,
      scf.yield %broadcast_in_dim3A_89, %broadcast_in_dim3A_98, %broadcast_in_dim3A_107, %select_n3A_124, %select_n3A_127, %select_n3A_130 : vector<1x1xf32>, vector<1x1xf32>, vector<1x1xf32>, vector<1x128xf32>, vector<1x128xf32>, vector<1x128xf32>
    }
    %scan3A_33 = arith.constant 4095 : i32
    return
  }
}

module attributes {stable_mosaic.version = 14 : i64} {
  func.func @_knn_body(%arg0: i32, %arg1: memref<64x1xf32, #tpu.memory_space<vmem>>, %arg2: memref<64x1xf32, #tpu.memory_space<vmem>>, %arg3: memref<64x1xf32, #tpu.memory_space<vmem>>, %arg4: memref<1x16384xf32, #tpu.memory_space<vmem>>, %arg5: memref<1x16384xf32, #tpu.memory_space<vmem>>, %arg6: memref<1x16384xf32, #tpu.memory_space<vmem>>, %arg7: memref<64x16xi32, #tpu.memory_space<vmem>>, %arg8: memref<64x16384xf32, #tpu.memory_space<vmem>>) attributes {dimension_semantics = [#tpu.dimension_semantics<arbitrary>], iteration_bounds = array<i64: 64>, scalar_prefetch = 0 : i64, scratch_operands = 1 : i64, tpu.core_type = #tpu.core_type<tc>, window_params = [{transform_indices = @transform_0, window_bounds = array<i64: 64, 1>}, {transform_indices = @transform_1, window_bounds = array<i64: 64, 1>}, {transform_indices = @transform_2, window_bounds = array<i64: 64, 1>}, {pipeline_mode = #tpu.pipeline_mode<synchronous>, transform_indices = @transform_3, window_bounds = array<i64: 1, 16384>}, {pipeline_mode = #tpu.pipeline_mode<synchronous>, transform_indices = @transform_4, window_bounds = array<i64: 1, 16384>}, {pipeline_mode = #tpu.pipeline_mode<synchronous>, transform_indices = @transform_5, window_bounds = array<i64: 1, 16384>}, {transform_indices = @transform_6, window_bounds = array<i64: 64, 16>}]} {
    %iota3A = tpu.iota {dimensions = array<i32: 1>} : vector<64x16xi32>
    %iota3A_0 = tpu.iota {dimensions = array<i32: 1>} : vector<64x128x128xi32>
    %iota3A_1 = tpu.iota {dimensions = array<i32: 1>} : vector<64x128xi32>
    %get3A = arith.constant 0 : index
    %get3A_2 = arith.constant 0 : index
    %get3A_3 = vector.load %arg1[%get3A, %get3A_2] : memref<64x1xf32, #tpu.memory_space<vmem>>, vector<64x1xf32>
    %get3A_4 = arith.constant 0 : index
    %get3A_5 = arith.constant 0 : index
    %get3A_6 = vector.load %arg4[%get3A_4, %get3A_5] : memref<1x16384xf32, #tpu.memory_space<vmem>>, vector<1x16384xf32>
    %sub3A = vector.broadcast %get3A_3 : vector<64x1xf32> to vector<64x16384xf32>
    %sub3A_7 = vector.broadcast %get3A_6 : vector<1x16384xf32> to vector<64x16384xf32>
    %sub3A_8 = arith.subf %sub3A, %sub3A_7 : vector<64x16384xf32>
    %get3A_9 = arith.constant 0 : index
    %get3A_10 = arith.constant 0 : index
    %get3A_11 = vector.load %arg2[%get3A_9, %get3A_10] : memref<64x1xf32, #tpu.memory_space<vmem>>, vector<64x1xf32>
    %get3A_12 = arith.constant 0 : index
    %get3A_13 = arith.constant 0 : index
    %get3A_14 = vector.load %arg5[%get3A_12, %get3A_13] : memref<1x16384xf32, #tpu.memory_space<vmem>>, vector<1x16384xf32>
    %sub3A_15 = vector.broadcast %get3A_11 : vector<64x1xf32> to vector<64x16384xf32>
    %sub3A_16 = vector.broadcast %get3A_14 : vector<1x16384xf32> to vector<64x16384xf32>
    %sub3A_17 = arith.subf %sub3A_15, %sub3A_16 : vector<64x16384xf32>
    %get3A_18 = arith.constant 0 : index
    %get3A_19 = arith.constant 0 : index
    %get3A_20 = vector.load %arg3[%get3A_18, %get3A_19] : memref<64x1xf32, #tpu.memory_space<vmem>>, vector<64x1xf32>
    %get3A_21 = arith.constant 0 : index
    %get3A_22 = arith.constant 0 : index
    %get3A_23 = vector.load %arg6[%get3A_21, %get3A_22] : memref<1x16384xf32, #tpu.memory_space<vmem>>, vector<1x16384xf32>
    %sub3A_24 = vector.broadcast %get3A_20 : vector<64x1xf32> to vector<64x16384xf32>
    %sub3A_25 = vector.broadcast %get3A_23 : vector<1x16384xf32> to vector<64x16384xf32>
    %sub3A_26 = arith.subf %sub3A_24, %sub3A_25 : vector<64x16384xf32>
    %mul3A = arith.mulf %sub3A_8, %sub3A_8 : vector<64x16384xf32>
    %mul3A_27 = arith.mulf %sub3A_17, %sub3A_17 : vector<64x16384xf32>
    %add3A = arith.addf %mul3A, %mul3A_27 : vector<64x16384xf32>
    %mul3A_28 = arith.mulf %sub3A_26, %sub3A_26 : vector<64x16384xf32>
    %add3A_29 = arith.addf %add3A, %mul3A_28 : vector<64x16384xf32>
    %reshape3A = vector.shape_cast %add3A_29 : vector<64x16384xf32> to vector<64x128x128xf32>
    %reduce_min3A = arith.constant dense<0x7F800000> : vector<64x128xf32>
    %reduce_min3A_30 = vector.multi_reduction <minimumf>, %reshape3A, %reduce_min3A [1] : vector<64x128x128xf32> to vector<64x128xf32>
    %broadcast_in_dim3A = vector.shape_cast %reduce_min3A_30 : vector<64x128xf32> to vector<64x1x128xf32>
    %eq3A = vector.broadcast %broadcast_in_dim3A : vector<64x1x128xf32> to vector<64x128x128xf32>
    %eq3A_31 = arith.cmpf oeq, %reshape3A, %eq3A : vector<64x128x128xf32>
    %jit3A = arith.constant 1073741824 : i32
    %broadcast_in_dim3A_32 = vector.broadcast %jit3A : i32 to vector<64x128x128xi32>
    %select_n3A = arith.select %eq3A_31, %iota3A_0, %broadcast_in_dim3A_32 : vector<64x128x128xi1>, vector<64x128x128xi32>
    %reduce_min3A_33 = arith.constant dense<2147483647> : vector<64x128xi32>
    %reduce_min3A_34 = vector.multi_reduction <minsi>, %select_n3A, %reduce_min3A_33 [1] : vector<64x128x128xi32> to vector<64x128xi32>
    %broadcast_in_dim3A_35 = vector.shape_cast %reduce_min3A_34 : vector<64x128xi32> to vector<64x1x128xi32>
    %eq3A_36 = vector.broadcast %broadcast_in_dim3A_35 : vector<64x1x128xi32> to vector<64x128x128xi32>
    %eq3A_37 = arith.cmpi eq, %iota3A_0, %eq3A_36 : vector<64x128x128xi32>
    %jit3A_38 = arith.constant 0x7F800000 : f32
    %broadcast_in_dim3A_39 = vector.broadcast %jit3A_38 : f32 to vector<64x128x128xf32>
    %select_n3A_40 = arith.select %eq3A_37, %broadcast_in_dim3A_39, %reshape3A : vector<64x128x128xi1>, vector<64x128x128xf32>
    %reshape3A_41 = vector.shape_cast %select_n3A_40 : vector<64x128x128xf32> to vector<64x16384xf32>
    %swap3A = arith.constant 0 : index
    %swap3A_42 = arith.constant 0 : index
    %swap3A_43 = vector.load %arg8[%swap3A, %swap3A_42] : memref<64x16384xf32, #tpu.memory_space<vmem>>, vector<64x16384xf32>
    tpu.vector_store %arg8[%swap3A, %swap3A_42], %reshape3A_41 {strides = array<i32>} : memref<64x16384xf32, #tpu.memory_space<vmem>>, vector<64x16384xf32>,
    %get3A_44 = arith.constant 0 : index
    %get3A_45 = arith.constant 0 : index
    %get3A_46 = vector.load %arg8[%get3A_44, %get3A_45] : memref<64x16384xf32, #tpu.memory_space<vmem>>, vector<64x16384xf32>
    %reshape3A_47 = vector.shape_cast %get3A_46 : vector<64x16384xf32> to vector<64x128x128xf32>
    %mul3A_48 = arith.constant 128 : i32
    %mul3A_49 = vector.broadcast %mul3A_48 : i32 to vector<64x128xi32>
    %mul3A_50 = arith.muli %reduce_min3A_34, %mul3A_49 : vector<64x128xi32>
    %add3A_51 = arith.addi %mul3A_50, %iota3A_1 : vector<64x128xi32>
    %reduce_min3A_52 = arith.constant dense<0x7F800000> : vector<64x128xf32>
    %reduce_min3A_53 = vector.multi_reduction <minimumf>, %reshape3A_47, %reduce_min3A_52 [1] : vector<64x128x128xf32> to vector<64x128xf32>
    %broadcast_in_dim3A_54 = vector.shape_cast %reduce_min3A_53 : vector<64x128xf32> to vector<64x1x128xf32>
    %eq3A_55 = vector.broadcast %broadcast_in_dim3A_54 : vector<64x1x128xf32> to vector<64x128x128xf32>
    %eq3A_56 = arith.cmpf oeq, %reshape3A_47, %eq3A_55 : vector<64x128x128xf32>
    %jit3A_57 = arith.constant 1073741824 : i32
    %broadcast_in_dim3A_58 = vector.broadcast %jit3A_57 : i32 to vector<64x128x128xi32>
    %select_n3A_59 = arith.select %eq3A_56, %iota3A_0, %broadcast_in_dim3A_58 : vector<64x128x128xi1>, vector<64x128x128xi32>
    %reduce_min3A_60 = arith.constant dense<2147483647> : vector<64x128xi32>
    %reduce_min3A_61 = vector.multi_reduction <minsi>, %select_n3A_59, %reduce_min3A_60 [1] : vector<64x128x128xi32> to vector<64x128xi32>
    %broadcast_in_dim3A_62 = vector.shape_cast %reduce_min3A_61 : vector<64x128xi32> to vector<64x1x128xi32>
    %eq3A_63 = vector.broadcast %broadcast_in_dim3A_62 : vector<64x1x128xi32> to vector<64x128x128xi32>
    %eq3A_64 = arith.cmpi eq, %iota3A_0, %eq3A_63 : vector<64x128x128xi32>
    %jit3A_65 = arith.constant 0x7F800000 : f32
    %broadcast_in_dim3A_66 = vector.broadcast %jit3A_65 : f32 to vector<64x128x128xf32>
    %select_n3A_67 = arith.select %eq3A_64, %broadcast_in_dim3A_66, %reshape3A_47 : vector<64x128x128xi1>, vector<64x128x128xf32>
    %reshape3A_68 = vector.shape_cast %select_n3A_67 : vector<64x128x128xf32> to vector<64x16384xf32>
    %swap3A_69 = arith.constant 0 : index
    %swap3A_70 = arith.constant 0 : index
    %swap3A_71 = vector.load %arg8[%swap3A_69, %swap3A_70] : memref<64x16384xf32, #tpu.memory_space<vmem>>, vector<64x16384xf32>
    tpu.vector_store %arg8[%swap3A_69, %swap3A_70], %reshape3A_68 {strides = array<i32>} : memref<64x16384xf32, #tpu.memory_space<vmem>>, vector<64x16384xf32>,
    %get3A_72 = arith.constant 0 : index
    %get3A_73 = arith.constant 0 : index
    %get3A_74 = vector.load %arg8[%get3A_72, %get3A_73] : memref<64x16384xf32, #tpu.memory_space<vmem>>, vector<64x16384xf32>
    %reshape3A_75 = vector.shape_cast %get3A_74 : vector<64x16384xf32> to vector<64x128x128xf32>
    %mul3A_76 = arith.constant 128 : i32
    %mul3A_77 = vector.broadcast %mul3A_76 : i32 to vector<64x128xi32>
    %mul3A_78 = arith.muli %reduce_min3A_61, %mul3A_77 : vector<64x128xi32>
    %add3A_79 = arith.addi %mul3A_78, %iota3A_1 : vector<64x128xi32>
    %reduce_min3A_80 = arith.constant dense<0x7F800000> : vector<64x128xf32>
    %reduce_min3A_81 = vector.multi_reduction <minimumf>, %reshape3A_75, %reduce_min3A_80 [1] : vector<64x128x128xf32> to vector<64x128xf32>
    %broadcast_in_dim3A_82 = vector.shape_cast %reduce_min3A_81 : vector<64x128xf32> to vector<64x1x128xf32>
    %eq3A_83 = vector.broadcast %broadcast_in_dim3A_82 : vector<64x1x128xf32> to vector<64x128x128xf32>
    %eq3A_84 = arith.cmpf oeq, %reshape3A_75, %eq3A_83 : vector<64x128x128xf32>
    %jit3A_85 = arith.constant 1073741824 : i32
    %broadcast_in_dim3A_86 = vector.broadcast %jit3A_85 : i32 to vector<64x128x128xi32>
    %select_n3A_87 = arith.select %eq3A_84, %iota3A_0, %broadcast_in_dim3A_86 : vector<64x128x128xi1>, vector<64x128x128xi32>
    %reduce_min3A_88 = arith.constant dense<2147483647> : vector<64x128xi32>
    %reduce_min3A_89 = vector.multi_reduction <minsi>, %select_n3A_87, %reduce_min3A_88 [1] : vector<64x128x128xi32> to vector<64x128xi32>
    %broadcast_in_dim3A_90 = vector.shape_cast %reduce_min3A_89 : vector<64x128xi32> to vector<64x1x128xi32>
    %eq3A_91 = vector.broadcast %broadcast_in_dim3A_90 : vector<64x1x128xi32> to vector<64x128x128xi32>
    %eq3A_92 = arith.cmpi eq, %iota3A_0, %eq3A_91 : vector<64x128x128xi32>
    %jit3A_93 = arith.constant 0x7F800000 : f32
    %broadcast_in_dim3A_94 = vector.broadcast %jit3A_93 : f32 to vector<64x128x128xf32>
    %select_n3A_95 = arith.select %eq3A_92, %broadcast_in_dim3A_94, %reshape3A_75 : vector<64x128x128xi1>, vector<64x128x128xf32>
    %reshape3A_96 = vector.shape_cast %select_n3A_95 : vector<64x128x128xf32> to vector<64x16384xf32>
    %swap3A_97 = arith.constant 0 : index
    %swap3A_98 = arith.constant 0 : index
    %swap3A_99 = vector.load %arg8[%swap3A_97, %swap3A_98] : memref<64x16384xf32, #tpu.memory_space<vmem>>, vector<64x16384xf32>
    tpu.vector_store %arg8[%swap3A_97, %swap3A_98], %reshape3A_96 {strides = array<i32>} : memref<64x16384xf32, #tpu.memory_space<vmem>>, vector<64x16384xf32>,
    %get3A_100 = arith.constant 0 : index
    %get3A_101 = arith.constant 0 : index
    %get3A_102 = vector.load %arg8[%get3A_100, %get3A_101] : memref<64x16384xf32, #tpu.memory_space<vmem>>, vector<64x16384xf32>
    %reshape3A_103 = vector.shape_cast %get3A_102 : vector<64x16384xf32> to vector<64x128x128xf32>
    %mul3A_104 = arith.constant 128 : i32
    %mul3A_105 = vector.broadcast %mul3A_104 : i32 to vector<64x128xi32>
    %mul3A_106 = arith.muli %reduce_min3A_89, %mul3A_105 : vector<64x128xi32>
    %add3A_107 = arith.addi %mul3A_106, %iota3A_1 : vector<64x128xi32>
    %reduce_min3A_108 = arith.constant dense<0x7F800000> : vector<64x128xf32>
    %reduce_min3A_109 = vector.multi_reduction <minimumf>, %reshape3A_103, %reduce_min3A_108 [1] : vector<64x128x128xf32> to vector<64x128xf32>
    %broadcast_in_dim3A_110 = vector.shape_cast %reduce_min3A_109 : vector<64x128xf32> to vector<64x1x128xf32>
    %eq3A_111 = vector.broadcast %broadcast_in_dim3A_110 : vector<64x1x128xf32> to vector<64x128x128xf32>
    %eq3A_112 = arith.cmpf oeq, %reshape3A_103, %eq3A_111 : vector<64x128x128xf32>
    %jit3A_113 = arith.constant 1073741824 : i32
    %broadcast_in_dim3A_114 = vector.broadcast %jit3A_113 : i32 to vector<64x128x128xi32>
    %select_n3A_115 = arith.select %eq3A_112, %iota3A_0, %broadcast_in_dim3A_114 : vector<64x128x128xi1>, vector<64x128x128xi32>
    %reduce_min3A_116 = arith.constant dense<2147483647> : vector<64x128xi32>
    %reduce_min3A_117 = vector.multi_reduction <minsi>, %select_n3A_115, %reduce_min3A_116 [1] : vector<64x128x128xi32> to vector<64x128xi32>
    %mul3A_118 = arith.constant 128 : i32
    %mul3A_119 = vector.broadcast %mul3A_118 : i32 to vector<64x128xi32>
    %mul3A_120 = arith.muli %reduce_min3A_117, %mul3A_119 : vector<64x128xi32>
    %add3A_121 = arith.addi %mul3A_120, %iota3A_1 : vector<64x128xi32>
    %broadcast_in_dim3A_122 = arith.constant 0 : i32
    %broadcast_in_dim3A_123 = vector.broadcast %broadcast_in_dim3A_122 : i32 to vector<64x128xi32>
    %broadcast_in_dim3A_124 = arith.constant 0 : i32
    %broadcast_in_dim3A_125 = vector.broadcast %broadcast_in_dim3A_124 : i32 to vector<64x16xi32>
    %reduce_min3A_126 = arith.constant dense<0x7F800000> : vector<64xf32>
    %reduce_min3A_127 = vector.multi_reduction <minimumf>, %reduce_min3A_30, %reduce_min3A_126 [1] : vector<64x128xf32> to vector<64xf32>
    %broadcast_in_dim3A_128 = vector.shape_cast %reduce_min3A_127 : vector<64xf32> to vector<64x1xf32>
    %eq3A_129 = vector.broadcast %broadcast_in_dim3A_128 : vector<64x1xf32> to vector<64x128xf32>
    %eq3A_130 = arith.cmpf oeq, %reduce_min3A_30, %eq3A_129 : vector<64x128xf32>
    %jit3A_131 = arith.constant 1073741824 : i32
    %broadcast_in_dim3A_132 = vector.broadcast %jit3A_131 : i32 to vector<64x128xi32>
    %select_n3A_133 = arith.select %eq3A_130, %add3A_51, %broadcast_in_dim3A_132 : vector<64x128xi1>, vector<64x128xi32>
    %reduce_min3A_134 = arith.constant dense<2147483647> : vector<64xi32>
    %reduce_min3A_135 = vector.multi_reduction <minsi>, %select_n3A_133, %reduce_min3A_134 [1] : vector<64x128xi32> to vector<64xi32>
    %broadcast_in_dim3A_136 = vector.shape_cast %reduce_min3A_135 : vector<64xi32> to vector<64x1xi32>
    %eq3A_137 = vector.broadcast %broadcast_in_dim3A_136 : vector<64x1xi32> to vector<64x128xi32>
    %eq3A_138 = arith.cmpi eq, %add3A_51, %eq3A_137 : vector<64x128xi32>
    %convert_element_type3A = arith.extui %eq3A_138 : vector<64x128xi1> to vector<64x128xi32>
    %add3A_139 = arith.addi %broadcast_in_dim3A_123, %convert_element_type3A : vector<64x128xi32>
    %eq3A_140 = arith.constant 1 : i32
    %eq3A_141 = vector.broadcast %eq3A_140 : i32 to vector<64x128xi32>
    %eq3A_142 = arith.cmpi eq, %add3A_139, %eq3A_141 : vector<64x128xi32>
    %eq3A_143 = arith.constant 2 : i32
    %eq3A_144 = vector.broadcast %eq3A_143 : i32 to vector<64x128xi32>
    %eq3A_145 = arith.cmpi eq, %add3A_139, %eq3A_144 : vector<64x128xi32>
    %eq3A_146 = arith.constant 3 : i32
    %eq3A_147 = vector.broadcast %eq3A_146 : i32 to vector<64x128xi32>
    %eq3A_148 = arith.cmpi eq, %add3A_139, %eq3A_147 : vector<64x128xi32>
    %jit3A_149 = arith.constant 0x7F800000 : f32
    %broadcast_in_dim3A_150 = vector.broadcast %jit3A_149 : f32 to vector<64x128xf32>
    %select_n3A_151 = arith.select %eq3A_148, %reduce_min3A_109, %broadcast_in_dim3A_150 : vector<64x128xi1>, vector<64x128xf32>
    %select_n3A_152 = arith.select %eq3A_145, %reduce_min3A_81, %select_n3A_151 : vector<64x128xi1>, vector<64x128xf32>
    %select_n3A_153 = arith.select %eq3A_142, %reduce_min3A_53, %select_n3A_152 : vector<64x128xi1>, vector<64x128xf32>
    %eq3A_154 = arith.constant 1 : i32
    %eq3A_155 = vector.broadcast %eq3A_154 : i32 to vector<64x128xi32>
    %eq3A_156 = arith.cmpi eq, %add3A_139, %eq3A_155 : vector<64x128xi32>
    %eq3A_157 = arith.constant 2 : i32
    %eq3A_158 = vector.broadcast %eq3A_157 : i32 to vector<64x128xi32>
    %eq3A_159 = arith.cmpi eq, %add3A_139, %eq3A_158 : vector<64x128xi32>
    %eq3A_160 = arith.constant 3 : i32
    %eq3A_161 = vector.broadcast %eq3A_160 : i32 to vector<64x128xi32>
    %eq3A_162 = arith.cmpi eq, %add3A_139, %eq3A_161 : vector<64x128xi32>
    %jit3A_163 = arith.constant 1073741824 : i32
    %broadcast_in_dim3A_164 = vector.broadcast %jit3A_163 : i32 to vector<64x128xi32>
    %select_n3A_165 = arith.select %eq3A_162, %add3A_121, %broadcast_in_dim3A_164 : vector<64x128xi1>, vector<64x128xi32>
    %select_n3A_166 = arith.select %eq3A_159, %add3A_107, %select_n3A_165 : vector<64x128xi1>, vector<64x128xi32>
    %select_n3A_167 = arith.select %eq3A_156, %add3A_79, %select_n3A_166 : vector<64x128xi1>, vector<64x128xi32>
    %select_n3A_168 = arith.select %eq3A_138, %select_n3A_153, %reduce_min3A_30 : vector<64x128xi1>, vector<64x128xf32>
    %select_n3A_169 = arith.select %eq3A_138, %select_n3A_167, %add3A_51 : vector<64x128xi1>, vector<64x128xi32>
    %eq3A_170 = arith.constant 0 : i32
    %eq3A_171 = vector.broadcast %eq3A_170 : i32 to vector<64x16xi32>
    %eq3A_172 = arith.cmpi eq, %iota3A, %eq3A_171 : vector<64x16xi32>
    %broadcast_in_dim3A_173 = vector.shape_cast %broadcast_in_dim3A_136 : vector<64x1xi32> to vector<64x1xi32>
    %broadcast_in_dim3A_174 = vector.broadcast %broadcast_in_dim3A_173 : vector<64x1xi32> to vector<64x16xi32>
    %select_n3A_175 = arith.select %eq3A_172, %broadcast_in_dim3A_174, %broadcast_in_dim3A_125 : vector<64x16xi1>, vector<64x16xi32>
    %reduce_min3A_176 = arith.constant dense<0x7F800000> : vector<64xf32>
    %reduce_min3A_177 = vector.multi_reduction <minimumf>, %select_n3A_168, %reduce_min3A_176 [1] : vector<64x128xf32> to vector<64xf32>
    %broadcast_in_dim3A_178 = vector.shape_cast %reduce_min3A_177 : vector<64xf32> to vector<64x1xf32>
    %eq3A_179 = vector.broadcast %broadcast_in_dim3A_178 : vector<64x1xf32> to vector<64x128xf32>
    %eq3A_180 = arith.cmpf oeq, %select_n3A_168, %eq3A_179 : vector<64x128xf32>
    %jit3A_181 = arith.constant 1073741824 : i32
    %broadcast_in_dim3A_182 = vector.broadcast %jit3A_181 : i32 to vector<64x128xi32>
    %select_n3A_183 = arith.select %eq3A_180, %select_n3A_169, %broadcast_in_dim3A_182 : vector<64x128xi1>, vector<64x128xi32>
    %reduce_min3A_184 = arith.constant dense<2147483647> : vector<64xi32>
    %reduce_min3A_185 = vector.multi_reduction <minsi>, %select_n3A_183, %reduce_min3A_184 [1] : vector<64x128xi32> to vector<64xi32>
    %broadcast_in_dim3A_186 = vector.shape_cast %reduce_min3A_185 : vector<64xi32> to vector<64x1xi32>
    %eq3A_187 = vector.broadcast %broadcast_in_dim3A_186 : vector<64x1xi32> to vector<64x128xi32>
    %eq3A_188 = arith.cmpi eq, %select_n3A_169, %eq3A_187 : vector<64x128xi32>
    %convert_element_type3A_189 = arith.extui %eq3A_188 : vector<64x128xi1> to vector<64x128xi32>
    %add3A_190 = arith.addi %add3A_139, %convert_element_type3A_189 : vector<64x128xi32>
    %eq3A_191 = arith.constant 1 : i32
    %eq3A_192 = vector.broadcast %eq3A_191 : i32 to vector<64x128xi32>
    %eq3A_193 = arith.cmpi eq, %add3A_190, %eq3A_192 : vector<64x128xi32>
    %eq3A_194 = arith.constant 2 : i32
    %eq3A_195 = vector.broadcast %eq3A_194 : i32 to vector<64x128xi32>
    %eq3A_196 = arith.cmpi eq, %add3A_190, %eq3A_195 : vector<64x128xi32>
    %eq3A_197 = arith.constant 3 : i32
    %eq3A_198 = vector.broadcast %eq3A_197 : i32 to vector<64x128xi32>
    %eq3A_199 = arith.cmpi eq, %add3A_190, %eq3A_198 : vector<64x128xi32>
    %jit3A_200 = arith.constant 0x7F800000 : f32
    %broadcast_in_dim3A_201 = vector.broadcast %jit3A_200 : f32 to vector<64x128xf32>
    %select_n3A_202 = arith.select %eq3A_199, %reduce_min3A_109, %broadcast_in_dim3A_201 : vector<64x128xi1>, vector<64x128xf32>
    %select_n3A_203 = arith.select %eq3A_196, %reduce_min3A_81, %select_n3A_202 : vector<64x128xi1>, vector<64x128xf32>
    %select_n3A_204 = arith.select %eq3A_193, %reduce_min3A_53, %select_n3A_203 : vector<64x128xi1>, vector<64x128xf32>
    %eq3A_205 = arith.constant 1 : i32
    %eq3A_206 = vector.broadcast %eq3A_205 : i32 to vector<64x128xi32>
    %eq3A_207 = arith.cmpi eq, %add3A_190, %eq3A_206 : vector<64x128xi32>
    %eq3A_208 = arith.constant 2 : i32
    %eq3A_209 = vector.broadcast %eq3A_208 : i32 to vector<64x128xi32>
    %eq3A_210 = arith.cmpi eq, %add3A_190, %eq3A_209 : vector<64x128xi32>
    %eq3A_211 = arith.constant 3 : i32
    %eq3A_212 = vector.broadcast %eq3A_211 : i32 to vector<64x128xi32>
    %eq3A_213 = arith.cmpi eq, %add3A_190, %eq3A_212 : vector<64x128xi32>
    %jit3A_214 = arith.constant 1073741824 : i32
    %broadcast_in_dim3A_215 = vector.broadcast %jit3A_214 : i32 to vector<64x128xi32>
    %select_n3A_216 = arith.select %eq3A_213, %add3A_121, %broadcast_in_dim3A_215 : vector<64x128xi1>, vector<64x128xi32>
    %select_n3A_217 = arith.select %eq3A_210, %add3A_107, %select_n3A_216 : vector<64x128xi1>, vector<64x128xi32>
    %select_n3A_218 = arith.select %eq3A_207, %add3A_79, %select_n3A_217 : vector<64x128xi1>, vector<64x128xi32>
    %select_n3A_219 = arith.select %eq3A_188, %select_n3A_204, %select_n3A_168 : vector<64x128xi1>, vector<64x128xf32>
    %select_n3A_220 = arith.select %eq3A_188, %select_n3A_218, %select_n3A_169 : vector<64x128xi1>, vector<64x128xi32>
    %eq3A_221 = arith.constant 1 : i32
    %eq3A_222 = vector.broadcast %eq3A_221 : i32 to vector<64x16xi32>
    %eq3A_223 = arith.cmpi eq, %iota3A, %eq3A_222 : vector<64x16xi32>
    %broadcast_in_dim3A_224 = vector.shape_cast %broadcast_in_dim3A_186 : vector<64x1xi32> to vector<64x1xi32>
    %broadcast_in_dim3A_225 = vector.broadcast %broadcast_in_dim3A_224 : vector<64x1xi32> to vector<64x16xi32>
    %select_n3A_226 = arith.select %eq3A_223, %broadcast_in_dim3A_225, %select_n3A_175 : vector<64x16xi1>, vector<64x16xi32>
    %reduce_min3A_227 = arith.constant dense<0x7F800000> : vector<64xf32>
    %reduce_min3A_228 = vector.multi_reduction <minimumf>, %select_n3A_219, %reduce_min3A_227 [1] : vector<64x128xf32> to vector<64xf32>
    %broadcast_in_dim3A_229 = vector.shape_cast %reduce_min3A_228 : vector<64xf32> to vector<64x1xf32>
    %eq3A_230 = vector.broadcast %broadcast_in_dim3A_229 : vector<64x1xf32> to vector<64x128xf32>
    %eq3A_231 = arith.cmpf oeq, %select_n3A_219, %eq3A_230 : vector<64x128xf32>
    %jit3A_232 = arith.constant 1073741824 : i32
    %broadcast_in_dim3A_233 = vector.broadcast %jit3A_232 : i32 to vector<64x128xi32>
    %select_n3A_234 = arith.select %eq3A_231, %select_n3A_220, %broadcast_in_dim3A_233 : vector<64x128xi1>, vector<64x128xi32>
    %reduce_min3A_235 = arith.constant dense<2147483647> : vector<64xi32>
    %reduce_min3A_236 = vector.multi_reduction <minsi>, %select_n3A_234, %reduce_min3A_235 [1] : vector<64x128xi32> to vector<64xi32>
    %broadcast_in_dim3A_237 = vector.shape_cast %reduce_min3A_236 : vector<64xi32> to vector<64x1xi32>
    %eq3A_238 = vector.broadcast %broadcast_in_dim3A_237 : vector<64x1xi32> to vector<64x128xi32>
    %eq3A_239 = arith.cmpi eq, %select_n3A_220, %eq3A_238 : vector<64x128xi32>
    %convert_element_type3A_240 = arith.extui %eq3A_239 : vector<64x128xi1> to vector<64x128xi32>
    %add3A_241 = arith.addi %add3A_190, %convert_element_type3A_240 : vector<64x128xi32>
    %eq3A_242 = arith.constant 1 : i32
    %eq3A_243 = vector.broadcast %eq3A_242 : i32 to vector<64x128xi32>
    %eq3A_244 = arith.cmpi eq, %add3A_241, %eq3A_243 : vector<64x128xi32>
    %eq3A_245 = arith.constant 2 : i32
    %eq3A_246 = vector.broadcast %eq3A_245 : i32 to vector<64x128xi32>
    %eq3A_247 = arith.cmpi eq, %add3A_241, %eq3A_246 : vector<64x128xi32>
    %eq3A_248 = arith.constant 3 : i32
    %eq3A_249 = vector.broadcast %eq3A_248 : i32 to vector<64x128xi32>
    %eq3A_250 = arith.cmpi eq, %add3A_241, %eq3A_249 : vector<64x128xi32>
    %jit3A_251 = arith.constant 0x7F800000 : f32
    %broadcast_in_dim3A_252 = vector.broadcast %jit3A_251 : f32 to vector<64x128xf32>
    %select_n3A_253 = arith.select %eq3A_250, %reduce_min3A_109, %broadcast_in_dim3A_252 : vector<64x128xi1>, vector<64x128xf32>
    %select_n3A_254 = arith.select %eq3A_247, %reduce_min3A_81, %select_n3A_253 : vector<64x128xi1>, vector<64x128xf32>
    %select_n3A_255 = arith.select %eq3A_244, %reduce_min3A_53, %select_n3A_254 : vector<64x128xi1>, vector<64x128xf32>
    %eq3A_256 = arith.constant 1 : i32
    %eq3A_257 = vector.broadcast %eq3A_256 : i32 to vector<64x128xi32>
    %eq3A_258 = arith.cmpi eq, %add3A_241, %eq3A_257 : vector<64x128xi32>
    %eq3A_259 = arith.constant 2 : i32
    %eq3A_260 = vector.broadcast %eq3A_259 : i32 to vector<64x128xi32>
    %eq3A_261 = arith.cmpi eq, %add3A_241, %eq3A_260 : vector<64x128xi32>
    %eq3A_262 = arith.constant 3 : i32
    %eq3A_263 = vector.broadcast %eq3A_262 : i32 to vector<64x128xi32>
    %eq3A_264 = arith.cmpi eq, %add3A_241, %eq3A_263 : vector<64x128xi32>
    %jit3A_265 = arith.constant 1073741824 : i32
    %broadcast_in_dim3A_266 = vector.broadcast %jit3A_265 : i32 to vector<64x128xi32>
    %select_n3A_267 = arith.select %eq3A_264, %add3A_121, %broadcast_in_dim3A_266 : vector<64x128xi1>, vector<64x128xi32>
    %select_n3A_268 = arith.select %eq3A_261, %add3A_107, %select_n3A_267 : vector<64x128xi1>, vector<64x128xi32>
    %select_n3A_269 = arith.select %eq3A_258, %add3A_79, %select_n3A_268 : vector<64x128xi1>, vector<64x128xi32>
    %select_n3A_270 = arith.select %eq3A_239, %select_n3A_255, %select_n3A_219 : vector<64x128xi1>, vector<64x128xf32>
    %select_n3A_271 = arith.select %eq3A_239, %select_n3A_269, %select_n3A_220 : vector<64x128xi1>, vector<64x128xi32>
    %eq3A_272 = arith.constant 2 : i32
    %eq3A_273 = vector.broadcast %eq3A_272 : i32 to vector<64x16xi32>
    %eq3A_274 = arith.cmpi eq, %iota3A, %eq3A_273 : vector<64x16xi32>
    %broadcast_in_dim3A_275 = vector.shape_cast %broadcast_in_dim3A_237 : vector<64x1xi32> to vector<64x1xi32>
    %broadcast_in_dim3A_276 = vector.broadcast %broadcast_in_dim3A_275 : vector<64x1xi32> to vector<64x16xi32>
    %select_n3A_277 = arith.select %eq3A_274, %broadcast_in_dim3A_276, %select_n3A_226 : vector<64x16xi1>, vector<64x16xi32>
    %reduce_min3A_278 = arith.constant dense<0x7F800000> : vector<64xf32>
    %reduce_min3A_279 = vector.multi_reduction <minimumf>, %select_n3A_270, %reduce_min3A_278 [1] : vector<64x128xf32> to vector<64xf32>
    %broadcast_in_dim3A_280 = vector.shape_cast %reduce_min3A_279 : vector<64xf32> to vector<64x1xf32>
    %eq3A_281 = vector.broadcast %broadcast_in_dim3A_280 : vector<64x1xf32> to vector<64x128xf32>
    %eq3A_282 = arith.cmpf oeq, %select_n3A_270, %eq3A_281 : vector<64x128xf32>
    %jit3A_283 = arith.constant 1073741824 : i32
    %broadcast_in_dim3A_284 = vector.broadcast %jit3A_283 : i32 to vector<64x128xi32>
    %select_n3A_285 = arith.select %eq3A_282, %select_n3A_271, %broadcast_in_dim3A_284 : vector<64x128xi1>, vector<64x128xi32>
    %reduce_min3A_286 = arith.constant dense<2147483647> : vector<64xi32>
    %reduce_min3A_287 = vector.multi_reduction <minsi>, %select_n3A_285, %reduce_min3A_286 [1] : vector<64x128xi32> to vector<64xi32>
    %broadcast_in_dim3A_288 = vector.shape_cast %reduce_min3A_287 : vector<64xi32> to vector<64x1xi32>
    %eq3A_289 = vector.broadcast %broadcast_in_dim3A_288 : vector<64x1xi32> to vector<64x128xi32>
    %eq3A_290 = arith.cmpi eq, %select_n3A_271, %eq3A_289 : vector<64x128xi32>
    %convert_element_type3A_291 = arith.extui %eq3A_290 : vector<64x128xi1> to vector<64x128xi32>
    %add3A_292 = arith.addi %add3A_241, %convert_element_type3A_291 : vector<64x128xi32>
    %eq3A_293 = arith.constant 1 : i32
    %eq3A_294 = vector.broadcast %eq3A_293 : i32 to vector<64x128xi32>
    %eq3A_295 = arith.cmpi eq, %add3A_292, %eq3A_294 : vector<64x128xi32>
    %eq3A_296 = arith.constant 2 : i32
    %eq3A_297 = vector.broadcast %eq3A_296 : i32 to vector<64x128xi32>
    %eq3A_298 = arith.cmpi eq, %add3A_292, %eq3A_297 : vector<64x128xi32>
    %eq3A_299 = arith.constant 3 : i32
    %eq3A_300 = vector.broadcast %eq3A_299 : i32 to vector<64x128xi32>
    %eq3A_301 = arith.cmpi eq, %add3A_292, %eq3A_300 : vector<64x128xi32>
    %jit3A_302 = arith.constant 0x7F800000 : f32
    %broadcast_in_dim3A_303 = vector.broadcast %jit3A_302 : f32 to vector<64x128xf32>
    %select_n3A_304 = arith.select %eq3A_301, %reduce_min3A_109, %broadcast_in_dim3A_303 : vector<64x128xi1>, vector<64x128xf32>
    %select_n3A_305 = arith.select %eq3A_298, %reduce_min3A_81, %select_n3A_304 : vector<64x128xi1>, vector<64x128xf32>
    %select_n3A_306 = arith.select %eq3A_295, %reduce_min3A_53, %select_n3A_305 : vector<64x128xi1>, vector<64x128xf32>
    %eq3A_307 = arith.constant 1 : i32
    %eq3A_308 = vector.broadcast %eq3A_307 : i32 to vector<64x128xi32>
    %eq3A_309 = arith.cmpi eq, %add3A_292, %eq3A_308 : vector<64x128xi32>
    %eq3A_310 = arith.constant 2 : i32
    %eq3A_311 = vector.broadcast %eq3A_310 : i32 to vector<64x128xi32>
    %eq3A_312 = arith.cmpi eq, %add3A_292, %eq3A_311 : vector<64x128xi32>
    %eq3A_313 = arith.constant 3 : i32
    %eq3A_314 = vector.broadcast %eq3A_313 : i32 to vector<64x128xi32>
    %eq3A_315 = arith.cmpi eq, %add3A_292, %eq3A_314 : vector<64x128xi32>
    %jit3A_316 = arith.constant 1073741824 : i32
    %broadcast_in_dim3A_317 = vector.broadcast %jit3A_316 : i32 to vector<64x128xi32>
    %select_n3A_318 = arith.select %eq3A_315, %add3A_121, %broadcast_in_dim3A_317 : vector<64x128xi1>, vector<64x128xi32>
    %select_n3A_319 = arith.select %eq3A_312, %add3A_107, %select_n3A_318 : vector<64x128xi1>, vector<64x128xi32>
    %select_n3A_320 = arith.select %eq3A_309, %add3A_79, %select_n3A_319 : vector<64x128xi1>, vector<64x128xi32>
    %select_n3A_321 = arith.select %eq3A_290, %select_n3A_306, %select_n3A_270 : vector<64x128xi1>, vector<64x128xf32>
    %select_n3A_322 = arith.select %eq3A_290, %select_n3A_320, %select_n3A_271 : vector<64x128xi1>, vector<64x128xi32>
    %eq3A_323 = arith.constant 3 : i32
    %eq3A_324 = vector.broadcast %eq3A_323 : i32 to vector<64x16xi32>
    %eq3A_325 = arith.cmpi eq, %iota3A, %eq3A_324 : vector<64x16xi32>
    %broadcast_in_dim3A_326 = vector.shape_cast %broadcast_in_dim3A_288 : vector<64x1xi32> to vector<64x1xi32>
    %broadcast_in_dim3A_327 = vector.broadcast %broadcast_in_dim3A_326 : vector<64x1xi32> to vector<64x16xi32>
    %select_n3A_328 = arith.select %eq3A_325, %broadcast_in_dim3A_327, %select_n3A_277 : vector<64x16xi1>, vector<64x16xi32>
    %reduce_min3A_329 = arith.constant dense<0x7F800000> : vector<64xf32>
    %reduce_min3A_330 = vector.multi_reduction <minimumf>, %select_n3A_321, %reduce_min3A_329 [1] : vector<64x128xf32> to vector<64xf32>
    %broadcast_in_dim3A_331 = vector.shape_cast %reduce_min3A_330 : vector<64xf32> to vector<64x1xf32>
    %eq3A_332 = vector.broadcast %broadcast_in_dim3A_331 : vector<64x1xf32> to vector<64x128xf32>
    %eq3A_333 = arith.cmpf oeq, %select_n3A_321, %eq3A_332 : vector<64x128xf32>
    %jit3A_334 = arith.constant 1073741824 : i32
    %broadcast_in_dim3A_335 = vector.broadcast %jit3A_334 : i32 to vector<64x128xi32>
    %select_n3A_336 = arith.select %eq3A_333, %select_n3A_322, %broadcast_in_dim3A_335 : vector<64x128xi1>, vector<64x128xi32>
    %reduce_min3A_337 = arith.constant dense<2147483647> : vector<64xi32>
    %reduce_min3A_338 = vector.multi_reduction <minsi>, %select_n3A_336, %reduce_min3A_337 [1] : vector<64x128xi32> to vector<64xi32>
    %broadcast_in_dim3A_339 = vector.shape_cast %reduce_min3A_338 : vector<64xi32> to vector<64x1xi32>
    %eq3A_340 = vector.broadcast %broadcast_in_dim3A_339 : vector<64x1xi32> to vector<64x128xi32>
    %eq3A_341 = arith.cmpi eq, %select_n3A_322, %eq3A_340 : vector<64x128xi32>
    %convert_element_type3A_342 = arith.extui %eq3A_341 : vector<64x128xi1> to vector<64x128xi32>
    %add3A_343 = arith.addi %add3A_292, %convert_element_type3A_342 : vector<64x128xi32>
    %eq3A_344 = arith.constant 1 : i32
    %eq3A_345 = vector.broadcast %eq3A_344 : i32 to vector<64x128xi32>
    %eq3A_346 = arith.cmpi eq, %add3A_343, %eq3A_345 : vector<64x128xi32>
    %eq3A_347 = arith.constant 2 : i32
    %eq3A_348 = vector.broadcast %eq3A_347 : i32 to vector<64x128xi32>
    %eq3A_349 = arith.cmpi eq, %add3A_343, %eq3A_348 : vector<64x128xi32>
    %eq3A_350 = arith.constant 3 : i32
    %eq3A_351 = vector.broadcast %eq3A_350 : i32 to vector<64x128xi32>
    %eq3A_352 = arith.cmpi eq, %add3A_343, %eq3A_351 : vector<64x128xi32>
    %jit3A_353 = arith.constant 0x7F800000 : f32
    %broadcast_in_dim3A_354 = vector.broadcast %jit3A_353 : f32 to vector<64x128xf32>
    %select_n3A_355 = arith.select %eq3A_352, %reduce_min3A_109, %broadcast_in_dim3A_354 : vector<64x128xi1>, vector<64x128xf32>
    %select_n3A_356 = arith.select %eq3A_349, %reduce_min3A_81, %select_n3A_355 : vector<64x128xi1>, vector<64x128xf32>
    %select_n3A_357 = arith.select %eq3A_346, %reduce_min3A_53, %select_n3A_356 : vector<64x128xi1>, vector<64x128xf32>
    %eq3A_358 = arith.constant 1 : i32
    %eq3A_359 = vector.broadcast %eq3A_358 : i32 to vector<64x128xi32>
    %eq3A_360 = arith.cmpi eq, %add3A_343, %eq3A_359 : vector<64x128xi32>
    %eq3A_361 = arith.constant 2 : i32
    %eq3A_362 = vector.broadcast %eq3A_361 : i32 to vector<64x128xi32>
    %eq3A_363 = arith.cmpi eq, %add3A_343, %eq3A_362 : vector<64x128xi32>
    %eq3A_364 = arith.constant 3 : i32
    %eq3A_365 = vector.broadcast %eq3A_364 : i32 to vector<64x128xi32>
    %eq3A_366 = arith.cmpi eq, %add3A_343, %eq3A_365 : vector<64x128xi32>
    %jit3A_367 = arith.constant 1073741824 : i32
    %broadcast_in_dim3A_368 = vector.broadcast %jit3A_367 : i32 to vector<64x128xi32>
    %select_n3A_369 = arith.select %eq3A_366, %add3A_121, %broadcast_in_dim3A_368 : vector<64x128xi1>, vector<64x128xi32>
    %select_n3A_370 = arith.select %eq3A_363, %add3A_107, %select_n3A_369 : vector<64x128xi1>, vector<64x128xi32>
    %select_n3A_371 = arith.select %eq3A_360, %add3A_79, %select_n3A_370 : vector<64x128xi1>, vector<64x128xi32>
    %select_n3A_372 = arith.select %eq3A_341, %select_n3A_357, %select_n3A_321 : vector<64x128xi1>, vector<64x128xf32>
    %select_n3A_373 = arith.select %eq3A_341, %select_n3A_371, %select_n3A_322 : vector<64x128xi1>, vector<64x128xi32>
    %eq3A_374 = arith.constant 4 : i32
    %eq3A_375 = vector.broadcast %eq3A_374 : i32 to vector<64x16xi32>
    %eq3A_376 = arith.cmpi eq, %iota3A, %eq3A_375 : vector<64x16xi32>
    %broadcast_in_dim3A_377 = vector.shape_cast %broadcast_in_dim3A_339 : vector<64x1xi32> to vector<64x1xi32>
    %broadcast_in_dim3A_378 = vector.broadcast %broadcast_in_dim3A_377 : vector<64x1xi32> to vector<64x16xi32>
    %select_n3A_379 = arith.select %eq3A_376, %broadcast_in_dim3A_378, %select_n3A_328 : vector<64x16xi1>, vector<64x16xi32>
    %reduce_min3A_380 = arith.constant dense<0x7F800000> : vector<64xf32>
    %reduce_min3A_381 = vector.multi_reduction <minimumf>, %select_n3A_372, %reduce_min3A_380 [1] : vector<64x128xf32> to vector<64xf32>
    %broadcast_in_dim3A_382 = vector.shape_cast %reduce_min3A_381 : vector<64xf32> to vector<64x1xf32>
    %eq3A_383 = vector.broadcast %broadcast_in_dim3A_382 : vector<64x1xf32> to vector<64x128xf32>
    %eq3A_384 = arith.cmpf oeq, %select_n3A_372, %eq3A_383 : vector<64x128xf32>
    %jit3A_385 = arith.constant 1073741824 : i32
    %broadcast_in_dim3A_386 = vector.broadcast %jit3A_385 : i32 to vector<64x128xi32>
    %select_n3A_387 = arith.select %eq3A_384, %select_n3A_373, %broadcast_in_dim3A_386 : vector<64x128xi1>, vector<64x128xi32>
    %reduce_min3A_388 = arith.constant dense<2147483647> : vector<64xi32>
    %reduce_min3A_389 = vector.multi_reduction <minsi>, %select_n3A_387, %reduce_min3A_388 [1] : vector<64x128xi32> to vector<64xi32>
    %broadcast_in_dim3A_390 = vector.shape_cast %reduce_min3A_389 : vector<64xi32> to vector<64x1xi32>
    %eq3A_391 = vector.broadcast %broadcast_in_dim3A_390 : vector<64x1xi32> to vector<64x128xi32>
    %eq3A_392 = arith.cmpi eq, %select_n3A_373, %eq3A_391 : vector<64x128xi32>
    %convert_element_type3A_393 = arith.extui %eq3A_392 : vector<64x128xi1> to vector<64x128xi32>
    %add3A_394 = arith.addi %add3A_343, %convert_element_type3A_393 : vector<64x128xi32>
    %eq3A_395 = arith.constant 1 : i32
    %eq3A_396 = vector.broadcast %eq3A_395 : i32 to vector<64x128xi32>
    %eq3A_397 = arith.cmpi eq, %add3A_394, %eq3A_396 : vector<64x128xi32>
    %eq3A_398 = arith.constant 2 : i32
    %eq3A_399 = vector.broadcast %eq3A_398 : i32 to vector<64x128xi32>
    %eq3A_400 = arith.cmpi eq, %add3A_394, %eq3A_399 : vector<64x128xi32>
    %eq3A_401 = arith.constant 3 : i32
    %eq3A_402 = vector.broadcast %eq3A_401 : i32 to vector<64x128xi32>
    %eq3A_403 = arith.cmpi eq, %add3A_394, %eq3A_402 : vector<64x128xi32>
    %jit3A_404 = arith.constant 0x7F800000 : f32
    %broadcast_in_dim3A_405 = vector.broadcast %jit3A_404 : f32 to vector<64x128xf32>
    %select_n3A_406 = arith.select %eq3A_403, %reduce_min3A_109, %broadcast_in_dim3A_405 : vector<64x128xi1>, vector<64x128xf32>
    %select_n3A_407 = arith.select %eq3A_400, %reduce_min3A_81, %select_n3A_406 : vector<64x128xi1>, vector<64x128xf32>
    %select_n3A_408 = arith.select %eq3A_397, %reduce_min3A_53, %select_n3A_407 : vector<64x128xi1>, vector<64x128xf32>
    %eq3A_409 = arith.constant 1 : i32
    %eq3A_410 = vector.broadcast %eq3A_409 : i32 to vector<64x128xi32>
    %eq3A_411 = arith.cmpi eq, %add3A_394, %eq3A_410 : vector<64x128xi32>
    %eq3A_412 = arith.constant 2 : i32
    %eq3A_413 = vector.broadcast %eq3A_412 : i32 to vector<64x128xi32>
    %eq3A_414 = arith.cmpi eq, %add3A_394, %eq3A_413 : vector<64x128xi32>
    %eq3A_415 = arith.constant 3 : i32
    %eq3A_416 = vector.broadcast %eq3A_415 : i32 to vector<64x128xi32>
    %eq3A_417 = arith.cmpi eq, %add3A_394, %eq3A_416 : vector<64x128xi32>
    %jit3A_418 = arith.constant 1073741824 : i32
    %broadcast_in_dim3A_419 = vector.broadcast %jit3A_418 : i32 to vector<64x128xi32>
    %select_n3A_420 = arith.select %eq3A_417, %add3A_121, %broadcast_in_dim3A_419 : vector<64x128xi1>, vector<64x128xi32>
    %select_n3A_421 = arith.select %eq3A_414, %add3A_107, %select_n3A_420 : vector<64x128xi1>, vector<64x128xi32>
    %select_n3A_422 = arith.select %eq3A_411, %add3A_79, %select_n3A_421 : vector<64x128xi1>, vector<64x128xi32>
    %select_n3A_423 = arith.select %eq3A_392, %select_n3A_408, %select_n3A_372 : vector<64x128xi1>, vector<64x128xf32>
    %select_n3A_424 = arith.select %eq3A_392, %select_n3A_422, %select_n3A_373 : vector<64x128xi1>, vector<64x128xi32>
    %eq3A_425 = arith.constant 5 : i32
    %eq3A_426 = vector.broadcast %eq3A_425 : i32 to vector<64x16xi32>
    %eq3A_427 = arith.cmpi eq, %iota3A, %eq3A_426 : vector<64x16xi32>
    %broadcast_in_dim3A_428 = vector.shape_cast %broadcast_in_dim3A_390 : vector<64x1xi32> to vector<64x1xi32>
    %broadcast_in_dim3A_429 = vector.broadcast %broadcast_in_dim3A_428 : vector<64x1xi32> to vector<64x16xi32>
    %select_n3A_430 = arith.select %eq3A_427, %broadcast_in_dim3A_429, %select_n3A_379 : vector<64x16xi1>, vector<64x16xi32>
    %reduce_min3A_431 = arith.constant dense<0x7F800000> : vector<64xf32>
    %reduce_min3A_432 = vector.multi_reduction <minimumf>, %select_n3A_423, %reduce_min3A_431 [1] : vector<64x128xf32> to vector<64xf32>
    %broadcast_in_dim3A_433 = vector.shape_cast %reduce_min3A_432 : vector<64xf32> to vector<64x1xf32>
    %eq3A_434 = vector.broadcast %broadcast_in_dim3A_433 : vector<64x1xf32> to vector<64x128xf32>
    %eq3A_435 = arith.cmpf oeq, %select_n3A_423, %eq3A_434 : vector<64x128xf32>
    %jit3A_436 = arith.constant 1073741824 : i32
    %broadcast_in_dim3A_437 = vector.broadcast %jit3A_436 : i32 to vector<64x128xi32>
    %select_n3A_438 = arith.select %eq3A_435, %select_n3A_424, %broadcast_in_dim3A_437 : vector<64x128xi1>, vector<64x128xi32>
    %reduce_min3A_439 = arith.constant dense<2147483647> : vector<64xi32>
    %reduce_min3A_440 = vector.multi_reduction <minsi>, %select_n3A_438, %reduce_min3A_439 [1] : vector<64x128xi32> to vector<64xi32>
    %broadcast_in_dim3A_441 = vector.shape_cast %reduce_min3A_440 : vector<64xi32> to vector<64x1xi32>
    %eq3A_442 = vector.broadcast %broadcast_in_dim3A_441 : vector<64x1xi32> to vector<64x128xi32>
    %eq3A_443 = arith.cmpi eq, %select_n3A_424, %eq3A_442 : vector<64x128xi32>
    %convert_element_type3A_444 = arith.extui %eq3A_443 : vector<64x128xi1> to vector<64x128xi32>
    %add3A_445 = arith.addi %add3A_394, %convert_element_type3A_444 : vector<64x128xi32>
    %eq3A_446 = arith.constant 1 : i32
    %eq3A_447 = vector.broadcast %eq3A_446 : i32 to vector<64x128xi32>
    %eq3A_448 = arith.cmpi eq, %add3A_445, %eq3A_447 : vector<64x128xi32>
    %eq3A_449 = arith.constant 2 : i32
    %eq3A_450 = vector.broadcast %eq3A_449 : i32 to vector<64x128xi32>
    %eq3A_451 = arith.cmpi eq, %add3A_445, %eq3A_450 : vector<64x128xi32>
    %eq3A_452 = arith.constant 3 : i32
    %eq3A_453 = vector.broadcast %eq3A_452 : i32 to vector<64x128xi32>
    %eq3A_454 = arith.cmpi eq, %add3A_445, %eq3A_453 : vector<64x128xi32>
    %jit3A_455 = arith.constant 0x7F800000 : f32
    %broadcast_in_dim3A_456 = vector.broadcast %jit3A_455 : f32 to vector<64x128xf32>
    %select_n3A_457 = arith.select %eq3A_454, %reduce_min3A_109, %broadcast_in_dim3A_456 : vector<64x128xi1>, vector<64x128xf32>
    %select_n3A_458 = arith.select %eq3A_451, %reduce_min3A_81, %select_n3A_457 : vector<64x128xi1>, vector<64x128xf32>
    %select_n3A_459 = arith.select %eq3A_448, %reduce_min3A_53, %select_n3A_458 : vector<64x128xi1>, vector<64x128xf32>
    %eq3A_460 = arith.constant 1 : i32
    %eq3A_461 = vector.broadcast %eq3A_460 : i32 to vector<64x128xi32>
    %eq3A_462 = arith.cmpi eq, %add3A_445, %eq3A_461 : vector<64x128xi32>
    %eq3A_463 = arith.constant 2 : i32
    %eq3A_464 = vector.broadcast %eq3A_463 : i32 to vector<64x128xi32>
    %eq3A_465 = arith.cmpi eq, %add3A_445, %eq3A_464 : vector<64x128xi32>
    %eq3A_466 = arith.constant 3 : i32
    %eq3A_467 = vector.broadcast %eq3A_466 : i32 to vector<64x128xi32>
    %eq3A_468 = arith.cmpi eq, %add3A_445, %eq3A_467 : vector<64x128xi32>
    %jit3A_469 = arith.constant 1073741824 : i32
    %broadcast_in_dim3A_470 = vector.broadcast %jit3A_469 : i32 to vector<64x128xi32>
    %select_n3A_471 = arith.select %eq3A_468, %add3A_121, %broadcast_in_dim3A_470 : vector<64x128xi1>, vector<64x128xi32>
    %select_n3A_472 = arith.select %eq3A_465, %add3A_107, %select_n3A_471 : vector<64x128xi1>, vector<64x128xi32>
    %select_n3A_473 = arith.select %eq3A_462, %add3A_79, %select_n3A_472 : vector<64x128xi1>, vector<64x128xi32>
    %select_n3A_474 = arith.select %eq3A_443, %select_n3A_459, %select_n3A_423 : vector<64x128xi1>, vector<64x128xf32>
    %select_n3A_475 = arith.select %eq3A_443, %select_n3A_473, %select_n3A_424 : vector<64x128xi1>, vector<64x128xi32>
    %eq3A_476 = arith.constant 6 : i32
    %eq3A_477 = vector.broadcast %eq3A_476 : i32 to vector<64x16xi32>
    %eq3A_478 = arith.cmpi eq, %iota3A, %eq3A_477 : vector<64x16xi32>
    %broadcast_in_dim3A_479 = vector.shape_cast %broadcast_in_dim3A_441 : vector<64x1xi32> to vector<64x1xi32>
    %broadcast_in_dim3A_480 = vector.broadcast %broadcast_in_dim3A_479 : vector<64x1xi32> to vector<64x16xi32>
    %select_n3A_481 = arith.select %eq3A_478, %broadcast_in_dim3A_480, %select_n3A_430 : vector<64x16xi1>, vector<64x16xi32>
    %reduce_min3A_482 = arith.constant dense<0x7F800000> : vector<64xf32>
    %reduce_min3A_483 = vector.multi_reduction <minimumf>, %select_n3A_474, %reduce_min3A_482 [1] : vector<64x128xf32> to vector<64xf32>
    %broadcast_in_dim3A_484 = vector.shape_cast %reduce_min3A_483 : vector<64xf32> to vector<64x1xf32>
    %eq3A_485 = vector.broadcast %broadcast_in_dim3A_484 : vector<64x1xf32> to vector<64x128xf32>
    %eq3A_486 = arith.cmpf oeq, %select_n3A_474, %eq3A_485 : vector<64x128xf32>
    %jit3A_487 = arith.constant 1073741824 : i32
    %broadcast_in_dim3A_488 = vector.broadcast %jit3A_487 : i32 to vector<64x128xi32>
    %select_n3A_489 = arith.select %eq3A_486, %select_n3A_475, %broadcast_in_dim3A_488 : vector<64x128xi1>, vector<64x128xi32>
    %reduce_min3A_490 = arith.constant dense<2147483647> : vector<64xi32>
    %reduce_min3A_491 = vector.multi_reduction <minsi>, %select_n3A_489, %reduce_min3A_490 [1] : vector<64x128xi32> to vector<64xi32>
    %broadcast_in_dim3A_492 = vector.shape_cast %reduce_min3A_491 : vector<64xi32> to vector<64x1xi32>
    %eq3A_493 = vector.broadcast %broadcast_in_dim3A_492 : vector<64x1xi32> to vector<64x128xi32>
    %eq3A_494 = arith.cmpi eq, %select_n3A_475, %eq3A_493 : vector<64x128xi32>
    %convert_element_type3A_495 = arith.extui %eq3A_494 : vector<64x128xi1> to vector<64x128xi32>
    %add3A_496 = arith.addi %add3A_445, %convert_element_type3A_495 : vector<64x128xi32>
    %eq3A_497 = arith.constant 1 : i32
    %eq3A_498 = vector.broadcast %eq3A_497 : i32 to vector<64x128xi32>
    %eq3A_499 = arith.cmpi eq, %add3A_496, %eq3A_498 : vector<64x128xi32>
    %eq3A_500 = arith.constant 2 : i32
    %eq3A_501 = vector.broadcast %eq3A_500 : i32 to vector<64x128xi32>
    %eq3A_502 = arith.cmpi eq, %add3A_496, %eq3A_501 : vector<64x128xi32>
    %eq3A_503 = arith.constant 3 : i32
    %eq3A_504 = vector.broadcast %eq3A_503 : i32 to vector<64x128xi32>
    %eq3A_505 = arith.cmpi eq, %add3A_496, %eq3A_504 : vector<64x128xi32>
    %jit3A_506 = arith.constant 0x7F800000 : f32
    %broadcast_in_dim3A_507 = vector.broadcast %jit3A_506 : f32 to vector<64x128xf32>
    %select_n3A_508 = arith.select %eq3A_505, %reduce_min3A_109, %broadcast_in_dim3A_507 : vector<64x128xi1>, vector<64x128xf32>
    %select_n3A_509 = arith.select %eq3A_502, %reduce_min3A_81, %select_n3A_508 : vector<64x128xi1>, vector<64x128xf32>
    %select_n3A_510 = arith.select %eq3A_499, %reduce_min3A_53, %select_n3A_509 : vector<64x128xi1>, vector<64x128xf32>
    %eq3A_511 = arith.constant 1 : i32
    %eq3A_512 = vector.broadcast %eq3A_511 : i32 to vector<64x128xi32>
    %eq3A_513 = arith.cmpi eq, %add3A_496, %eq3A_512 : vector<64x128xi32>
    %eq3A_514 = arith.constant 2 : i32
    %eq3A_515 = vector.broadcast %eq3A_514 : i32 to vector<64x128xi32>
    %eq3A_516 = arith.cmpi eq, %add3A_496, %eq3A_515 : vector<64x128xi32>
    %eq3A_517 = arith.constant 3 : i32
    %eq3A_518 = vector.broadcast %eq3A_517 : i32 to vector<64x128xi32>
    %eq3A_519 = arith.cmpi eq, %add3A_496, %eq3A_518 : vector<64x128xi32>
    %jit3A_520 = arith.constant 1073741824 : i32
    %broadcast_in_dim3A_521 = vector.broadcast %jit3A_520 : i32 to vector<64x128xi32>
    %select_n3A_522 = arith.select %eq3A_519, %add3A_121, %broadcast_in_dim3A_521 : vector<64x128xi1>, vector<64x128xi32>
    %select_n3A_523 = arith.select %eq3A_516, %add3A_107, %select_n3A_522 : vector<64x128xi1>, vector<64x128xi32>
    %select_n3A_524 = arith.select %eq3A_513, %add3A_79, %select_n3A_523 : vector<64x128xi1>, vector<64x128xi32>
    %select_n3A_525 = arith.select %eq3A_494, %select_n3A_510, %select_n3A_474 : vector<64x128xi1>, vector<64x128xf32>
    %select_n3A_526 = arith.select %eq3A_494, %select_n3A_524, %select_n3A_475 : vector<64x128xi1>, vector<64x128xi32>
    %eq3A_527 = arith.constant 7 : i32
    %eq3A_528 = vector.broadcast %eq3A_527 : i32 to vector<64x16xi32>
    %eq3A_529 = arith.cmpi eq, %iota3A, %eq3A_528 : vector<64x16xi32>
    %broadcast_in_dim3A_530 = vector.shape_cast %broadcast_in_dim3A_492 : vector<64x1xi32> to vector<64x1xi32>
    %broadcast_in_dim3A_531 = vector.broadcast %broadcast_in_dim3A_530 : vector<64x1xi32> to vector<64x16xi32>
    %select_n3A_532 = arith.select %eq3A_529, %broadcast_in_dim3A_531, %select_n3A_481 : vector<64x16xi1>, vector<64x16xi32>
    %reduce_min3A_533 = arith.constant dense<0x7F800000> : vector<64xf32>
    %reduce_min3A_534 = vector.multi_reduction <minimumf>, %select_n3A_525, %reduce_min3A_533 [1] : vector<64x128xf32> to vector<64xf32>
    %broadcast_in_dim3A_535 = vector.shape_cast %reduce_min3A_534 : vector<64xf32> to vector<64x1xf32>
    %eq3A_536 = vector.broadcast %broadcast_in_dim3A_535 : vector<64x1xf32> to vector<64x128xf32>
    %eq3A_537 = arith.cmpf oeq, %select_n3A_525, %eq3A_536 : vector<64x128xf32>
    %jit3A_538 = arith.constant 1073741824 : i32
    %broadcast_in_dim3A_539 = vector.broadcast %jit3A_538 : i32 to vector<64x128xi32>
    %select_n3A_540 = arith.select %eq3A_537, %select_n3A_526, %broadcast_in_dim3A_539 : vector<64x128xi1>, vector<64x128xi32>
    %reduce_min3A_541 = arith.constant dense<2147483647> : vector<64xi32>
    %reduce_min3A_542 = vector.multi_reduction <minsi>, %select_n3A_540, %reduce_min3A_541 [1] : vector<64x128xi32> to vector<64xi32>
    %broadcast_in_dim3A_543 = vector.shape_cast %reduce_min3A_542 : vector<64xi32> to vector<64x1xi32>
    %eq3A_544 = vector.broadcast %broadcast_in_dim3A_543 : vector<64x1xi32> to vector<64x128xi32>
    %eq3A_545 = arith.cmpi eq, %select_n3A_526, %eq3A_544 : vector<64x128xi32>
    %convert_element_type3A_546 = arith.extui %eq3A_545 : vector<64x128xi1> to vector<64x128xi32>
    %add3A_547 = arith.addi %add3A_496, %convert_element_type3A_546 : vector<64x128xi32>
    %eq3A_548 = arith.constant 1 : i32
    %eq3A_549 = vector.broadcast %eq3A_548 : i32 to vector<64x128xi32>
    %eq3A_550 = arith.cmpi eq, %add3A_547, %eq3A_549 : vector<64x128xi32>
    %eq3A_551 = arith.constant 2 : i32
    %eq3A_552 = vector.broadcast %eq3A_551 : i32 to vector<64x128xi32>
    %eq3A_553 = arith.cmpi eq, %add3A_547, %eq3A_552 : vector<64x128xi32>
    %eq3A_554 = arith.constant 3 : i32
    %eq3A_555 = vector.broadcast %eq3A_554 : i32 to vector<64x128xi32>
    %eq3A_556 = arith.cmpi eq, %add3A_547, %eq3A_555 : vector<64x128xi32>
    %jit3A_557 = arith.constant 0x7F800000 : f32
    %broadcast_in_dim3A_558 = vector.broadcast %jit3A_557 : f32 to vector<64x128xf32>
    %select_n3A_559 = arith.select %eq3A_556, %reduce_min3A_109, %broadcast_in_dim3A_558 : vector<64x128xi1>, vector<64x128xf32>
    %select_n3A_560 = arith.select %eq3A_553, %reduce_min3A_81, %select_n3A_559 : vector<64x128xi1>, vector<64x128xf32>
    %select_n3A_561 = arith.select %eq3A_550, %reduce_min3A_53, %select_n3A_560 : vector<64x128xi1>, vector<64x128xf32>
    %eq3A_562 = arith.constant 1 : i32
    %eq3A_563 = vector.broadcast %eq3A_562 : i32 to vector<64x128xi32>
    %eq3A_564 = arith.cmpi eq, %add3A_547, %eq3A_563 : vector<64x128xi32>
    %eq3A_565 = arith.constant 2 : i32
    %eq3A_566 = vector.broadcast %eq3A_565 : i32 to vector<64x128xi32>
    %eq3A_567 = arith.cmpi eq, %add3A_547, %eq3A_566 : vector<64x128xi32>
    %eq3A_568 = arith.constant 3 : i32
    %eq3A_569 = vector.broadcast %eq3A_568 : i32 to vector<64x128xi32>
    %eq3A_570 = arith.cmpi eq, %add3A_547, %eq3A_569 : vector<64x128xi32>
    %jit3A_571 = arith.constant 1073741824 : i32
    %broadcast_in_dim3A_572 = vector.broadcast %jit3A_571 : i32 to vector<64x128xi32>
    %select_n3A_573 = arith.select %eq3A_570, %add3A_121, %broadcast_in_dim3A_572 : vector<64x128xi1>, vector<64x128xi32>
    %select_n3A_574 = arith.select %eq3A_567, %add3A_107, %select_n3A_573 : vector<64x128xi1>, vector<64x128xi32>
    %select_n3A_575 = arith.select %eq3A_564, %add3A_79, %select_n3A_574 : vector<64x128xi1>, vector<64x128xi32>
    %select_n3A_576 = arith.select %eq3A_545, %select_n3A_561, %select_n3A_525 : vector<64x128xi1>, vector<64x128xf32>
    %select_n3A_577 = arith.select %eq3A_545, %select_n3A_575, %select_n3A_526 : vector<64x128xi1>, vector<64x128xi32>
    %eq3A_578 = arith.constant 8 : i32
    %eq3A_579 = vector.broadcast %eq3A_578 : i32 to vector<64x16xi32>
    %eq3A_580 = arith.cmpi eq, %iota3A, %eq3A_579 : vector<64x16xi32>
    %broadcast_in_dim3A_581 = vector.shape_cast %broadcast_in_dim3A_543 : vector<64x1xi32> to vector<64x1xi32>
    %broadcast_in_dim3A_582 = vector.broadcast %broadcast_in_dim3A_581 : vector<64x1xi32> to vector<64x16xi32>
    %select_n3A_583 = arith.select %eq3A_580, %broadcast_in_dim3A_582, %select_n3A_532 : vector<64x16xi1>, vector<64x16xi32>
    %reduce_min3A_584 = arith.constant dense<0x7F800000> : vector<64xf32>
    %reduce_min3A_585 = vector.multi_reduction <minimumf>, %select_n3A_576, %reduce_min3A_584 [1] : vector<64x128xf32> to vector<64xf32>
    %broadcast_in_dim3A_586 = vector.shape_cast %reduce_min3A_585 : vector<64xf32> to vector<64x1xf32>
    %eq3A_587 = vector.broadcast %broadcast_in_dim3A_586 : vector<64x1xf32> to vector<64x128xf32>
    %eq3A_588 = arith.cmpf oeq, %select_n3A_576, %eq3A_587 : vector<64x128xf32>
    %jit3A_589 = arith.constant 1073741824 : i32
    %broadcast_in_dim3A_590 = vector.broadcast %jit3A_589 : i32 to vector<64x128xi32>
    %select_n3A_591 = arith.select %eq3A_588, %select_n3A_577, %broadcast_in_dim3A_590 : vector<64x128xi1>, vector<64x128xi32>
    %reduce_min3A_592 = arith.constant dense<2147483647> : vector<64xi32>
    %reduce_min3A_593 = vector.multi_reduction <minsi>, %select_n3A_591, %reduce_min3A_592 [1] : vector<64x128xi32> to vector<64xi32>
    %broadcast_in_dim3A_594 = vector.shape_cast %reduce_min3A_593 : vector<64xi32> to vector<64x1xi32>
    %eq3A_595 = vector.broadcast %broadcast_in_dim3A_594 : vector<64x1xi32> to vector<64x128xi32>
    %eq3A_596 = arith.cmpi eq, %select_n3A_577, %eq3A_595 : vector<64x128xi32>
    %convert_element_type3A_597 = arith.extui %eq3A_596 : vector<64x128xi1> to vector<64x128xi32>
    %add3A_598 = arith.addi %add3A_547, %convert_element_type3A_597 : vector<64x128xi32>
    %eq3A_599 = arith.constant 1 : i32
    %eq3A_600 = vector.broadcast %eq3A_599 : i32 to vector<64x128xi32>
    %eq3A_601 = arith.cmpi eq, %add3A_598, %eq3A_600 : vector<64x128xi32>
    %eq3A_602 = arith.constant 2 : i32
    %eq3A_603 = vector.broadcast %eq3A_602 : i32 to vector<64x128xi32>
    %eq3A_604 = arith.cmpi eq, %add3A_598, %eq3A_603 : vector<64x128xi32>
    %eq3A_605 = arith.constant 3 : i32
    %eq3A_606 = vector.broadcast %eq3A_605 : i32 to vector<64x128xi32>
    %eq3A_607 = arith.cmpi eq, %add3A_598, %eq3A_606 : vector<64x128xi32>
    %jit3A_608 = arith.constant 0x7F800000 : f32
    %broadcast_in_dim3A_609 = vector.broadcast %jit3A_608 : f32 to vector<64x128xf32>
    %select_n3A_610 = arith.select %eq3A_607, %reduce_min3A_109, %broadcast_in_dim3A_609 : vector<64x128xi1>, vector<64x128xf32>
    %select_n3A_611 = arith.select %eq3A_604, %reduce_min3A_81, %select_n3A_610 : vector<64x128xi1>, vector<64x128xf32>
    %select_n3A_612 = arith.select %eq3A_601, %reduce_min3A_53, %select_n3A_611 : vector<64x128xi1>, vector<64x128xf32>
    %eq3A_613 = arith.constant 1 : i32
    %eq3A_614 = vector.broadcast %eq3A_613 : i32 to vector<64x128xi32>
    %eq3A_615 = arith.cmpi eq, %add3A_598, %eq3A_614 : vector<64x128xi32>
    %eq3A_616 = arith.constant 2 : i32
    %eq3A_617 = vector.broadcast %eq3A_616 : i32 to vector<64x128xi32>
    %eq3A_618 = arith.cmpi eq, %add3A_598, %eq3A_617 : vector<64x128xi32>
    %eq3A_619 = arith.constant 3 : i32
    %eq3A_620 = vector.broadcast %eq3A_619 : i32 to vector<64x128xi32>
    %eq3A_621 = arith.cmpi eq, %add3A_598, %eq3A_620 : vector<64x128xi32>
    %jit3A_622 = arith.constant 1073741824 : i32
    %broadcast_in_dim3A_623 = vector.broadcast %jit3A_622 : i32 to vector<64x128xi32>
    %select_n3A_624 = arith.select %eq3A_621, %add3A_121, %broadcast_in_dim3A_623 : vector<64x128xi1>, vector<64x128xi32>
    %select_n3A_625 = arith.select %eq3A_618, %add3A_107, %select_n3A_624 : vector<64x128xi1>, vector<64x128xi32>
    %select_n3A_626 = arith.select %eq3A_615, %add3A_79, %select_n3A_625 : vector<64x128xi1>, vector<64x128xi32>
    %select_n3A_627 = arith.select %eq3A_596, %select_n3A_612, %select_n3A_576 : vector<64x128xi1>, vector<64x128xf32>
    %select_n3A_628 = arith.select %eq3A_596, %select_n3A_626, %select_n3A_577 : vector<64x128xi1>, vector<64x128xi32>
    %eq3A_629 = arith.constant 9 : i32
    %eq3A_630 = vector.broadcast %eq3A_629 : i32 to vector<64x16xi32>
    %eq3A_631 = arith.cmpi eq, %iota3A, %eq3A_630 : vector<64x16xi32>
    %broadcast_in_dim3A_632 = vector.shape_cast %broadcast_in_dim3A_594 : vector<64x1xi32> to vector<64x1xi32>
    %broadcast_in_dim3A_633 = vector.broadcast %broadcast_in_dim3A_632 : vector<64x1xi32> to vector<64x16xi32>
    %select_n3A_634 = arith.select %eq3A_631, %broadcast_in_dim3A_633, %select_n3A_583 : vector<64x16xi1>, vector<64x16xi32>
    %reduce_min3A_635 = arith.constant dense<0x7F800000> : vector<64xf32>
    %reduce_min3A_636 = vector.multi_reduction <minimumf>, %select_n3A_627, %reduce_min3A_635 [1] : vector<64x128xf32> to vector<64xf32>
    %broadcast_in_dim3A_637 = vector.shape_cast %reduce_min3A_636 : vector<64xf32> to vector<64x1xf32>
    %eq3A_638 = vector.broadcast %broadcast_in_dim3A_637 : vector<64x1xf32> to vector<64x128xf32>
    %eq3A_639 = arith.cmpf oeq, %select_n3A_627, %eq3A_638 : vector<64x128xf32>
    %jit3A_640 = arith.constant 1073741824 : i32
    %broadcast_in_dim3A_641 = vector.broadcast %jit3A_640 : i32 to vector<64x128xi32>
    %select_n3A_642 = arith.select %eq3A_639, %select_n3A_628, %broadcast_in_dim3A_641 : vector<64x128xi1>, vector<64x128xi32>
    %reduce_min3A_643 = arith.constant dense<2147483647> : vector<64xi32>
    %reduce_min3A_644 = vector.multi_reduction <minsi>, %select_n3A_642, %reduce_min3A_643 [1] : vector<64x128xi32> to vector<64xi32>
    %broadcast_in_dim3A_645 = vector.shape_cast %reduce_min3A_644 : vector<64xi32> to vector<64x1xi32>
    %eq3A_646 = vector.broadcast %broadcast_in_dim3A_645 : vector<64x1xi32> to vector<64x128xi32>
    %eq3A_647 = arith.cmpi eq, %select_n3A_628, %eq3A_646 : vector<64x128xi32>
    %convert_element_type3A_648 = arith.extui %eq3A_647 : vector<64x128xi1> to vector<64x128xi32>
    %add3A_649 = arith.addi %add3A_598, %convert_element_type3A_648 : vector<64x128xi32>
    %eq3A_650 = arith.constant 1 : i32
    %eq3A_651 = vector.broadcast %eq3A_650 : i32 to vector<64x128xi32>
    %eq3A_652 = arith.cmpi eq, %add3A_649, %eq3A_651 : vector<64x128xi32>
    %eq3A_653 = arith.constant 2 : i32
    %eq3A_654 = vector.broadcast %eq3A_653 : i32 to vector<64x128xi32>
    %eq3A_655 = arith.cmpi eq, %add3A_649, %eq3A_654 : vector<64x128xi32>
    %eq3A_656 = arith.constant 3 : i32
    %eq3A_657 = vector.broadcast %eq3A_656 : i32 to vector<64x128xi32>
    %eq3A_658 = arith.cmpi eq, %add3A_649, %eq3A_657 : vector<64x128xi32>
    %jit3A_659 = arith.constant 0x7F800000 : f32
    %broadcast_in_dim3A_660 = vector.broadcast %jit3A_659 : f32 to vector<64x128xf32>
    %select_n3A_661 = arith.select %eq3A_658, %reduce_min3A_109, %broadcast_in_dim3A_660 : vector<64x128xi1>, vector<64x128xf32>
    %select_n3A_662 = arith.select %eq3A_655, %reduce_min3A_81, %select_n3A_661 : vector<64x128xi1>, vector<64x128xf32>
    %select_n3A_663 = arith.select %eq3A_652, %reduce_min3A_53, %select_n3A_662 : vector<64x128xi1>, vector<64x128xf32>
    %eq3A_664 = arith.constant 1 : i32
    %eq3A_665 = vector.broadcast %eq3A_664 : i32 to vector<64x128xi32>
    %eq3A_666 = arith.cmpi eq, %add3A_649, %eq3A_665 : vector<64x128xi32>
    %eq3A_667 = arith.constant 2 : i32
    %eq3A_668 = vector.broadcast %eq3A_667 : i32 to vector<64x128xi32>
    %eq3A_669 = arith.cmpi eq, %add3A_649, %eq3A_668 : vector<64x128xi32>
    %eq3A_670 = arith.constant 3 : i32
    %eq3A_671 = vector.broadcast %eq3A_670 : i32 to vector<64x128xi32>
    %eq3A_672 = arith.cmpi eq, %add3A_649, %eq3A_671 : vector<64x128xi32>
    %jit3A_673 = arith.constant 1073741824 : i32
    %broadcast_in_dim3A_674 = vector.broadcast %jit3A_673 : i32 to vector<64x128xi32>
    %select_n3A_675 = arith.select %eq3A_672, %add3A_121, %broadcast_in_dim3A_674 : vector<64x128xi1>, vector<64x128xi32>
    %select_n3A_676 = arith.select %eq3A_669, %add3A_107, %select_n3A_675 : vector<64x128xi1>, vector<64x128xi32>
    %select_n3A_677 = arith.select %eq3A_666, %add3A_79, %select_n3A_676 : vector<64x128xi1>, vector<64x128xi32>
    %select_n3A_678 = arith.select %eq3A_647, %select_n3A_663, %select_n3A_627 : vector<64x128xi1>, vector<64x128xf32>
    %select_n3A_679 = arith.select %eq3A_647, %select_n3A_677, %select_n3A_628 : vector<64x128xi1>, vector<64x128xi32>
    %eq3A_680 = arith.constant 10 : i32
    %eq3A_681 = vector.broadcast %eq3A_680 : i32 to vector<64x16xi32>
    %eq3A_682 = arith.cmpi eq, %iota3A, %eq3A_681 : vector<64x16xi32>
    %broadcast_in_dim3A_683 = vector.shape_cast %broadcast_in_dim3A_645 : vector<64x1xi32> to vector<64x1xi32>
    %broadcast_in_dim3A_684 = vector.broadcast %broadcast_in_dim3A_683 : vector<64x1xi32> to vector<64x16xi32>
    %select_n3A_685 = arith.select %eq3A_682, %broadcast_in_dim3A_684, %select_n3A_634 : vector<64x16xi1>, vector<64x16xi32>
    %reduce_min3A_686 = arith.constant dense<0x7F800000> : vector<64xf32>
    %reduce_min3A_687 = vector.multi_reduction <minimumf>, %select_n3A_678, %reduce_min3A_686 [1] : vector<64x128xf32> to vector<64xf32>
    %broadcast_in_dim3A_688 = vector.shape_cast %reduce_min3A_687 : vector<64xf32> to vector<64x1xf32>
    %eq3A_689 = vector.broadcast %broadcast_in_dim3A_688 : vector<64x1xf32> to vector<64x128xf32>
    %eq3A_690 = arith.cmpf oeq, %select_n3A_678, %eq3A_689 : vector<64x128xf32>
    %jit3A_691 = arith.constant 1073741824 : i32
    %broadcast_in_dim3A_692 = vector.broadcast %jit3A_691 : i32 to vector<64x128xi32>
    %select_n3A_693 = arith.select %eq3A_690, %select_n3A_679, %broadcast_in_dim3A_692 : vector<64x128xi1>, vector<64x128xi32>
    %reduce_min3A_694 = arith.constant dense<2147483647> : vector<64xi32>
    %reduce_min3A_695 = vector.multi_reduction <minsi>, %select_n3A_693, %reduce_min3A_694 [1] : vector<64x128xi32> to vector<64xi32>
    %broadcast_in_dim3A_696 = vector.shape_cast %reduce_min3A_695 : vector<64xi32> to vector<64x1xi32>
    %eq3A_697 = vector.broadcast %broadcast_in_dim3A_696 : vector<64x1xi32> to vector<64x128xi32>
    %eq3A_698 = arith.cmpi eq, %select_n3A_679, %eq3A_697 : vector<64x128xi32>
    %convert_element_type3A_699 = arith.extui %eq3A_698 : vector<64x128xi1> to vector<64x128xi32>
    %add3A_700 = arith.addi %add3A_649, %convert_element_type3A_699 : vector<64x128xi32>
    %eq3A_701 = arith.constant 1 : i32
    %eq3A_702 = vector.broadcast %eq3A_701 : i32 to vector<64x128xi32>
    %eq3A_703 = arith.cmpi eq, %add3A_700, %eq3A_702 : vector<64x128xi32>
    %eq3A_704 = arith.constant 2 : i32
    %eq3A_705 = vector.broadcast %eq3A_704 : i32 to vector<64x128xi32>
    %eq3A_706 = arith.cmpi eq, %add3A_700, %eq3A_705 : vector<64x128xi32>
    %eq3A_707 = arith.constant 3 : i32
    %eq3A_708 = vector.broadcast %eq3A_707 : i32 to vector<64x128xi32>
    %eq3A_709 = arith.cmpi eq, %add3A_700, %eq3A_708 : vector<64x128xi32>
    %jit3A_710 = arith.constant 0x7F800000 : f32
    %broadcast_in_dim3A_711 = vector.broadcast %jit3A_710 : f32 to vector<64x128xf32>
    %select_n3A_712 = arith.select %eq3A_709, %reduce_min3A_109, %broadcast_in_dim3A_711 : vector<64x128xi1>, vector<64x128xf32>
    %select_n3A_713 = arith.select %eq3A_706, %reduce_min3A_81, %select_n3A_712 : vector<64x128xi1>, vector<64x128xf32>
    %select_n3A_714 = arith.select %eq3A_703, %reduce_min3A_53, %select_n3A_713 : vector<64x128xi1>, vector<64x128xf32>
    %eq3A_715 = arith.constant 1 : i32
    %eq3A_716 = vector.broadcast %eq3A_715 : i32 to vector<64x128xi32>
    %eq3A_717 = arith.cmpi eq, %add3A_700, %eq3A_716 : vector<64x128xi32>
    %eq3A_718 = arith.constant 2 : i32
    %eq3A_719 = vector.broadcast %eq3A_718 : i32 to vector<64x128xi32>
    %eq3A_720 = arith.cmpi eq, %add3A_700, %eq3A_719 : vector<64x128xi32>
    %eq3A_721 = arith.constant 3 : i32
    %eq3A_722 = vector.broadcast %eq3A_721 : i32 to vector<64x128xi32>
    %eq3A_723 = arith.cmpi eq, %add3A_700, %eq3A_722 : vector<64x128xi32>
    %jit3A_724 = arith.constant 1073741824 : i32
    %broadcast_in_dim3A_725 = vector.broadcast %jit3A_724 : i32 to vector<64x128xi32>
    %select_n3A_726 = arith.select %eq3A_723, %add3A_121, %broadcast_in_dim3A_725 : vector<64x128xi1>, vector<64x128xi32>
    %select_n3A_727 = arith.select %eq3A_720, %add3A_107, %select_n3A_726 : vector<64x128xi1>, vector<64x128xi32>
    %select_n3A_728 = arith.select %eq3A_717, %add3A_79, %select_n3A_727 : vector<64x128xi1>, vector<64x128xi32>
    %select_n3A_729 = arith.select %eq3A_698, %select_n3A_714, %select_n3A_678 : vector<64x128xi1>, vector<64x128xf32>
    %select_n3A_730 = arith.select %eq3A_698, %select_n3A_728, %select_n3A_679 : vector<64x128xi1>, vector<64x128xi32>
    %eq3A_731 = arith.constant 11 : i32
    %eq3A_732 = vector.broadcast %eq3A_731 : i32 to vector<64x16xi32>
    %eq3A_733 = arith.cmpi eq, %iota3A, %eq3A_732 : vector<64x16xi32>
    %broadcast_in_dim3A_734 = vector.shape_cast %broadcast_in_dim3A_696 : vector<64x1xi32> to vector<64x1xi32>
    %broadcast_in_dim3A_735 = vector.broadcast %broadcast_in_dim3A_734 : vector<64x1xi32> to vector<64x16xi32>
    %select_n3A_736 = arith.select %eq3A_733, %broadcast_in_dim3A_735, %select_n3A_685 : vector<64x16xi1>, vector<64x16xi32>
    %reduce_min3A_737 = arith.constant dense<0x7F800000> : vector<64xf32>
    %reduce_min3A_738 = vector.multi_reduction <minimumf>, %select_n3A_729, %reduce_min3A_737 [1] : vector<64x128xf32> to vector<64xf32>
    %broadcast_in_dim3A_739 = vector.shape_cast %reduce_min3A_738 : vector<64xf32> to vector<64x1xf32>
    %eq3A_740 = vector.broadcast %broadcast_in_dim3A_739 : vector<64x1xf32> to vector<64x128xf32>
    %eq3A_741 = arith.cmpf oeq, %select_n3A_729, %eq3A_740 : vector<64x128xf32>
    %jit3A_742 = arith.constant 1073741824 : i32
    %broadcast_in_dim3A_743 = vector.broadcast %jit3A_742 : i32 to vector<64x128xi32>
    %select_n3A_744 = arith.select %eq3A_741, %select_n3A_730, %broadcast_in_dim3A_743 : vector<64x128xi1>, vector<64x128xi32>
    %reduce_min3A_745 = arith.constant dense<2147483647> : vector<64xi32>
    %reduce_min3A_746 = vector.multi_reduction <minsi>, %select_n3A_744, %reduce_min3A_745 [1] : vector<64x128xi32> to vector<64xi32>
    %broadcast_in_dim3A_747 = vector.shape_cast %reduce_min3A_746 : vector<64xi32> to vector<64x1xi32>
    %eq3A_748 = vector.broadcast %broadcast_in_dim3A_747 : vector<64x1xi32> to vector<64x128xi32>
    %eq3A_749 = arith.cmpi eq, %select_n3A_730, %eq3A_748 : vector<64x128xi32>
    %convert_element_type3A_750 = arith.extui %eq3A_749 : vector<64x128xi1> to vector<64x128xi32>
    %add3A_751 = arith.addi %add3A_700, %convert_element_type3A_750 : vector<64x128xi32>
    %eq3A_752 = arith.constant 1 : i32
    %eq3A_753 = vector.broadcast %eq3A_752 : i32 to vector<64x128xi32>
    %eq3A_754 = arith.cmpi eq, %add3A_751, %eq3A_753 : vector<64x128xi32>
    %eq3A_755 = arith.constant 2 : i32
    %eq3A_756 = vector.broadcast %eq3A_755 : i32 to vector<64x128xi32>
    %eq3A_757 = arith.cmpi eq, %add3A_751, %eq3A_756 : vector<64x128xi32>
    %eq3A_758 = arith.constant 3 : i32
    %eq3A_759 = vector.broadcast %eq3A_758 : i32 to vector<64x128xi32>
    %eq3A_760 = arith.cmpi eq, %add3A_751, %eq3A_759 : vector<64x128xi32>
    %jit3A_761 = arith.constant 0x7F800000 : f32
    %broadcast_in_dim3A_762 = vector.broadcast %jit3A_761 : f32 to vector<64x128xf32>
    %select_n3A_763 = arith.select %eq3A_760, %reduce_min3A_109, %broadcast_in_dim3A_762 : vector<64x128xi1>, vector<64x128xf32>
    %select_n3A_764 = arith.select %eq3A_757, %reduce_min3A_81, %select_n3A_763 : vector<64x128xi1>, vector<64x128xf32>
    %select_n3A_765 = arith.select %eq3A_754, %reduce_min3A_53, %select_n3A_764 : vector<64x128xi1>, vector<64x128xf32>
    %eq3A_766 = arith.constant 1 : i32
    %eq3A_767 = vector.broadcast %eq3A_766 : i32 to vector<64x128xi32>
    %eq3A_768 = arith.cmpi eq, %add3A_751, %eq3A_767 : vector<64x128xi32>
    %eq3A_769 = arith.constant 2 : i32
    %eq3A_770 = vector.broadcast %eq3A_769 : i32 to vector<64x128xi32>
    %eq3A_771 = arith.cmpi eq, %add3A_751, %eq3A_770 : vector<64x128xi32>
    %eq3A_772 = arith.constant 3 : i32
    %eq3A_773 = vector.broadcast %eq3A_772 : i32 to vector<64x128xi32>
    %eq3A_774 = arith.cmpi eq, %add3A_751, %eq3A_773 : vector<64x128xi32>
    %jit3A_775 = arith.constant 1073741824 : i32
    %broadcast_in_dim3A_776 = vector.broadcast %jit3A_775 : i32 to vector<64x128xi32>
    %select_n3A_777 = arith.select %eq3A_774, %add3A_121, %broadcast_in_dim3A_776 : vector<64x128xi1>, vector<64x128xi32>
    %select_n3A_778 = arith.select %eq3A_771, %add3A_107, %select_n3A_777 : vector<64x128xi1>, vector<64x128xi32>
    %select_n3A_779 = arith.select %eq3A_768, %add3A_79, %select_n3A_778 : vector<64x128xi1>, vector<64x128xi32>
    %select_n3A_780 = arith.select %eq3A_749, %select_n3A_765, %select_n3A_729 : vector<64x128xi1>, vector<64x128xf32>
    %select_n3A_781 = arith.select %eq3A_749, %select_n3A_779, %select_n3A_730 : vector<64x128xi1>, vector<64x128xi32>
    %eq3A_782 = arith.constant 12 : i32
    %eq3A_783 = vector.broadcast %eq3A_782 : i32 to vector<64x16xi32>
    %eq3A_784 = arith.cmpi eq, %iota3A, %eq3A_783 : vector<64x16xi32>
    %broadcast_in_dim3A_785 = vector.shape_cast %broadcast_in_dim3A_747 : vector<64x1xi32> to vector<64x1xi32>
    %broadcast_in_dim3A_786 = vector.broadcast %broadcast_in_dim3A_785 : vector<64x1xi32> to vector<64x16xi32>
    %select_n3A_787 = arith.select %eq3A_784, %broadcast_in_dim3A_786, %select_n3A_736 : vector<64x16xi1>, vector<64x16xi32>
    %reduce_min3A_788 = arith.constant dense<0x7F800000> : vector<64xf32>
    %reduce_min3A_789 = vector.multi_reduction <minimumf>, %select_n3A_780, %reduce_min3A_788 [1] : vector<64x128xf32> to vector<64xf32>
    %broadcast_in_dim3A_790 = vector.shape_cast %reduce_min3A_789 : vector<64xf32> to vector<64x1xf32>
    %eq3A_791 = vector.broadcast %broadcast_in_dim3A_790 : vector<64x1xf32> to vector<64x128xf32>
    %eq3A_792 = arith.cmpf oeq, %select_n3A_780, %eq3A_791 : vector<64x128xf32>
    %jit3A_793 = arith.constant 1073741824 : i32
    %broadcast_in_dim3A_794 = vector.broadcast %jit3A_793 : i32 to vector<64x128xi32>
    %select_n3A_795 = arith.select %eq3A_792, %select_n3A_781, %broadcast_in_dim3A_794 : vector<64x128xi1>, vector<64x128xi32>
    %reduce_min3A_796 = arith.constant dense<2147483647> : vector<64xi32>
    %reduce_min3A_797 = vector.multi_reduction <minsi>, %select_n3A_795, %reduce_min3A_796 [1] : vector<64x128xi32> to vector<64xi32>
    %broadcast_in_dim3A_798 = vector.shape_cast %reduce_min3A_797 : vector<64xi32> to vector<64x1xi32>
    %eq3A_799 = vector.broadcast %broadcast_in_dim3A_798 : vector<64x1xi32> to vector<64x128xi32>
    %eq3A_800 = arith.cmpi eq, %select_n3A_781, %eq3A_799 : vector<64x128xi32>
    %convert_element_type3A_801 = arith.extui %eq3A_800 : vector<64x128xi1> to vector<64x128xi32>
    %add3A_802 = arith.addi %add3A_751, %convert_element_type3A_801 : vector<64x128xi32>
    %eq3A_803 = arith.constant 1 : i32
    %eq3A_804 = vector.broadcast %eq3A_803 : i32 to vector<64x128xi32>
    %eq3A_805 = arith.cmpi eq, %add3A_802, %eq3A_804 : vector<64x128xi32>
    %eq3A_806 = arith.constant 2 : i32
    %eq3A_807 = vector.broadcast %eq3A_806 : i32 to vector<64x128xi32>
    %eq3A_808 = arith.cmpi eq, %add3A_802, %eq3A_807 : vector<64x128xi32>
    %eq3A_809 = arith.constant 3 : i32
    %eq3A_810 = vector.broadcast %eq3A_809 : i32 to vector<64x128xi32>
    %eq3A_811 = arith.cmpi eq, %add3A_802, %eq3A_810 : vector<64x128xi32>
    %jit3A_812 = arith.constant 0x7F800000 : f32
    %broadcast_in_dim3A_813 = vector.broadcast %jit3A_812 : f32 to vector<64x128xf32>
    %select_n3A_814 = arith.select %eq3A_811, %reduce_min3A_109, %broadcast_in_dim3A_813 : vector<64x128xi1>, vector<64x128xf32>
    %select_n3A_815 = arith.select %eq3A_808, %reduce_min3A_81, %select_n3A_814 : vector<64x128xi1>, vector<64x128xf32>
    %select_n3A_816 = arith.select %eq3A_805, %reduce_min3A_53, %select_n3A_815 : vector<64x128xi1>, vector<64x128xf32>
    %eq3A_817 = arith.constant 1 : i32
    %eq3A_818 = vector.broadcast %eq3A_817 : i32 to vector<64x128xi32>
    %eq3A_819 = arith.cmpi eq, %add3A_802, %eq3A_818 : vector<64x128xi32>
    %eq3A_820 = arith.constant 2 : i32
    %eq3A_821 = vector.broadcast %eq3A_820 : i32 to vector<64x128xi32>
    %eq3A_822 = arith.cmpi eq, %add3A_802, %eq3A_821 : vector<64x128xi32>
    %eq3A_823 = arith.constant 3 : i32
    %eq3A_824 = vector.broadcast %eq3A_823 : i32 to vector<64x128xi32>
    %eq3A_825 = arith.cmpi eq, %add3A_802, %eq3A_824 : vector<64x128xi32>
    %jit3A_826 = arith.constant 1073741824 : i32
    %broadcast_in_dim3A_827 = vector.broadcast %jit3A_826 : i32 to vector<64x128xi32>
    %select_n3A_828 = arith.select %eq3A_825, %add3A_121, %broadcast_in_dim3A_827 : vector<64x128xi1>, vector<64x128xi32>
    %select_n3A_829 = arith.select %eq3A_822, %add3A_107, %select_n3A_828 : vector<64x128xi1>, vector<64x128xi32>
    %select_n3A_830 = arith.select %eq3A_819, %add3A_79, %select_n3A_829 : vector<64x128xi1>, vector<64x128xi32>
    %select_n3A_831 = arith.select %eq3A_800, %select_n3A_816, %select_n3A_780 : vector<64x128xi1>, vector<64x128xf32>
    %select_n3A_832 = arith.select %eq3A_800, %select_n3A_830, %select_n3A_781 : vector<64x128xi1>, vector<64x128xi32>
    %eq3A_833 = arith.constant 13 : i32
    %eq3A_834 = vector.broadcast %eq3A_833 : i32 to vector<64x16xi32>
    %eq3A_835 = arith.cmpi eq, %iota3A, %eq3A_834 : vector<64x16xi32>
    %broadcast_in_dim3A_836 = vector.shape_cast %broadcast_in_dim3A_798 : vector<64x1xi32> to vector<64x1xi32>
    %broadcast_in_dim3A_837 = vector.broadcast %broadcast_in_dim3A_836 : vector<64x1xi32> to vector<64x16xi32>
    %select_n3A_838 = arith.select %eq3A_835, %broadcast_in_dim3A_837, %select_n3A_787 : vector<64x16xi1>, vector<64x16xi32>
    %reduce_min3A_839 = arith.constant dense<0x7F800000> : vector<64xf32>
    %reduce_min3A_840 = vector.multi_reduction <minimumf>, %select_n3A_831, %reduce_min3A_839 [1] : vector<64x128xf32> to vector<64xf32>
    %broadcast_in_dim3A_841 = vector.shape_cast %reduce_min3A_840 : vector<64xf32> to vector<64x1xf32>
    %eq3A_842 = vector.broadcast %broadcast_in_dim3A_841 : vector<64x1xf32> to vector<64x128xf32>
    %eq3A_843 = arith.cmpf oeq, %select_n3A_831, %eq3A_842 : vector<64x128xf32>
    %jit3A_844 = arith.constant 1073741824 : i32
    %broadcast_in_dim3A_845 = vector.broadcast %jit3A_844 : i32 to vector<64x128xi32>
    %select_n3A_846 = arith.select %eq3A_843, %select_n3A_832, %broadcast_in_dim3A_845 : vector<64x128xi1>, vector<64x128xi32>
    %reduce_min3A_847 = arith.constant dense<2147483647> : vector<64xi32>
    %reduce_min3A_848 = vector.multi_reduction <minsi>, %select_n3A_846, %reduce_min3A_847 [1] : vector<64x128xi32> to vector<64xi32>
    %broadcast_in_dim3A_849 = vector.shape_cast %reduce_min3A_848 : vector<64xi32> to vector<64x1xi32>
    %eq3A_850 = vector.broadcast %broadcast_in_dim3A_849 : vector<64x1xi32> to vector<64x128xi32>
    %eq3A_851 = arith.cmpi eq, %select_n3A_832, %eq3A_850 : vector<64x128xi32>
    %convert_element_type3A_852 = arith.extui %eq3A_851 : vector<64x128xi1> to vector<64x128xi32>
    %add3A_853 = arith.addi %add3A_802, %convert_element_type3A_852 : vector<64x128xi32>
    %eq3A_854 = arith.constant 1 : i32
    %eq3A_855 = vector.broadcast %eq3A_854 : i32 to vector<64x128xi32>
    %eq3A_856 = arith.cmpi eq, %add3A_853, %eq3A_855 : vector<64x128xi32>
    %eq3A_857 = arith.constant 2 : i32
    %eq3A_858 = vector.broadcast %eq3A_857 : i32 to vector<64x128xi32>
    %eq3A_859 = arith.cmpi eq, %add3A_853, %eq3A_858 : vector<64x128xi32>
    %eq3A_860 = arith.constant 3 : i32
    %eq3A_861 = vector.broadcast %eq3A_860 : i32 to vector<64x128xi32>
    %eq3A_862 = arith.cmpi eq, %add3A_853, %eq3A_861 : vector<64x128xi32>
    %jit3A_863 = arith.constant 0x7F800000 : f32
    %broadcast_in_dim3A_864 = vector.broadcast %jit3A_863 : f32 to vector<64x128xf32>
    %select_n3A_865 = arith.select %eq3A_862, %reduce_min3A_109, %broadcast_in_dim3A_864 : vector<64x128xi1>, vector<64x128xf32>
    %select_n3A_866 = arith.select %eq3A_859, %reduce_min3A_81, %select_n3A_865 : vector<64x128xi1>, vector<64x128xf32>
    %select_n3A_867 = arith.select %eq3A_856, %reduce_min3A_53, %select_n3A_866 : vector<64x128xi1>, vector<64x128xf32>
    %eq3A_868 = arith.constant 1 : i32
    %eq3A_869 = vector.broadcast %eq3A_868 : i32 to vector<64x128xi32>
    %eq3A_870 = arith.cmpi eq, %add3A_853, %eq3A_869 : vector<64x128xi32>
    %eq3A_871 = arith.constant 2 : i32
    %eq3A_872 = vector.broadcast %eq3A_871 : i32 to vector<64x128xi32>
    %eq3A_873 = arith.cmpi eq, %add3A_853, %eq3A_872 : vector<64x128xi32>
    %eq3A_874 = arith.constant 3 : i32
    %eq3A_875 = vector.broadcast %eq3A_874 : i32 to vector<64x128xi32>
    %eq3A_876 = arith.cmpi eq, %add3A_853, %eq3A_875 : vector<64x128xi32>
    %jit3A_877 = arith.constant 1073741824 : i32
    %broadcast_in_dim3A_878 = vector.broadcast %jit3A_877 : i32 to vector<64x128xi32>
    %select_n3A_879 = arith.select %eq3A_876, %add3A_121, %broadcast_in_dim3A_878 : vector<64x128xi1>, vector<64x128xi32>
    %select_n3A_880 = arith.select %eq3A_873, %add3A_107, %select_n3A_879 : vector<64x128xi1>, vector<64x128xi32>
    %select_n3A_881 = arith.select %eq3A_870, %add3A_79, %select_n3A_880 : vector<64x128xi1>, vector<64x128xi32>
    %select_n3A_882 = arith.select %eq3A_851, %select_n3A_867, %select_n3A_831 : vector<64x128xi1>, vector<64x128xf32>
    %select_n3A_883 = arith.select %eq3A_851, %select_n3A_881, %select_n3A_832 : vector<64x128xi1>, vector<64x128xi32>
    %eq3A_884 = arith.constant 14 : i32
    %eq3A_885 = vector.broadcast %eq3A_884 : i32 to vector<64x16xi32>
    %eq3A_886 = arith.cmpi eq, %iota3A, %eq3A_885 : vector<64x16xi32>
    %broadcast_in_dim3A_887 = vector.shape_cast %broadcast_in_dim3A_849 : vector<64x1xi32> to vector<64x1xi32>
    %broadcast_in_dim3A_888 = vector.broadcast %broadcast_in_dim3A_887 : vector<64x1xi32> to vector<64x16xi32>
    %select_n3A_889 = arith.select %eq3A_886, %broadcast_in_dim3A_888, %select_n3A_838 : vector<64x16xi1>, vector<64x16xi32>
    %reduce_min3A_890 = arith.constant dense<0x7F800000> : vector<64xf32>
    %reduce_min3A_891 = vector.multi_reduction <minimumf>, %select_n3A_882, %reduce_min3A_890 [1] : vector<64x128xf32> to vector<64xf32>
    %broadcast_in_dim3A_892 = vector.shape_cast %reduce_min3A_891 : vector<64xf32> to vector<64x1xf32>
    %eq3A_893 = vector.broadcast %broadcast_in_dim3A_892 : vector<64x1xf32> to vector<64x128xf32>
    %eq3A_894 = arith.cmpf oeq, %select_n3A_882, %eq3A_893 : vector<64x128xf32>
    %jit3A_895 = arith.constant 1073741824 : i32
    %broadcast_in_dim3A_896 = vector.broadcast %jit3A_895 : i32 to vector<64x128xi32>
    %select_n3A_897 = arith.select %eq3A_894, %select_n3A_883, %broadcast_in_dim3A_896 : vector<64x128xi1>, vector<64x128xi32>
    %reduce_min3A_898 = arith.constant dense<2147483647> : vector<64xi32>
    %reduce_min3A_899 = vector.multi_reduction <minsi>, %select_n3A_897, %reduce_min3A_898 [1] : vector<64x128xi32> to vector<64xi32>
    %broadcast_in_dim3A_900 = vector.shape_cast %reduce_min3A_899 : vector<64xi32> to vector<64x1xi32>
    %eq3A_901 = vector.broadcast %broadcast_in_dim3A_900 : vector<64x1xi32> to vector<64x128xi32>
    %eq3A_902 = arith.cmpi eq, %select_n3A_883, %eq3A_901 : vector<64x128xi32>
    %convert_element_type3A_903 = arith.extui %eq3A_902 : vector<64x128xi1> to vector<64x128xi32>
    %add3A_904 = arith.addi %add3A_853, %convert_element_type3A_903 : vector<64x128xi32>
    %eq3A_905 = arith.constant 15 : i32
    %eq3A_906 = vector.broadcast %eq3A_905 : i32 to vector<64x16xi32>
    %eq3A_907 = arith.cmpi eq, %iota3A, %eq3A_906 : vector<64x16xi32>
    %broadcast_in_dim3A_908 = vector.shape_cast %broadcast_in_dim3A_900 : vector<64x1xi32> to vector<64x1xi32>
    %broadcast_in_dim3A_909 = vector.broadcast %broadcast_in_dim3A_908 : vector<64x1xi32> to vector<64x16xi32>
    %select_n3A_910 = arith.select %eq3A_907, %broadcast_in_dim3A_909, %select_n3A_889 : vector<64x16xi1>, vector<64x16xi32>
    %ge3A = arith.constant 4 : i32
    %ge3A_911 = vector.broadcast %ge3A : i32 to vector<64x128xi32>
    %ge3A_912 = arith.cmpi sge, %add3A_904, %ge3A_911 : vector<64x128xi32>
    %reduce_or3A = arith.constant 1.000000e+00 : f32
    %reduce_or3A_913 = arith.constant 0.000000e+00 : f32
    %reduce_or3A_914 = vector.broadcast %reduce_or3A : f32 to vector<64x128xf32>
    %reduce_or3A_915 = vector.broadcast %reduce_or3A_913 : f32 to vector<64x128xf32>
    %reduce_or3A_916 = arith.select %ge3A_912, %reduce_or3A_914, %reduce_or3A_915 : vector<64x128xi1>, vector<64x128xf32>
    %reduce_or3A_917 = vector.shape_cast %reduce_or3A_916 : vector<64x128xf32> to vector<1x64x128xf32>
    %reduce_or3A_918 = arith.constant dense<0xFF800000> : vector<1xf32>
    %reduce_or3A_919 = vector.multi_reduction <maximumf>, %reduce_or3A_917, %reduce_or3A_918 [1, 2] : vector<1x64x128xf32> to vector<1xf32>
    %reduce_or3A_920 = vector.shape_cast %reduce_or3A_919 : vector<1xf32> to vector<1x1x1xf32>
    %reduce_or3A_921 = vector.extract %reduce_or3A_920[0, 0, 0] : f32 from vector<1x1x1xf32>
    %reduce_or3A_922 = arith.constant 0.000000e+00 : f32
    %reduce_or3A_923 = arith.cmpf ogt, %reduce_or3A_921, %reduce_or3A_922 : f32
    %convert_element_type3A_924 = arith.extui %reduce_or3A_923 : i1 to i32
    %cond3A = arith.constant 0 : i32
    %cond3A_925 = arith.cmpi ne, %convert_element_type3A_924, %cond3A : i32
    %cond3A_926 = scf.if %cond3A_925 -> (vector<64x16xi32>) {
      %iota3A_930 = tpu.iota {dimensions = array<i32: 1>} : vector<64x16384xi32>
      %get3A_931 = arith.constant 0 : index
      %get3A_932 = arith.constant 0 : index
      %get3A_933 = vector.load %arg1[%get3A_931, %get3A_932] : memref<64x1xf32, #tpu.memory_space<vmem>>, vector<64x1xf32>
      %get3A_934 = arith.constant 0 : index
      %get3A_935 = arith.constant 0 : index
      %get3A_936 = vector.load %arg4[%get3A_934, %get3A_935] : memref<1x16384xf32, #tpu.memory_space<vmem>>, vector<1x16384xf32>
      %sub3A_937 = vector.broadcast %get3A_933 : vector<64x1xf32> to vector<64x16384xf32>
      %sub3A_938 = vector.broadcast %get3A_936 : vector<1x16384xf32> to vector<64x16384xf32>
      %sub3A_939 = arith.subf %sub3A_937, %sub3A_938 : vector<64x16384xf32>
      %get3A_940 = arith.constant 0 : index
      %get3A_941 = arith.constant 0 : index
      %get3A_942 = vector.load %arg2[%get3A_940, %get3A_941] : memref<64x1xf32, #tpu.memory_space<vmem>>, vector<64x1xf32>
      %get3A_943 = arith.constant 0 : index
      %get3A_944 = arith.constant 0 : index
      %get3A_945 = vector.load %arg5[%get3A_943, %get3A_944] : memref<1x16384xf32, #tpu.memory_space<vmem>>, vector<1x16384xf32>
      %sub3A_946 = vector.broadcast %get3A_942 : vector<64x1xf32> to vector<64x16384xf32>
      %sub3A_947 = vector.broadcast %get3A_945 : vector<1x16384xf32> to vector<64x16384xf32>
      %sub3A_948 = arith.subf %sub3A_946, %sub3A_947 : vector<64x16384xf32>
      %get3A_949 = arith.constant 0 : index
      %get3A_950 = arith.constant 0 : index
      %get3A_951 = vector.load %arg3[%get3A_949, %get3A_950] : memref<64x1xf32, #tpu.memory_space<vmem>>, vector<64x1xf32>
      %get3A_952 = arith.constant 0 : index
      %get3A_953 = arith.constant 0 : index
      %get3A_954 = vector.load %arg6[%get3A_952, %get3A_953] : memref<1x16384xf32, #tpu.memory_space<vmem>>, vector<1x16384xf32>
      %sub3A_955 = vector.broadcast %get3A_951 : vector<64x1xf32> to vector<64x16384xf32>
      %sub3A_956 = vector.broadcast %get3A_954 : vector<1x16384xf32> to vector<64x16384xf32>
      %sub3A_957 = arith.subf %sub3A_955, %sub3A_956 : vector<64x16384xf32>
      %mul3A_958 = arith.mulf %sub3A_939, %sub3A_939 : vector<64x16384xf32>
      %mul3A_959 = arith.mulf %sub3A_948, %sub3A_948 : vector<64x16384xf32>
      %add3A_960 = arith.addf %mul3A_958, %mul3A_959 : vector<64x16384xf32>
      %mul3A_961 = arith.mulf %sub3A_957, %sub3A_957 : vector<64x16384xf32>
      %add3A_962 = arith.addf %add3A_960, %mul3A_961 : vector<64x16384xf32>
      %swap3A_963 = arith.constant 0 : index
      %swap3A_964 = arith.constant 0 : index
      %swap3A_965 = vector.load %arg8[%swap3A_963, %swap3A_964] : memref<64x16384xf32, #tpu.memory_space<vmem>>, vector<64x16384xf32>
      tpu.vector_store %arg8[%swap3A_963, %swap3A_964], %add3A_962 {strides = array<i32>} : memref<64x16384xf32, #tpu.memory_space<vmem>>, vector<64x16384xf32>,
      %broadcast_in_dim3A_966 = arith.constant 0 : i32
      %broadcast_in_dim3A_967 = vector.broadcast %broadcast_in_dim3A_966 : i32 to vector<64x16xi32>
      %scan3A = arith.constant 0 : i32
      %scan3A_968 = arith.constant 16 : i32
      %scan3A_969 = arith.addi %scan3A, %scan3A_968 : i32
      %scan3A_970 = arith.constant 1 : i32
      %scan3A_971 = scf.for %scan3A_973 = %scan3A to %scan3A_969 step %scan3A_970 iter_args(%scan3A_974 = %broadcast_in_dim3A_967) -> (vector<64x16xi32>)  : i32 {
        %get3A_975 = arith.constant 0 : index
        %get3A_976 = arith.constant 0 : index
        %get3A_977 = vector.load %arg8[%get3A_975, %get3A_976] : memref<64x16384xf32, #tpu.memory_space<vmem>>, vector<64x16384xf32>
        %reduce_min3A_978 = arith.constant dense<0x7F800000> : vector<64xf32>
        %reduce_min3A_979 = vector.multi_reduction <minimumf>, %get3A_977, %reduce_min3A_978 [1] : vector<64x16384xf32> to vector<64xf32>
        %broadcast_in_dim3A_980 = vector.shape_cast %reduce_min3A_979 : vector<64xf32> to vector<64x1xf32>
        %eq3A_981 = vector.broadcast %broadcast_in_dim3A_980 : vector<64x1xf32> to vector<64x16384xf32>
        %eq3A_982 = arith.cmpf oeq, %get3A_977, %eq3A_981 : vector<64x16384xf32>
        %jit3A_983 = arith.constant 1073741824 : i32
        %broadcast_in_dim3A_984 = vector.broadcast %jit3A_983 : i32 to vector<64x16384xi32>
        %select_n3A_985 = arith.select %eq3A_982, %iota3A_930, %broadcast_in_dim3A_984 : vector<64x16384xi1>, vector<64x16384xi32>
        %reduce_min3A_986 = arith.constant dense<2147483647> : vector<64xi32>
        %reduce_min3A_987 = vector.multi_reduction <minsi>, %select_n3A_985, %reduce_min3A_986 [1] : vector<64x16384xi32> to vector<64xi32>
        %broadcast_in_dim3A_988 = vector.shape_cast %reduce_min3A_987 : vector<64xi32> to vector<64x1xi32>
        %eq3A_989 = vector.broadcast %broadcast_in_dim3A_988 : vector<64x1xi32> to vector<64x16384xi32>
        %eq3A_990 = arith.cmpi eq, %iota3A_930, %eq3A_989 : vector<64x16384xi32>
        %jit3A_991 = arith.constant 0x7F800000 : f32
        %broadcast_in_dim3A_992 = vector.broadcast %jit3A_991 : f32 to vector<64x16384xf32>
        %select_n3A_993 = arith.select %eq3A_990, %broadcast_in_dim3A_992, %get3A_977 : vector<64x16384xi1>, vector<64x16384xf32>
        %swap3A_994 = arith.constant 0 : index
        %swap3A_995 = arith.constant 0 : index
        %swap3A_996 = vector.load %arg8[%swap3A_994, %swap3A_995] : memref<64x16384xf32, #tpu.memory_space<vmem>>, vector<64x16384xf32>
        tpu.vector_store %arg8[%swap3A_994, %swap3A_995], %select_n3A_993 {strides = array<i32>} : memref<64x16384xf32, #tpu.memory_space<vmem>>, vector<64x16384xf32>,
        %eq3A_997 = vector.broadcast %scan3A_973 : i32 to vector<64x16xi32>
        %eq3A_998 = arith.cmpi eq, %iota3A, %eq3A_997 : vector<64x16xi32>
        %broadcast_in_dim3A_999 = vector.shape_cast %broadcast_in_dim3A_988 : vector<64x1xi32> to vector<64x1xi32>
        %broadcast_in_dim3A_1000 = vector.broadcast %broadcast_in_dim3A_999 : vector<64x1xi32> to vector<64x16xi32>
        %select_n3A_1001 = arith.select %eq3A_998, %broadcast_in_dim3A_1000, %scan3A_974 : vector<64x16xi1>, vector<64x16xi32>
        scf.yield %select_n3A_1001 : vector<64x16xi32>
      }
      %scan3A_972 = arith.constant 16 : i32
      scf.yield %scan3A_971 : vector<64x16xi32>
    } else {
      scf.yield %select_n3A_910 : vector<64x16xi32>
    }
    %swap3A_927 = arith.constant 0 : index
    %swap3A_928 = arith.constant 0 : index
    %swap3A_929 = vector.load %arg7[%swap3A_927, %swap3A_928] : memref<64x16xi32, #tpu.memory_space<vmem>>, vector<64x16xi32>
    tpu.vector_store %arg7[%swap3A_927, %swap3A_928], %cond3A_926 {strides = array<i32>} : memref<64x16xi32, #tpu.memory_space<vmem>>, vector<64x16xi32>,
    return
  }
  func.func @transform_0(%arg0: i32) -> (i32, i32) {
    %c0_i32 = arith.constant 0 : i32
    %c0_i32_0 = arith.constant 0 : i32
    return %arg0, %c0_i32 : i32, i32
  }
  func.func @transform_1(%arg0: i32) -> (i32, i32) {
    %c0_i32 = arith.constant 0 : i32
    %c0_i32_0 = arith.constant 0 : i32
    return %arg0, %c0_i32 : i32, i32
  }
  func.func @transform_2(%arg0: i32) -> (i32, i32) {
    %c0_i32 = arith.constant 0 : i32
    %c0_i32_0 = arith.constant 0 : i32
    return %arg0, %c0_i32 : i32, i32
  }
  func.func @transform_3(%arg0: i32) -> (i32, i32) {
    %c0_i32 = arith.constant 0 : i32
    %c0_i32_0 = arith.constant 0 : i32
    %c0_i32_1 = arith.constant 0 : i32
    return %c0_i32, %c0_i32_0 : i32, i32
  }
  func.func @transform_4(%arg0: i32) -> (i32, i32) {
    %c0_i32 = arith.constant 0 : i32
    %c0_i32_0 = arith.constant 0 : i32
    %c0_i32_1 = arith.constant 0 : i32
    return %c0_i32, %c0_i32_0 : i32, i32
  }
  func.func @transform_5(%arg0: i32) -> (i32, i32) {
    %c0_i32 = arith.constant 0 : i32
    %c0_i32_0 = arith.constant 0 : i32
    %c0_i32_1 = arith.constant 0 : i32
    return %c0_i32, %c0_i32_0 : i32, i32
  }
  func.func @transform_6(%arg0: i32) -> (i32, i32) {
    %c0_i32 = arith.constant 0 : i32
    %c0_i32_0 = arith.constant 0 : i32
    return %arg0, %c0_i32 : i32, i32
  }
}

module attributes {stable_mosaic.version = 14 : i64} {
  func.func @_mm_body(%arg0: i32, %arg1: memref<2048x128xf32, #tpu.memory_space<vmem>>, %arg2: memref<128x1xf32, #tpu.memory_space<vmem>>, %arg3: memref<128x1xf32, #tpu.memory_space<vmem>>, %arg4: memref<128x1xf32, #tpu.memory_space<vmem>>, %arg5: memref<8x128xf32, #tpu.memory_space<vmem>>, %arg6: memref<128x128xf32, #tpu.memory_space<vmem>>, %arg7: memref<128x128xf32, #tpu.memory_space<vmem>>, %arg8: memref<128x128xf32, #tpu.memory_space<vmem>>, %arg9: memref<1x128xf32, #tpu.memory_space<vmem>>, %arg10: memref<1x128xf32, #tpu.memory_space<vmem>>) attributes {dimension_semantics = [#tpu.dimension_semantics<arbitrary>], iteration_bounds = array<i64: 32>, scalar_prefetch = 0 : i64, scratch_operands = 0 : i64, tpu.core_type = #tpu.core_type<tc>, window_params = [{transform_indices = @transform_0, window_bounds = array<i64: 2048, 128>}, {transform_indices = @transform_1, window_bounds = array<i64: 128, 1>}, {transform_indices = @transform_2, window_bounds = array<i64: 128, 1>}, {transform_indices = @transform_3, window_bounds = array<i64: 128, 1>}, {pipeline_mode = #tpu.pipeline_mode<synchronous>, transform_indices = @transform_4, window_bounds = array<i64: 8, 128>}, {pipeline_mode = #tpu.pipeline_mode<synchronous>, transform_indices = @transform_5, window_bounds = array<i64: 128, 128>}, {transform_indices = @transform_6, window_bounds = array<i64: 128, 128>}, {transform_indices = @transform_7, window_bounds = array<i64: 128, 128>}, {pipeline_mode = #tpu.pipeline_mode<synchronous>, transform_indices = @transform_8, window_bounds = array<i64: 1, 128>}, {pipeline_mode = #tpu.pipeline_mode<synchronous>, transform_indices = @transform_9, window_bounds = array<i64: 1, 128>}]} {
    %get3A = arith.constant 0 : index
    %get3A_0 = arith.constant 0 : index
    %get3A_1 = vector.load %arg1[%get3A, %get3A_0] : memref<2048x128xf32, #tpu.memory_space<vmem>>, vector<2048x128xf32>
    %get3A_2 = arith.constant 0 : index
    %get3A_3 = arith.constant 0 : index
    %get3A_4 = vector.load %arg6[%get3A_2, %get3A_3] : memref<128x128xf32, #tpu.memory_space<vmem>>, vector<128x128xf32>
    %dot_general3A = arith.constant dense<0.000000e+00> : vector<2048x128xf32>
    %dot_general3A_5 = tpu.matmul %get3A_1, %get3A_4, %dot_general3A {dimension_numbers = #tpu.dot_dimension_numbers<[1], [0], [0], [1], [0, 0, 1, 1], [], []>, transpose_lhs_hint = false} : vector<2048x128xf32>, vector<128x128xf32>, vector<2048x128xf32> -> vector<2048x128xf32>
    %get3A_6 = arith.constant 0 : index
    %get3A_7 = arith.constant 0 : index
    %get3A_8 = vector.load %arg2[%get3A_6, %get3A_7] : memref<128x1xf32, #tpu.memory_space<vmem>>, vector<128x1xf32>
    %get3A_9 = arith.constant 0 : index
    %get3A_10 = arith.constant 0 : index
    %get3A_11 = vector.load %arg5[%get3A_9, %get3A_10] : memref<8x128xf32, #tpu.memory_space<vmem>>, vector<1x128xf32>
    %mul3A = vector.broadcast %get3A_8 : vector<128x1xf32> to vector<128x128xf32>
    %mul3A_12 = vector.broadcast %get3A_11 : vector<1x128xf32> to vector<128x128xf32>
    %mul3A_13 = arith.mulf %mul3A, %mul3A_12 : vector<128x128xf32>
    %get3A_14 = arith.constant 0 : index
    %get3A_15 = arith.constant 0 : index
    %get3A_16 = vector.load %arg3[%get3A_14, %get3A_15] : memref<128x1xf32, #tpu.memory_space<vmem>>, vector<128x1xf32>
    %get3A_17 = arith.constant 1 : index
    %get3A_18 = arith.constant 0 : index
    %get3A_19 = vector.load %arg5[%get3A_17, %get3A_18] : memref<8x128xf32, #tpu.memory_space<vmem>>, vector<1x128xf32>
    %mul3A_20 = vector.broadcast %get3A_16 : vector<128x1xf32> to vector<128x128xf32>
    %mul3A_21 = vector.broadcast %get3A_19 : vector<1x128xf32> to vector<128x128xf32>
    %mul3A_22 = arith.mulf %mul3A_20, %mul3A_21 : vector<128x128xf32>
    %add3A = arith.addf %mul3A_13, %mul3A_22 : vector<128x128xf32>
    %get3A_23 = arith.constant 0 : index
    %get3A_24 = arith.constant 0 : index
    %get3A_25 = vector.load %arg4[%get3A_23, %get3A_24] : memref<128x1xf32, #tpu.memory_space<vmem>>, vector<128x1xf32>
    %get3A_26 = arith.constant 2 : index
    %get3A_27 = arith.constant 0 : index
    %get3A_28 = vector.load %arg5[%get3A_26, %get3A_27] : memref<8x128xf32, #tpu.memory_space<vmem>>, vector<1x128xf32>
    %mul3A_29 = vector.broadcast %get3A_25 : vector<128x1xf32> to vector<128x128xf32>
    %mul3A_30 = vector.broadcast %get3A_28 : vector<1x128xf32> to vector<128x128xf32>
    %mul3A_31 = arith.mulf %mul3A_29, %mul3A_30 : vector<128x128xf32>
    %add3A_32 = arith.addf %add3A, %mul3A_31 : vector<128x128xf32>
    %reshape3A = vector.shape_cast %dot_general3A_5 : vector<2048x128xf32> to vector<128x16x128xf32>
    %broadcast_in_dim3A = vector.shape_cast %add3A_32 : vector<128x128xf32> to vector<128x1x128xf32>
    %sub3A = vector.broadcast %broadcast_in_dim3A : vector<128x1x128xf32> to vector<128x16x128xf32>
    %sub3A_33 = arith.subf %reshape3A, %sub3A : vector<128x16x128xf32>
    %reduce_max3A = arith.constant dense<0xFF800000> : vector<128x128xf32>
    %reduce_max3A_34 = vector.multi_reduction <maximumf>, %sub3A_33, %reduce_max3A [1] : vector<128x16x128xf32> to vector<128x128xf32>
    %swap3A = arith.constant 0 : index
    %swap3A_35 = arith.constant 0 : index
    %swap3A_36 = vector.load %arg7[%swap3A, %swap3A_35] : memref<128x128xf32, #tpu.memory_space<vmem>>, vector<128x128xf32>
    tpu.vector_store %arg7[%swap3A, %swap3A_35], %reduce_max3A_34 {strides = array<i32>} : memref<128x128xf32, #tpu.memory_space<vmem>>, vector<128x128xf32>,
    %reduce_min3A = arith.constant dense<0x7F800000> : vector<128x128xf32>
    %reduce_min3A_37 = vector.multi_reduction <minimumf>, %sub3A_33, %reduce_min3A [1] : vector<128x16x128xf32> to vector<128x128xf32>
    %swap3A_38 = arith.constant 0 : index
    %swap3A_39 = arith.constant 0 : index
    %swap3A_40 = vector.load %arg8[%swap3A_38, %swap3A_39] : memref<128x128xf32, #tpu.memory_space<vmem>>, vector<128x128xf32>
    tpu.vector_store %arg8[%swap3A_38, %swap3A_39], %reduce_min3A_37 {strides = array<i32>} : memref<128x128xf32, #tpu.memory_space<vmem>>, vector<128x128xf32>,
    %eq3A = arith.constant 0 : i32
    %eq3A_41 = arith.cmpi eq, %arg0, %eq3A : i32
    %convert_element_type3A = arith.extui %eq3A_41 : i1 to i32
    %cond3A = arith.constant 0 : i32
    %cond3A_42 = arith.cmpi ne, %convert_element_type3A, %cond3A : i32
    scf.if %cond3A_42 {
      %broadcast_in_dim3A_67 = arith.constant 0.000000e+00 : f32
      %broadcast_in_dim3A_68 = vector.broadcast %broadcast_in_dim3A_67 : f32 to vector<1x128xf32>
      %swap3A_69 = arith.constant 0 : index
      %swap3A_70 = arith.constant 0 : index
      %swap3A_71 = vector.load %arg9[%swap3A_69, %swap3A_70] : memref<1x128xf32, #tpu.memory_space<vmem>>, vector<1x128xf32>
      tpu.vector_store %arg9[%swap3A_69, %swap3A_70], %broadcast_in_dim3A_68 {strides = array<i32>} : memref<1x128xf32, #tpu.memory_space<vmem>>, vector<1x128xf32>,
      %broadcast_in_dim3A_72 = arith.constant 0.000000e+00 : f32
      %broadcast_in_dim3A_73 = vector.broadcast %broadcast_in_dim3A_72 : f32 to vector<1x128xf32>
      %swap3A_74 = arith.constant 0 : index
      %swap3A_75 = arith.constant 0 : index
      %swap3A_76 = vector.load %arg10[%swap3A_74, %swap3A_75] : memref<1x128xf32, #tpu.memory_space<vmem>>, vector<1x128xf32>
      tpu.vector_store %arg10[%swap3A_74, %swap3A_75], %broadcast_in_dim3A_73 {strides = array<i32>} : memref<1x128xf32, #tpu.memory_space<vmem>>, vector<1x128xf32>,
    } else {
    }
    %get3A_43 = arith.constant 0 : index
    %get3A_44 = arith.constant 0 : index
    %get3A_45 = vector.load %arg9[%get3A_43, %get3A_44] : memref<1x128xf32, #tpu.memory_space<vmem>>, vector<1x128xf32>
    %reduce_sum3A = arith.constant dense<0.000000e+00> : vector<128x128xf32>
    %reduce_sum3A_46 = vector.multi_reduction <add>, %sub3A_33, %reduce_sum3A [1] : vector<128x16x128xf32> to vector<128x128xf32>
    %reduce_sum3A_47 = arith.constant dense<0.000000e+00> : vector<128xf32>
    %reduce_sum3A_48 = vector.multi_reduction <add>, %reduce_sum3A_46, %reduce_sum3A_47 [0] : vector<128x128xf32> to vector<128xf32>
    %broadcast_in_dim3A_49 = vector.shape_cast %reduce_sum3A_48 : vector<128xf32> to vector<1x128xf32>
    %add3A_50 = arith.addf %get3A_45, %broadcast_in_dim3A_49 : vector<1x128xf32>
    %swap3A_51 = arith.constant 0 : index
    %swap3A_52 = arith.constant 0 : index
    %swap3A_53 = vector.load %arg9[%swap3A_51, %swap3A_52] : memref<1x128xf32, #tpu.memory_space<vmem>>, vector<1x128xf32>
    tpu.vector_store %arg9[%swap3A_51, %swap3A_52], %add3A_50 {strides = array<i32>} : memref<1x128xf32, #tpu.memory_space<vmem>>, vector<1x128xf32>,
    %get3A_54 = arith.constant 0 : index
    %get3A_55 = arith.constant 0 : index
    %get3A_56 = vector.load %arg10[%get3A_54, %get3A_55] : memref<1x128xf32, #tpu.memory_space<vmem>>, vector<1x128xf32>
    %mul3A_57 = arith.mulf %sub3A_33, %sub3A_33 : vector<128x16x128xf32>
    %reduce_sum3A_58 = arith.constant dense<0.000000e+00> : vector<128x128xf32>
    %reduce_sum3A_59 = vector.multi_reduction <add>, %mul3A_57, %reduce_sum3A_58 [1] : vector<128x16x128xf32> to vector<128x128xf32>
    %reduce_sum3A_60 = arith.constant dense<0.000000e+00> : vector<128xf32>
    %reduce_sum3A_61 = vector.multi_reduction <add>, %reduce_sum3A_59, %reduce_sum3A_60 [0] : vector<128x128xf32> to vector<128xf32>
    %broadcast_in_dim3A_62 = vector.shape_cast %reduce_sum3A_61 : vector<128xf32> to vector<1x128xf32>
    %add3A_63 = arith.addf %get3A_56, %broadcast_in_dim3A_62 : vector<1x128xf32>
    %swap3A_64 = arith.constant 0 : index
    %swap3A_65 = arith.constant 0 : index
    %swap3A_66 = vector.load %arg10[%swap3A_64, %swap3A_65] : memref<1x128xf32, #tpu.memory_space<vmem>>, vector<1x128xf32>
    tpu.vector_store %arg10[%swap3A_64, %swap3A_65], %add3A_63 {strides = array<i32>} : memref<1x128xf32, #tpu.memory_space<vmem>>, vector<1x128xf32>,
    return
  }
  func.func @transform_0(%arg0: i32) -> (i32, i32) {
    %c0_i32 = arith.constant 0 : i32
    %c0_i32_0 = arith.constant 0 : i32
    return %arg0, %c0_i32 : i32, i32
  }
  func.func @transform_1(%arg0: i32) -> (i32, i32) {
    %c0_i32 = arith.constant 0 : i32
    %c0_i32_0 = arith.constant 0 : i32
    return %arg0, %c0_i32 : i32, i32
  }
  func.func @transform_2(%arg0: i32) -> (i32, i32) {
    %c0_i32 = arith.constant 0 : i32
    %c0_i32_0 = arith.constant 0 : i32
    return %arg0, %c0_i32 : i32, i32
  }
  func.func @transform_3(%arg0: i32) -> (i32, i32) {
    %c0_i32 = arith.constant 0 : i32
    %c0_i32_0 = arith.constant 0 : i32
    return %arg0, %c0_i32 : i32, i32
  }
  func.func @transform_4(%arg0: i32) -> (i32, i32) {
    %c0_i32 = arith.constant 0 : i32
    %c0_i32_0 = arith.constant 0 : i32
    %c0_i32_1 = arith.constant 0 : i32
    return %c0_i32, %c0_i32_0 : i32, i32
  }
  func.func @transform_5(%arg0: i32) -> (i32, i32) {
    %c0_i32 = arith.constant 0 : i32
    %c0_i32_0 = arith.constant 0 : i32
    %c0_i32_1 = arith.constant 0 : i32
    return %c0_i32, %c0_i32_0 : i32, i32
  }
  func.func @transform_6(%arg0: i32) -> (i32, i32) {
    %c0_i32 = arith.constant 0 : i32
    %c0_i32_0 = arith.constant 0 : i32
    return %arg0, %c0_i32 : i32, i32
  }
  func.func @transform_7(%arg0: i32) -> (i32, i32) {
    %c0_i32 = arith.constant 0 : i32
    %c0_i32_0 = arith.constant 0 : i32
    return %arg0, %c0_i32 : i32, i32
  }
  func.func @transform_8(%arg0: i32) -> (i32, i32) {
    %c0_i32 = arith.constant 0 : i32
    %c0_i32_0 = arith.constant 0 : i32
    %c0_i32_1 = arith.constant 0 : i32
    return %c0_i32, %c0_i32_0 : i32, i32
  }
  func.func @transform_9(%arg0: i32) -> (i32, i32) {
    %c0_i32 = arith.constant 0 : i32
    %c0_i32_0 = arith.constant 0 : i32
    %c0_i32_1 = arith.constant 0 : i32
    return %c0_i32, %c0_i32_0 : i32, i32
  }
}

module attributes {stable_mosaic.version = 14 : i64} {
  func.func @_fin_body(%arg0: memref<4096x128xf32, #tpu.memory_space<vmem>>, %arg1: memref<4096x128xf32, #tpu.memory_space<vmem>>, %arg2: memref<1x128xf32, #tpu.memory_space<vmem>>, %arg3: memref<1x128xf32, #tpu.memory_space<vmem>>, %arg4: memref<1x128xf32, #tpu.memory_space<vmem>>, %arg5: memref<1x128xf32, #tpu.memory_space<vmem>>, %arg6: memref<4096x128xf32, #tpu.memory_space<vmem>>) attributes {dimension_semantics = [], scalar_prefetch = 0 : i64, scratch_operands = 0 : i64, tpu.core_type = #tpu.core_type<tc>} {
    %get3A = arith.constant 0 : index
    %get3A_0 = arith.constant 0 : index
    %get3A_1 = vector.load %arg2[%get3A, %get3A_0] : memref<1x128xf32, #tpu.memory_space<vmem>>, vector<1x128xf32>
    %div3A = arith.constant 6.553600e+04 : f32
    %div3A_2 = vector.broadcast %div3A : f32 to vector<1x128xf32>
    %div3A_3 = arith.divf %get3A_1, %div3A_2 : vector<1x128xf32>
    %get3A_4 = arith.constant 0 : index
    %get3A_5 = arith.constant 0 : index
    %get3A_6 = vector.load %arg3[%get3A_4, %get3A_5] : memref<1x128xf32, #tpu.memory_space<vmem>>, vector<1x128xf32>
    %div3A_7 = arith.constant 6.553600e+04 : f32
    %div3A_8 = vector.broadcast %div3A_7 : f32 to vector<1x128xf32>
    %div3A_9 = arith.divf %get3A_6, %div3A_8 : vector<1x128xf32>
    %mul3A = arith.mulf %div3A_3, %div3A_3 : vector<1x128xf32>
    %sub3A = arith.subf %div3A_9, %mul3A : vector<1x128xf32>
    %add3A = arith.constant 9.99999974E-6 : f32
    %add3A_10 = vector.broadcast %add3A : f32 to vector<1x128xf32>
    %add3A_11 = arith.addf %sub3A, %add3A_10 : vector<1x128xf32>
    %sqrt3A = math.sqrt %add3A_11 : vector<1x128xf32>
    %get3A_12 = arith.constant 0 : index
    %get3A_13 = arith.constant 0 : index
    %get3A_14 = vector.load %arg4[%get3A_12, %get3A_13] : memref<1x128xf32, #tpu.memory_space<vmem>>, vector<1x128xf32>
    %get3A_15 = arith.constant 0 : index
    %get3A_16 = arith.constant 0 : index
    %get3A_17 = vector.load %arg5[%get3A_15, %get3A_16] : memref<1x128xf32, #tpu.memory_space<vmem>>, vector<1x128xf32>
    %get3A_18 = arith.constant 0 : index
    %get3A_19 = arith.constant 0 : index
    %get3A_20 = vector.load %arg0[%get3A_18, %get3A_19] : memref<4096x128xf32, #tpu.memory_space<vmem>>, vector<4096x128xf32>
    %sub3A_21 = vector.broadcast %div3A_3 : vector<1x128xf32> to vector<4096x128xf32>
    %sub3A_22 = arith.subf %get3A_20, %sub3A_21 : vector<4096x128xf32>
    %div3A_23 = vector.broadcast %sqrt3A : vector<1x128xf32> to vector<4096x128xf32>
    %div3A_24 = arith.divf %sub3A_22, %div3A_23 : vector<4096x128xf32>
    %mul3A_25 = vector.broadcast %get3A_14 : vector<1x128xf32> to vector<4096x128xf32>
    %mul3A_26 = arith.mulf %div3A_24, %mul3A_25 : vector<4096x128xf32>
    %add3A_27 = vector.broadcast %get3A_17 : vector<1x128xf32> to vector<4096x128xf32>
    %add3A_28 = arith.addf %mul3A_26, %add3A_27 : vector<4096x128xf32>
    %get3A_29 = arith.constant 0 : index
    %get3A_30 = arith.constant 0 : index
    %get3A_31 = vector.load %arg1[%get3A_29, %get3A_30] : memref<4096x128xf32, #tpu.memory_space<vmem>>, vector<4096x128xf32>
    %sub3A_32 = vector.broadcast %div3A_3 : vector<1x128xf32> to vector<4096x128xf32>
    %sub3A_33 = arith.subf %get3A_31, %sub3A_32 : vector<4096x128xf32>
    %div3A_34 = vector.broadcast %sqrt3A : vector<1x128xf32> to vector<4096x128xf32>
    %div3A_35 = arith.divf %sub3A_33, %div3A_34 : vector<4096x128xf32>
    %mul3A_36 = vector.broadcast %get3A_14 : vector<1x128xf32> to vector<4096x128xf32>
    %mul3A_37 = arith.mulf %div3A_35, %mul3A_36 : vector<4096x128xf32>
    %add3A_38 = vector.broadcast %get3A_17 : vector<1x128xf32> to vector<4096x128xf32>
    %add3A_39 = arith.addf %mul3A_37, %add3A_38 : vector<4096x128xf32>
    %gt3A = arith.constant 0.000000e+00 : f32
    %gt3A_40 = vector.broadcast %gt3A : f32 to vector<1x128xf32>
    %gt3A_41 = arith.cmpf ogt, %get3A_14, %gt3A_40 : vector<1x128xf32>
    %broadcast_in_dim3A = vector.shape_cast %gt3A_41 : vector<1x128xi1> to vector<1x128xi1>
    %broadcast_in_dim3A_42 = vector.broadcast %broadcast_in_dim3A : vector<1x128xi1> to vector<4096x128xi1>
    %select_n3A = arith.select %broadcast_in_dim3A_42, %add3A_28, %add3A_39 : vector<4096x128xi1>, vector<4096x128xf32>
    %max3A = arith.constant 0.000000e+00 : f32
    %max3A_43 = vector.broadcast %max3A : f32 to vector<4096x128xf32>
    %max3A_44 = arith.maximumf %select_n3A, %max3A_43 : vector<4096x128xf32>
    %swap3A = arith.constant 0 : index
    %swap3A_45 = arith.constant 0 : index
    %swap3A_46 = vector.load %arg6[%swap3A, %swap3A_45] : memref<4096x128xf32, #tpu.memory_space<vmem>>, vector<4096x128xf32>
    tpu.vector_store %arg6[%swap3A, %swap3A_45], %max3A_44 {strides = array<i32>} : memref<4096x128xf32, #tpu.memory_space<vmem>>, vector<4096x128xf32>,
    return
  }
}

</mosaic_0001>

<sc_bundles>
// kernel: kernel.7.cloned.1.call-start
scs
__scs_entry_jumppad:
0x0: {  	(pc) =	sbr.rel $0x88, $3  }
0x1: {  	(tag) =	ssettag $0x0;
	lr =	simm.s32 $0x1  }
0x2: {  	[smem:$0x3F9C] =	sst lr;
	_ =	strace $0xD0000000  }
0x3: {  	_ = 	snop  }
0x4: {  	_ = 	snop  }
0x5: {  	_ = 	snop  }
0x6: {  	_ = 	snop  }
0x7: {  	_ = 	snop  }
__scs_overlays_trampoline_lowered:
0x8: {  	[smem:$0x3FAB] =	sst s0  }
0x9: {  	[smem:$0x3FAC] =	sst s1  }
0xa: {  	[smem:$0x3FAD] =	sst s2  }
0xb: {  	[smem:$0x3FAE] =	sst s3  }
0xc: {  	[smem:$0x3FAF] =	sst s4  }
0xd: {  	[smem:$0x3FB0] =	sst s5  }
0xe: {  	[smem:$0x3FB1] =	sst s6  }
0xf: {  	[smem:$0x3FB2] =	sst s7  }
0x10: {  	[smem:$0x3FB3] =	sst s8  }
0x11: {  	[smem:$0x3FB4] =	sst s9;
	s0 =	simm.s32 @!p0 $0x0  }
0x12: {  	s1 =	sld [smem:$0x3F9A];
	s0 =	simm.s32 @p0 $0x1  }
0x13: {  	[smem:$0x3FB5] =	sst s0;
	s0 =	simm.s32 @!p1 $0x0  }
0x14: {  	s2 =	sld [smem:$0x3F99];
	s0 =	simm.s32 @p1 $0x1  }
0x15: {  	[smem:$0x3FB6] =	sst s0;
	s0 =	simm.s32 @!p2 $0x0  }
0x16: {  	s3 =	sld [smem:$0x3FDB];
	s0 =	simm.s32 @p2 $0x1  }
0x17: {  	s4 =	simm.s32 $0x1BF5;
	[smem:$0x3FB8] =	sst s0  }
0x18: {  	s0 =	sld [smem:$0x3F9B];
	_ =	swait.ge [sflag:s4], $0x0  }
0x19: {  	s7 =	sld [smem:$0x3F9C]  }
0x1a: {  	s8 =	sadd.s32 $0xFFFFE003, lr  }
0x1b: {  	s9 =	sadd.s32 $0xFFFFFEF7, lr;
	s5 =	simm.s32 $0xFFFFFFFF;
	p2 =	slt.u32 s8, $0xFFFFF086  }
0x1c: {  	p1 =	slt.u32 s9, $0xF7A;
	s5 =	simm.s32 @!p2 $0x0  }
0x1d: {  	s5 =	simm.s32 @p1 $0x1;
	p0 =	seq.s32 s7, s2  }
0x1e: {  	s7 =	smul.u32 @!p0 $0xF7A, s2;
	p2 =	seq.s32 @!p0 s5, $0x0  }
0x1f: {  	s9 =	smul.u32 $0xF7A, s1;
	s8 =	simm.s32 @!p0 $0x1BF5;
	p2 =	por !p2, p0  }
0x20: {  	[sflag:s8] =	ssyncset.s32 @!p0 $0xFFFFF086;
	s6 =	sadd.s32 @!p0 s3, s7;
	s7 =	simm.s32 @!p0 $0x108  }
0x21: {  	s3 =	sadd.s32 s3, s9;
	s6 =	sadd.s32 @!p0 $0x88, s6;
	s7 =	simm.s32 @p2 $0x1082  }
0x22: {  	[simem:s7], [sflag:s8] =	dma.local @!p0 [hbm:s6], $0xF7A  }
0x23: {  	s9 =	sor.u32 $0xD0000000, s2;
	s6 =	simm.s32 $0x108;
	_ =	swait.ge @!p0 [sflag:s8], $0x0  }
0x24: {  	s3 =	sadd.s32 $0x88, s3;
	s6 =	simm.s32 @!p1 $0x1082;
	[sflag:s4] =	ssyncset.s32 $0xFFFFF086  }
0x25: {  	[simem:s6], [sflag:s4] =	dma.local [hbm:s3], $0xF7A  }
0x26: {  	[smem:$0x3F9C] =	sst s1;
	(tag) =	ssettag s2;
	_ =	strace s9  }
0x27: {  	s1 =	sld [smem:$0x3FAC]  }
0x28: {  	s2 =	sld [smem:$0x3FAD]  }
0x29: {  	s4 =	sld [smem:$0x3FAF]  }
0x2a: {  	p0 =	seq.s32 s5, $0x0;
	s5 =	sld [smem:$0x3FB0]  }
0x2b: {  	s6 =	sld [smem:$0x3FB1]  }
0x2c: {  	s7 =	sld [smem:$0x3FB2]  }
0x2d: {  	s3 =	simm.s32 $0x108;
	s8 =	sld [smem:$0x3FB3]  }
0x2e: {  	s3 =	simm.s32 @!p0 $0x1082;
	s9 =	sld [smem:$0x3FB4]  }
0x2f: {  	lr =	sadd.s32 s0, s3;
	s0 =	sld [smem:$0x3FAB]  }
0x30: {  	s3 =	sld [smem:$0x3FAE]  }
0x31: {  	[smem:$0x3FB7] =	sst s10  }
0x32: {  	s10 =	sld [smem:$0x3FB5];
	_ =	sdelay $0x3  }
0x33: {  	p0 =	seq.s32 s10, $0x1;
	s10 =	sld [smem:$0x3FB7];
	_ =	sdelay $0x3  }
0x34: {  	[smem:$0x3FB7] =	sst s10  }
0x35: {  	s10 =	sld [smem:$0x3FB6];
	_ =	sdelay $0x3  }
0x36: {  	p1 =	seq.s32 s10, $0x1;
	s10 =	sld [smem:$0x3FB7];
	_ =	sdelay $0x3  }
0x37: {  	[smem:$0x3FB7] =	sst s10  }
0x38: {  	s10 =	sld [smem:$0x3FB8]  }
0x39: {  	_ = 	snop;
	(pc) =	sbr.ind lr, $3  }
0x3a: {  	_ = 	snop  }
0x3b: {  	_ = 	snop  }
0x3c: {  	p2 =	seq.s32 s10, $0x1;
	s10 =	sld [smem:$0x3FB7]  }
0x3d: {  	_ =	shalt  }
0x3e: {  	_ =	shalt  }
0x3f: {  	_ =	shalt  }
0x40: {  	_ =	shalt  }
0x41: {  	_ =	shalt  }
0x42: {  	_ =	shalt  }
0x43: {  	_ =	shalt  }
0x44: {  	_ =	shalt  }
0x45: {  	_ =	shalt  }
0x46: {  	_ =	shalt  }
0x47: {  	_ =	shalt  }
0x48: {  	_ =	shalt  }
0x49: {  	_ =	shalt  }
0x4a: {  	_ =	shalt  }
0x4b: {  	_ =	shalt  }
0x4c: {  	_ =	shalt  }
0x4d: {  	_ =	shalt  }
0x4e: {  	_ =	shalt  }
0x4f: {  	_ =	shalt  }
0x50: {  	_ =	shalt  }
0x51: {  	_ =	shalt  }
0x52: {  	_ =	shalt  }
0x53: {  	_ =	shalt  }
0x54: {  	_ =	shalt  }
0x55: {  	_ =	shalt  }
0x56: {  	_ =	shalt  }
0x57: {  	_ =	shalt  }
0x58: {  	_ =	shalt  }
0x59: {  	_ =	shalt  }
0x5a: {  	_ =	shalt  }
0x5b: {  	_ =	shalt  }
0x5c: {  	_ =	shalt  }
0x5d: {  	_ =	shalt  }
0x5e: {  	_ =	shalt  }
0x5f: {  	_ =	shalt  }
0x60: {  	_ =	shalt  }
0x61: {  	_ =	shalt  }
0x62: {  	_ =	shalt  }
0x63: {  	_ =	shalt  }
0x64: {  	_ =	shalt  }
0x65: {  	_ =	shalt  }
0x66: {  	_ =	shalt  }
0x67: {  	_ =	shalt  }
0x68: {  	_ =	shalt  }
0x69: {  	_ =	shalt  }
0x6a: {  	_ =	shalt  }
0x6b: {  	_ =	shalt  }
0x6c: {  	_ =	shalt  }
0x6d: {  	_ =	shalt  }
0x6e: {  	_ =	shalt  }
0x6f: {  	_ =	shalt  }
0x70: {  	_ =	shalt  }
0x71: {  	_ =	shalt  }
0x72: {  	_ =	shalt  }
0x73: {  	_ =	shalt  }
0x74: {  	_ =	shalt  }
0x75: {  	_ =	shalt  }
0x76: {  	_ =	shalt  }
0x77: {  	_ =	shalt  }
0x78: {  	_ =	shalt  }
0x79: {  	_ =	shalt  }
0x7a: {  	_ =	shalt  }
0x7b: {  	_ =	shalt  }
0x7c: {  	_ =	shalt  }
0x7d: {  	_ =	shalt  }
0x7e: {  	_ =	shalt  }
0x7f: {  	_ =	shalt  }
0x80: {  	_ =	shalt  }
0x81: {  	_ =	shalt  }
0x82: {  	_ =	shalt  }
0x83: {  	_ =	shalt  }
0x84: {  	_ =	shalt  }
0x85: {  	_ =	shalt  }
0x86: {  	_ =	shalt  }
0x87: {  	_ =	shalt  }
.Lfunc_end0:
.L_simem_size_0:
called_computation_lowered:
.L_overlay_start_0:
0x88: {  	s2 =	sld [smem:$0x3FD9]  }
0x89: {  	s3 =	sld [smem:$0x3FFE];
	_ =	sdelay $0x1  }
0x8a: {  	s1 =	srdreg.scid  }
0x8b: {  	s0 =	sand.u32 $0x1, s1  }
0x8c: {  	s14 =	sshll.u32 s0, $0xA;
	s2 =	sadd.s32 s3, s2  }
0x8d: {  	s2 =	sadd.s32 s2, s14  }
0x8e: {  	[smem:$0x3FC3] =	sst s2  }
0x8f: {  	_ = 	snop  }
0x90: {  	s2 =	sld [smem:$0x3FD0];
	_ =	sdelay $0x2  }
0x91: {  	s15 =	simm.s32 $0xA;
	s4 =	simm.s32 $0x10  }
0x92: {  	[smem:s4], [sflag:s15] =	dma.local [hbm:s2], $0x1  }
0x93: {  	_ =	swait.eq [sflag:s15], $0x1  }
0x94: {  	[sflag:s15] =	ssyncset.done $0x0  }
0x95: {  	[sflag:s15] =	ssyncadd.s32 $0xFFFFFFFF  }
0x96: {  	s16 =	sld [smem:$0x11];
	(tm) =	ssettm $0x1  }
0x97: {  	s17 =	sld [smem:$0x3FFB];
	_ =	sdelay $0x3  }
0x98: {  	_ =	strace s17  }
0x99: {  	s3 =	sld [smem:$0x3FFC];
	_ =	sdelay $0x3  }
0x9a: {  	_ =	strace s3  }
0x9b: {  	s3 =	sld [smem:$0x3FFD];
	_ =	sdelay $0x3  }
0x9c: {  	_ =	strace s3  }
0x9d: {  	_ =	strace $0x8FFFFFFF  }
0x9e: {  	s18 =	sld [smem:$0x3FDB];
	_ =	sdelay $0x1  }
0x9f: {  	s19 =	simm.s32 $_scs_section_size  }
0xa0: {  	s5 =	simm.s32 $_size__tile_overlayer_lowered;
	s6 =	simm.s32 $_tile_overlayer_lowered  }
0xa1: {  	s22 =	simm.s32 $0x1BFF;
	s21 =	sshll.u32 s6, $0x1;
	s3 =	sadd.s32 s19, s18  }
0xa2: {  	s7 =	simm.s32 $0x0;
	s20 =	sshll.u32 s5, $0x1;
	s5 =	sadd.s32 s21, s3  }
0xa3: {  	[timem:s7], [sflag:s22] =	dma.local [hbm:s5], s20  }
0xa4: {  	_ =	swait.ge [sflag:s22], s20  }
0xa5: {  	s4 =	ssub.s32 $0x0, s20;
	[sflag:s22] =	ssyncset.done $0x0  }
0xa6: {  	[sflag:s22] =	ssyncadd.s32 s4;
	_ =	sdelay $0x1  }
0xa7: {  	s23 =	simm.s32 $0x1B8B  }
0xa8: {  	_ =	swait.ge [sflag:s23], $0x1  }
0xa9: {  	[sflag:s23] =	ssyncset.done $0x0  }
0xaa: {  	s25 =	simm.s32 $0x1B8E;
	s24 =	sld [smem:$0x3FFE];
	[sflag:s23] =	ssyncadd.s32 $0xFFFFFFFF  }
0xab: {  	s26 =	simm.s32 $execute0_lowered;
	[smem:$0x3FD2] =	sst s25  }
0xac: {  	s5 =	sshll.u32 s26, $0x1;
	_ =	strace $0x80000046;
	[dreg:$0x1] =	wrdreg $0xFFFFFFFF  }
0xad: {  	s28 =	simm.s32 $_size_execute0_lowered;
	s3 =	sadd.s32 s3, s5;
	[dreg:$0x0] =	wrdreg $0x0  }
0xae: {  	s5 =	sshll.u32 s28, $0x1;
	[dreg:$0x2] =	wrdreg s3  }
0xaf: {  	[dreg:$0x3] =	wrdreg s5  }
0xb0: {  	[dreg:$0x4] =	wrdreg $0xC0  }
0xb1: {  	_ =	task [dreg:s7], $0x5FFFF  }
0xb2: {  	[dreg:$0x1] =	wrdreg $0xFFFFFFFF  }
0xb3: {  	[dreg:$0x0] =	wrdreg $0x60  }
0xb4: {  	[dreg:$0x2] =	wrdreg s16  }
0xb5: {  	[dreg:$0x3] =	wrdreg s24  }
0xb6: {  	[dreg:$0x4] =	wrdreg $0x9  }
0xb7: {  	_ =	task.clear_ibuf [dreg:s7], $0x5FFFF;
	_ =	strace $0x90000046  }
0xb8: {  	s29 =	simm.s32 $0x9;
	_ =	strace $0x80000048  }
0xb9: {  	_ =	swait.ge [sflag:s29], $0x1  }
0xba: {  	[sflag:s29] =	ssyncadd.s32 $0xFFFFFFFF  }
0xbb: {  	_ =	strace $0x90000048  }
0xbc: {  	_ =	sfence  }
0xbd: {  	s30 =	sld [smem:$0x0];
	_ =	sdelay $0x2  }
0xbe: {  	s31 =	sshll.u32 s1, $0xD;
	s1 =	sshrl.u32 s1, $0x2  }
0xbf: {  	s3 =	sand.u32 $0x4000, s31;
	s1 =	sadd.s32 s1, s30  }
0xc0: {  	s0 =	sor.u32 s3, s0;
	s1 =	sshll.u32 s1, $0x11  }
0xc1: {  	s0 =	sor.u32 s1, s0  }
0xc2: {  	s0 =	sadd.s32 $0x8F2B, s0  }
0xc3: {  	[sflag:s0] =	ssyncadd.remote.s32 $0x1  }
0xc4: {  	_ =	sfence.sel $0xFFFF  }
0xc5: {  	[dreg:$0x0] =	wrdreg $0xFFFFFFFF;
	(pc) =	sbr.abs _section_cstart, $3  }
0xc6: {  	[dreg:$0x1] =	wrdreg $0xFFFFFFFF  }
0xc7: {  	_ =	task.clear_ibuf [dreg:s7], $0x2FFFF;
	_ =	strace $0x9FFFFFFF  }
0xc8: {  	(tm) =	ssettm $0x7FFFFFFF  }
0xc9: {  	_ =	shalt  }
tec
execute0_lowered:
.L_overlay_start_1:
0x0: {  	(tag) =	ssettag $0x1  }
0x1: {  	s31 =	rddreg [dreg:$0x0];
	s1 =	srdreg.scid  }
0x2: {  	s4 =	rddreg [dreg:$0x1];
	s0 =	stileid.u32;
	s1 =	sand.u32 $0x1, s1  }
0x3: {  	s2 =	simm.s32 $0x0;
	s3 =	sshll.u32 s0, $0xC;
	s5 =	sshll.u32 s1, $0xB  }
0x4: {  	[smem:$0x7FF] =	sst s2;
	s0 =	sadd.s32 $0x41400, s4;
	s30 =	sor.u32 s5, s3  }
0x5: {  	_ =	strace $0x80000047;
	s3 =	sshrl.u32 s30, $0x3;
	s5 =	sshll.u32 s30, $0x4  }
0x6: {  	s9 =	sor.u32 $0x80, s30;
	s6 =	sor.u32 $0x100, s30;
	s3 =	sadd.s32 s31, s3  }
0x7: {  	s8 =	sadd.s32 s0, s5;
	s10 =	sshrl.u32 s9, $0x3;
	[dreg:$0x3] =	wrdreg s3  }
0x8: {  	s5 =	sshll.u32 s9, $0x4;
	[dreg:$0x4] =	wrdreg s8;
	s3 =	sadd.s32 s31, s10  }
0x9: {  	s12 =	sshrl.u32 s6, $0x3;
	s11 =	sadd.s32 s0, s5;
	[dreg:$0x5] =	wrdreg s3  }
0xa: {  	s14 =	sshll.u32 s6, $0x4;
	s13 =	sadd.s32 s31, s12;
	[dreg:$0x6] =	wrdreg s11  }
0xb: {  	s16 =	sor.u32 $0x180, s30;
	s15 =	sadd.s32 s0, s14;
	[dreg:$0x7] =	wrdreg s13  }
0xc: {  	s17 =	sshrl.u32 s16, $0x3;
	[dreg:$0x8] =	wrdreg s15  }
0xd: {  	s5 =	sshll.u32 s16, $0x4;
	s3 =	sadd.s32 s31, s17;
	s18 =	rddreg [dreg:$0x3]  }
0xe: {  	s19 =	sadd.s32 s0, s5;
	[dreg:$0x9] =	wrdreg s3  }
0xf: {  	[dreg:$0xa] =	wrdreg s19;
	s3 =	simm.s32 $0x2  }
0x10: {  	[tilespmem:s2], [sflag:$0x2] =	stream.linear.gather [hbm4b:s18+s2], $0x80, $0x38;
	[tilespmem:$0x4080] =	vst v63  }
0x11: {  	_ =	swait.ge [sflag:s3], $0x80  }
0x12: {  	s4 =	sadd.s32 $0x1400, s4;
	[sflag:s3] =	ssyncset.done $0x0  }
0x13: {  	s6 =	simm.s32 $0x1;
	s5 =	simm.s32 $0x80;
	[sflag:s3] =	ssyncadd.s32 $0xFFFFFF80  }
0x14: {  	[tilespmem:s5], [sflag:$0x1] =	stream.indirect.gather [hbm4b:s4+s5], $0x80, s2, s5, $0xb8;
	[tilespmem:$0x4080] =	vst v63  }
0x15: {  	_ =	swait.ge [sflag:s6], $0x4000  }
0x16: {  	[sflag:s6] =	ssyncset.done $0x0  }
0x17: {  	s7 =	rddreg [dreg:$0x4];
	[sflag:s6] =	ssyncadd.s32 $0xFFFFC000  }
0x18: {  	[hbm4b:s7+s2] =	stream.linear.scatter [tilespmem:s5], [sflag:$0x2], $0x4000, $0x38;
	[tilespmem:$0x4080] =	vst v63  }
0x19: {  	_ =	swait.ge [sflag:s3], $0x4000  }
0x1a: {  	[sflag:s3] =	ssyncset.done $0x0  }
0x1b: {  	s20 =	rddreg [dreg:$0x5];
	[sflag:s3] =	ssyncadd.s32 $0xFFFFC000  }
0x1c: {  	[tilespmem:s2], [sflag:$0x2] =	stream.linear.gather [hbm4b:s20+s2], $0x80, $0x38;
	[tilespmem:$0x4080] =	vst v63  }
0x1d: {  	_ =	swait.ge [sflag:s3], $0x80  }
0x1e: {  	[sflag:s3] =	ssyncset.done $0x0  }
0x1f: {  	[sflag:s3] =	ssyncadd.s32 $0xFFFFFF80  }
0x20: {  	[tilespmem:s5], [sflag:$0x1] =	stream.indirect.gather [hbm4b:s4+s5], $0x80, s2, s5, $0xb8;
	[tilespmem:$0x4080] =	vst v63  }
0x21: {  	_ =	swait.ge [sflag:s6], $0x4000  }
0x22: {  	[sflag:s6] =	ssyncset.done $0x0  }
0x23: {  	s21 =	rddreg [dreg:$0x6];
	[sflag:s6] =	ssyncadd.s32 $0xFFFFC000  }
0x24: {  	[hbm4b:s21+s2] =	stream.linear.scatter [tilespmem:s5], [sflag:$0x2], $0x4000, $0x38;
	[tilespmem:$0x4080] =	vst v63  }
0x25: {  	_ =	swait.ge [sflag:s3], $0x4000  }
0x26: {  	[sflag:s3] =	ssyncset.done $0x0  }
0x27: {  	s22 =	rddreg [dreg:$0x7];
	[sflag:s3] =	ssyncadd.s32 $0xFFFFC000  }
0x28: {  	[tilespmem:s2], [sflag:$0x2] =	stream.linear.gather [hbm4b:s22+s2], $0x80, $0x38;
	[tilespmem:$0x4080] =	vst v63  }
0x29: {  	_ =	swait.ge [sflag:s3], $0x80  }
0x2a: {  	[sflag:s3] =	ssyncset.done $0x0  }
0x2b: {  	[sflag:s3] =	ssyncadd.s32 $0xFFFFFF80  }
0x2c: {  	[tilespmem:s5], [sflag:$0x1] =	stream.indirect.gather [hbm4b:s4+s5], $0x80, s2, s5, $0xb8;
	[tilespmem:$0x4080] =	vst v63  }
0x2d: {  	_ =	swait.ge [sflag:s6], $0x4000  }
0x2e: {  	[sflag:s6] =	ssyncset.done $0x0  }
0x2f: {  	s23 =	rddreg [dreg:$0x8];
	[sflag:s6] =	ssyncadd.s32 $0xFFFFC000  }
0x30: {  	[hbm4b:s23+s2] =	stream.linear.scatter [tilespmem:s5], [sflag:$0x2], $0x4000, $0x38;
	[tilespmem:$0x4080] =	vst v63  }
0x31: {  	_ =	swait.ge [sflag:s3], $0x4000  }
0x32: {  	[sflag:s3] =	ssyncset.done $0x0  }
0x33: {  	s24 =	rddreg [dreg:$0x9];
	[sflag:s3] =	ssyncadd.s32 $0xFFFFC000  }
0x34: {  	[tilespmem:s2], [sflag:$0x2] =	stream.linear.gather [hbm4b:s24+s2], $0x80, $0x38;
	[tilespmem:$0x4080] =	vst v63  }
0x35: {  	_ =	swait.ge [sflag:s3], $0x80  }
0x36: {  	[sflag:s3] =	ssyncset.done $0x0  }
0x37: {  	[sflag:s3] =	ssyncadd.s32 $0xFFFFFF80  }
0x38: {  	[tilespmem:s5], [sflag:$0x1] =	stream.indirect.gather [hbm4b:s4+s5], $0x80, s2, s5, $0xb8;
	[tilespmem:$0x4080] =	vst v63  }
0x39: {  	_ =	swait.ge [sflag:s6], $0x4000  }
0x3a: {  	[sflag:s6] =	ssyncset.done $0x0  }
0x3b: {  	s25 =	rddreg [dreg:$0xa];
	[sflag:s6] =	ssyncadd.s32 $0xFFFFC000  }
0x3c: {  	[hbm4b:s25+s2] =	stream.linear.scatter [tilespmem:s5], [sflag:$0x2], $0x4000, $0x38;
	[tilespmem:$0x4080] =	vst v63  }
0x3d: {  	s8 =	sor.u32 $0x200, s30;
	_ =	swait.ge [sflag:s3], $0x4000  }
0x3e: {  	s26 =	sshrl.u32 s8, $0x3;
	[sflag:s3] =	ssyncset.done $0x0  }
0x3f: {  	s7 =	sadd.s32 s31, s26;
	[sflag:s3] =	ssyncadd.s32 $0xFFFFC000  }
0x40: {  	[tilespmem:s2], [sflag:$0x2] =	stream.linear.gather [hbm4b:s7+s2], $0x80, $0x38;
	[tilespmem:$0x4080] =	vst v63  }
0x41: {  	_ =	swait.ge [sflag:s3], $0x80  }
0x42: {  	[sflag:s3] =	ssyncset.done $0x0  }
0x43: {  	[sflag:s3] =	ssyncadd.s32 $0xFFFFFF80  }
0x44: {  	[tilespmem:s5], [sflag:$0x1] =	stream.indirect.gather [hbm4b:s4+s5], $0x80, s2, s5, $0xb8;
	[tilespmem:$0x4080] =	vst v63  }
0x45: {  	_ =	swait.ge [sflag:s6], $0x4000  }
0x46: {  	s8 =	sshll.u32 s8, $0x4;
	[sflag:s6] =	ssyncset.done $0x0  }
0x47: {  	s8 =	sadd.s32 s0, s8;
	[sflag:s6] =	ssyncadd.s32 $0xFFFFC000  }
0x48: {  	[hbm4b:s8+s2] =	stream.linear.scatter [tilespmem:s5], [sflag:$0x2], $0x4000, $0x38;
	[tilespmem:$0x4080] =	vst v63  }
0x49: {  	s10 =	sor.u32 $0x280, s30;
	_ =	swait.ge [sflag:s3], $0x4000  }
0x4a: {  	s9 =	sshrl.u32 s10, $0x3;
	[sflag:s3] =	ssyncset.done $0x0  }
0x4b: {  	s9 =	sadd.s32 s31, s9;
	[sflag:s3] =	ssyncadd.s32 $0xFFFFC000  }
0x4c: {  	[tilespmem:s2], [sflag:$0x2] =	stream.linear.gather [hbm4b:s9+s2], $0x80, $0x38;
	[tilespmem:$0x4080] =	vst v63  }
0x4d: {  	_ =	swait.ge [sflag:s3], $0x80  }
0x4e: {  	[sflag:s3] =	ssyncset.done $0x0  }
0x4f: {  	[sflag:s3] =	ssyncadd.s32 $0xFFFFFF80  }
0x50: {  	[tilespmem:s5], [sflag:$0x1] =	stream.indirect.gather [hbm4b:s4+s5], $0x80, s2, s5, $0xb8;
	[tilespmem:$0x4080] =	vst v63  }
0x51: {  	_ =	swait.ge [sflag:s6], $0x4000  }
0x52: {  	s10 =	sshll.u32 s10, $0x4;
	[sflag:s6] =	ssyncset.done $0x0  }
0x53: {  	s10 =	sadd.s32 s0, s10;
	[sflag:s6] =	ssyncadd.s32 $0xFFFFC000  }
0x54: {  	[hbm4b:s10+s2] =	stream.linear.scatter [tilespmem:s5], [sflag:$0x2], $0x4000, $0x38;
	[tilespmem:$0x4080] =	vst v63  }
0x55: {  	s12 =	sor.u32 $0x300, s30;
	_ =	swait.ge [sflag:s3], $0x4000  }
0x56: {  	s11 =	sshrl.u32 s12, $0x3;
	[sflag:s3] =	ssyncset.done $0x0  }
0x57: {  	s11 =	sadd.s32 s31, s11;
	[sflag:s3] =	ssyncadd.s32 $0xFFFFC000  }
0x58: {  	[tilespmem:s2], [sflag:$0x2] =	stream.linear.gather [hbm4b:s11+s2], $0x80, $0x38;
	[tilespmem:$0x4080] =	vst v63  }
0x59: {  	_ =	swait.ge [sflag:s3], $0x80  }
0x5a: {  	[sflag:s3] =	ssyncset.done $0x0  }
0x5b: {  	[sflag:s3] =	ssyncadd.s32 $0xFFFFFF80  }
0x5c: {  	[tilespmem:s5], [sflag:$0x1] =	stream.indirect.gather [hbm4b:s4+s5], $0x80, s2, s5, $0xb8;
	[tilespmem:$0x4080] =	vst v63  }
0x5d: {  	_ =	swait.ge [sflag:s6], $0x4000  }
0x5e: {  	s12 =	sshll.u32 s12, $0x4;
	[sflag:s6] =	ssyncset.done $0x0  }
0x5f: {  	s12 =	sadd.s32 s0, s12;
	[sflag:s6] =	ssyncadd.s32 $0xFFFFC000  }
0x60: {  	[hbm4b:s12+s2] =	stream.linear.scatter [tilespmem:s5], [sflag:$0x2], $0x4000, $0x38;
	[tilespmem:$0x4080] =	vst v63  }
0x61: {  	s14 =	sor.u32 $0x380, s30;
	_ =	swait.ge [sflag:s3], $0x4000  }
0x62: {  	s13 =	sshrl.u32 s14, $0x3;
	[sflag:s3] =	ssyncset.done $0x0  }
0x63: {  	s13 =	sadd.s32 s31, s13;
	[sflag:s3] =	ssyncadd.s32 $0xFFFFC000  }
0x64: {  	[tilespmem:s2], [sflag:$0x2] =	stream.linear.gather [hbm4b:s13+s2], $0x80, $0x38;
	[tilespmem:$0x4080] =	vst v63  }
0x65: {  	_ =	swait.ge [sflag:s3], $0x80  }
0x66: {  	[sflag:s3] =	ssyncset.done $0x0  }
0x67: {  	[sflag:s3] =	ssyncadd.s32 $0xFFFFFF80  }
0x68: {  	[tilespmem:s5], [sflag:$0x1] =	stream.indirect.gather [hbm4b:s4+s5], $0x80, s2, s5, $0xb8;
	[tilespmem:$0x4080] =	vst v63  }
0x69: {  	_ =	swait.ge [sflag:s6], $0x4000  }
0x6a: {  	s14 =	sshll.u32 s14, $0x4;
	[sflag:s6] =	ssyncset.done $0x0  }
0x6b: {  	s14 =	sadd.s32 s0, s14;
	[sflag:s6] =	ssyncadd.s32 $0xFFFFC000  }
0x6c: {  	[hbm4b:s14+s2] =	stream.linear.scatter [tilespmem:s5], [sflag:$0x2], $0x4000, $0x38;
	[tilespmem:$0x4080] =	vst v63  }
0x6d: {  	s16 =	sor.u32 $0x400, s30;
	_ =	swait.ge [sflag:s3], $0x4000  }
0x6e: {  	s15 =	sshrl.u32 s16, $0x3;
	[sflag:s3] =	ssyncset.done $0x0  }
0x6f: {  	s15 =	sadd.s32 s31, s15;
	[sflag:s3] =	ssyncadd.s32 $0xFFFFC000  }
0x70: {  	[tilespmem:s2], [sflag:$0x2] =	stream.linear.gather [hbm4b:s15+s2], $0x80, $0x38;
	[tilespmem:$0x4080] =	vst v63  }
0x71: {  	_ =	swait.ge [sflag:s3], $0x80  }
0x72: {  	[sflag:s3] =	ssyncset.done $0x0  }
0x73: {  	[sflag:s3] =	ssyncadd.s32 $0xFFFFFF80  }
0x74: {  	[tilespmem:s5], [sflag:$0x1] =	stream.indirect.gather [hbm4b:s4+s5], $0x80, s2, s5, $0xb8;
	[tilespmem:$0x4080] =	vst v63  }
0x75: {  	_ =	swait.ge [sflag:s6], $0x4000  }
0x76: {  	s16 =	sshll.u32 s16, $0x4;
	[sflag:s6] =	ssyncset.done $0x0  }
0x77: {  	s16 =	sadd.s32 s0, s16;
	[sflag:s6] =	ssyncadd.s32 $0xFFFFC000  }
0x78: {  	[hbm4b:s16+s2] =	stream.linear.scatter [tilespmem:s5], [sflag:$0x2], $0x4000, $0x38;
	[tilespmem:$0x4080] =	vst v63  }
0x79: {  	s18 =	sor.u32 $0x480, s30;
	_ =	swait.ge [sflag:s3], $0x4000  }
0x7a: {  	s17 =	sshrl.u32 s18, $0x3;
	[sflag:s3] =	ssyncset.done $0x0  }
0x7b: {  	s17 =	sadd.s32 s31, s17;
	[sflag:s3] =	ssyncadd.s32 $0xFFFFC000  }
0x7c: {  	[tilespmem:s2], [sflag:$0x2] =	stream.linear.gather [hbm4b:s17+s2], $0x80, $0x38;
	[tilespmem:$0x4080] =	vst v63  }
0x7d: {  	_ =	swait.ge [sflag:s3], $0x80  }
0x7e: {  	[sflag:s3] =	ssyncset.done $0x0  }
0x7f: {  	[sflag:s3] =	ssyncadd.s32 $0xFFFFFF80  }
0x80: {  	[tilespmem:s5], [sflag:$0x1] =	stream.indirect.gather [hbm4b:s4+s5], $0x80, s2, s5, $0xb8;
	[tilespmem:$0x4080] =	vst v63  }
0x81: {  	_ =	swait.ge [sflag:s6], $0x4000  }
0x82: {  	s18 =	sshll.u32 s18, $0x4;
	[sflag:s6] =	ssyncset.done $0x0  }
0x83: {  	s18 =	sadd.s32 s0, s18;
	[sflag:s6] =	ssyncadd.s32 $0xFFFFC000  }
0x84: {  	[hbm4b:s18+s2] =	stream.linear.scatter [tilespmem:s5], [sflag:$0x2], $0x4000, $0x38;
	[tilespmem:$0x4080] =	vst v63  }
0x85: {  	s20 =	sor.u32 $0x500, s30;
	_ =	swait.ge [sflag:s3], $0x4000  }
0x86: {  	s19 =	sshrl.u32 s20, $0x3;
	[sflag:s3] =	ssyncset.done $0x0  }
0x87: {  	s19 =	sadd.s32 s31, s19;
	[sflag:s3] =	ssyncadd.s32 $0xFFFFC000  }
0x88: {  	[tilespmem:s2], [sflag:$0x2] =	stream.linear.gather [hbm4b:s19+s2], $0x80, $0x38;
	[tilespmem:$0x4080] =	vst v63  }
0x89: {  	_ =	swait.ge [sflag:s3], $0x80  }
0x8a: {  	[sflag:s3] =	ssyncset.done $0x0  }
0x8b: {  	[sflag:s3] =	ssyncadd.s32 $0xFFFFFF80  }
0x8c: {  	[tilespmem:s5], [sflag:$0x1] =	stream.indirect.gather [hbm4b:s4+s5], $0x80, s2, s5, $0xb8;
	[tilespmem:$0x4080] =	vst v63  }
0x8d: {  	_ =	swait.ge [sflag:s6], $0x4000  }
0x8e: {  	s20 =	sshll.u32 s20, $0x4;
	[sflag:s6] =	ssyncset.done $0x0  }
0x8f: {  	s20 =	sadd.s32 s0, s20;
	[sflag:s6] =	ssyncadd.s32 $0xFFFFC000  }
0x90: {  	[hbm4b:s20+s2] =	stream.linear.scatter [tilespmem:s5], [sflag:$0x2], $0x4000, $0x38;
	[tilespmem:$0x4080] =	vst v63  }
0x91: {  	s22 =	sor.u32 $0x580, s30;
	_ =	swait.ge [sflag:s3], $0x4000  }
0x92: {  	s21 =	sshrl.u32 s22, $0x3;
	[sflag:s3] =	ssyncset.done $0x0  }
0x93: {  	s21 =	sadd.s32 s31, s21;
	[sflag:s3] =	ssyncadd.s32 $0xFFFFC000  }
0x94: {  	[tilespmem:s2], [sflag:$0x2] =	stream.linear.gather [hbm4b:s21+s2], $0x80, $0x38;
	[tilespmem:$0x4080] =	vst v63  }
0x95: {  	_ =	swait.ge [sflag:s3], $0x80  }
0x96: {  	[sflag:s3] =	ssyncset.done $0x0  }
0x97: {  	[sflag:s3] =	ssyncadd.s32 $0xFFFFFF80  }
0x98: {  	[tilespmem:s5], [sflag:$0x1] =	stream.indirect.gather [hbm4b:s4+s5], $0x80, s2, s5, $0xb8;
	[tilespmem:$0x4080] =	vst v63  }
0x99: {  	_ =	swait.ge [sflag:s6], $0x4000  }
0x9a: {  	s22 =	sshll.u32 s22, $0x4;
	[sflag:s6] =	ssyncset.done $0x0  }
0x9b: {  	s22 =	sadd.s32 s0, s22;
	[sflag:s6] =	ssyncadd.s32 $0xFFFFC000  }
0x9c: {  	[hbm4b:s22+s2] =	stream.linear.scatter [tilespmem:s5], [sflag:$0x2], $0x4000, $0x38;
	[tilespmem:$0x4080] =	vst v63  }
0x9d: {  	s24 =	sor.u32 $0x600, s30;
	_ =	swait.ge [sflag:s3], $0x4000  }
0x9e: {  	s23 =	sshrl.u32 s24, $0x3;
	[sflag:s3] =	ssyncset.done $0x0  }
0x9f: {  	s23 =	sadd.s32 s31, s23;
	[sflag:s3] =	ssyncadd.s32 $0xFFFFC000  }
0xa0: {  	[tilespmem:s2], [sflag:$0x2] =	stream.linear.gather [hbm4b:s23+s2], $0x80, $0x38;
	[tilespmem:$0x4080] =	vst v63  }
0xa1: {  	_ =	swait.ge [sflag:s3], $0x80  }
0xa2: {  	[sflag:s3] =	ssyncset.done $0x0  }
0xa3: {  	[sflag:s3] =	ssyncadd.s32 $0xFFFFFF80  }
0xa4: {  	[tilespmem:s5], [sflag:$0x1] =	stream.indirect.gather [hbm4b:s4+s5], $0x80, s2, s5, $0xb8;
	[tilespmem:$0x4080] =	vst v63  }
0xa5: {  	_ =	swait.ge [sflag:s6], $0x4000  }
0xa6: {  	s24 =	sshll.u32 s24, $0x4;
	[sflag:s6] =	ssyncset.done $0x0  }
0xa7: {  	s24 =	sadd.s32 s0, s24;
	[sflag:s6] =	ssyncadd.s32 $0xFFFFC000  }
0xa8: {  	[hbm4b:s24+s2] =	stream.linear.scatter [tilespmem:s5], [sflag:$0x2], $0x4000, $0x38;
	[tilespmem:$0x4080] =	vst v63  }
0xa9: {  	s26 =	sor.u32 $0x680, s30;
	_ =	swait.ge [sflag:s3], $0x4000  }
0xaa: {  	s25 =	sshrl.u32 s26, $0x3;
	[sflag:s3] =	ssyncset.done $0x0  }
0xab: {  	s25 =	sadd.s32 s31, s25;
	[sflag:s3] =	ssyncadd.s32 $0xFFFFC000  }
0xac: {  	[tilespmem:s2], [sflag:$0x2] =	stream.linear.gather [hbm4b:s25+s2], $0x80, $0x38;
	[tilespmem:$0x4080] =	vst v63  }
0xad: {  	_ =	swait.ge [sflag:s3], $0x80  }
0xae: {  	[sflag:s3] =	ssyncset.done $0x0  }
0xaf: {  	[sflag:s3] =	ssyncadd.s32 $0xFFFFFF80  }
0xb0: {  	[tilespmem:s5], [sflag:$0x1] =	stream.indirect.gather [hbm4b:s4+s5], $0x80, s2, s5, $0xb8;
	[tilespmem:$0x4080] =	vst v63  }
0xb1: {  	_ =	swait.ge [sflag:s6], $0x4000  }
0xb2: {  	s26 =	sshll.u32 s26, $0x4;
	[sflag:s6] =	ssyncset.done $0x0  }
0xb3: {  	s26 =	sadd.s32 s0, s26;
	[dreg:$0xb] =	wrdreg s0;
	[sflag:s6] =	ssyncadd.s32 $0xFFFFC000  }
0xb4: {  	[hbm4b:s26+s2] =	stream.linear.scatter [tilespmem:s5], [sflag:$0x2], $0x4000, $0x38;
	[tilespmem:$0x4080] =	vst v63  }
0xb5: {  	s29 =	sor.u32 $0x700, s30;
	_ =	swait.ge [sflag:s3], $0x4000  }
0xb6: {  	s28 =	sshrl.u32 s29, $0x3;
	[sflag:s3] =	ssyncset.done $0x0  }
0xb7: {  	s28 =	sadd.s32 s31, s28;
	[sflag:s3] =	ssyncadd.s32 $0xFFFFC000  }
0xb8: {  	[tilespmem:s2], [sflag:$0x2] =	stream.linear.gather [hbm4b:s28+s2], $0x80, $0x38;
	[tilespmem:$0x4080] =	vst v63  }
0xb9: {  	_ =	swait.ge [sflag:s3], $0x80  }
0xba: {  	[sflag:s3] =	ssyncset.done $0x0  }
0xbb: {  	[sflag:s3] =	ssyncadd.s32 $0xFFFFFF80  }
0xbc: {  	[tilespmem:s5], [sflag:$0x1] =	stream.indirect.gather [hbm4b:s4+s5], $0x80, s2, s5, $0xb8;
	[tilespmem:$0x4080] =	vst v63  }
0xbd: {  	_ =	swait.ge [sflag:s6], $0x4000  }
0xbe: {  	s29 =	sshll.u32 s29, $0x4;
	[sflag:s6] =	ssyncset.done $0x0  }
0xbf: {  	s29 =	sadd.s32 s0, s29;
	[sflag:s6] =	ssyncadd.s32 $0xFFFFC000  }
0xc0: {  	[hbm4b:s29+s2] =	stream.linear.scatter [tilespmem:s5], [sflag:$0x2], $0x4000, $0x38;
	[tilespmem:$0x4080] =	vst v63  }
0xc1: {  	s0 =	sor.u32 $0x780, s30;
	_ =	swait.ge [sflag:s3], $0x4000  }
0xc2: {  	s1 =	ssub.s32 $0x2, s1;
	s30 =	sshrl.u32 s0, $0x3;
	[sflag:s3] =	ssyncset.done $0x0  }
0xc3: {  	s30 =	sadd.s32 s31, s30;
	s31 =	sshrl.u32 s1, $0x1;
	[sflag:s3] =	ssyncadd.s32 $0xFFFFC000  }
0xc4: {  	[tilespmem:s2], [sflag:$0x2] =	stream.linear.gather [hbm4b:s30+s2], $0x80, $0x38;
	[tilespmem:$0x4080] =	vst v63  }
0xc5: {  	s1 =	ssub.s32 s1, s31;
	_ =	swait.ge [sflag:s3], $0x80  }
0xc6: {  	s1 =	smax.u32 s1, $0x1;
	[sflag:s3] =	ssyncset.done $0x0  }
0xc7: {  	p0 =	sne.s32 s1, $0x1;
	[sflag:s3] =	ssyncadd.s32 $0xFFFFFF80  }
0xc8: {  	[tilespmem:s5], [sflag:$0x1] =	stream.indirect.gather [hbm4b:s4+s5], $0x80, s2, s5, $0xb8;
	[tilespmem:$0x4080] =	vst v63  }
.Ltmp0:
0xc9: {  	_ =	swait.ge [sflag:s6], $0x4000;
	(pc) =	sbr.rel @!p0 .LBB2_2-.Ltmp0, $4  }
0xca: {  	s0 =	sshll.u32 s0, $0x4;
	[sflag:s6] =	ssyncset.done $0x0;
	s31 =	rddreg [dreg:$0xb]  }
0xcb: {  	s31 =	sadd.s32 s31, s0;
	[sflag:s6] =	ssyncadd.s32 $0xFFFFC000  }
0xcc: {  	[hbm4b:s31+s2] =	stream.linear.scatter [tilespmem:s5], [sflag:$0x2], $0x4000, $0x38;
	[tilespmem:$0x4080] =	vst v63  }
0xcd: {  	s0 =	sadd.s32 $0xFFFFFFFF, s1;
	_ =	swait.ge [sflag:s3], $0x4000  }
.LBB2_1:
0xce: {  	[sflag:s3] =	ssyncset.done $0x0  }
0xcf: {  	s1 =	rddreg [dreg:$0x3];
	[sflag:s3] =	ssyncadd.s32 $0xFFFFC000  }
0xd0: {  	[tilespmem:s2], [sflag:$0x2] =	stream.linear.gather [hbm4b:s1+s2], $0x80, $0x38;
	[tilespmem:$0x4080] =	vst v63  }
0xd1: {  	_ =	swait.ge [sflag:s3], $0x80  }
0xd2: {  	[sflag:s3] =	ssyncset.done $0x0  }
0xd3: {  	[sflag:s3] =	ssyncadd.s32 $0xFFFFFF80  }
0xd4: {  	[tilespmem:s5], [sflag:$0x1] =	stream.indirect.gather [hbm4b:s4+s5], $0x80, s2, s5, $0xb8;
	[tilespmem:$0x4080] =	vst v63  }
0xd5: {  	_ =	swait.ge [sflag:s6], $0x4000  }
0xd6: {  	[sflag:s6] =	ssyncset.done $0x0  }
0xd7: {  	s1 =	rddreg [dreg:$0x4];
	[sflag:s6] =	ssyncadd.s32 $0xFFFFC000  }
0xd8: {  	[hbm4b:s1+s2] =	stream.linear.scatter [tilespmem:s5], [sflag:$0x2], $0x4000, $0x38;
	[tilespmem:$0x4080] =	vst v63  }
0xd9: {  	_ =	swait.ge [sflag:s3], $0x4000  }
0xda: {  	[sflag:s3] =	ssyncset.done $0x0  }
0xdb: {  	s1 =	rddreg [dreg:$0x5];
	[sflag:s3] =	ssyncadd.s32 $0xFFFFC000  }
0xdc: {  	[tilespmem:s2], [sflag:$0x2] =	stream.linear.gather [hbm4b:s1+s2], $0x80, $0x38;
	[tilespmem:$0x4080] =	vst v63  }
0xdd: {  	_ =	swait.ge [sflag:s3], $0x80  }
0xde: {  	[sflag:s3] =	ssyncset.done $0x0  }
0xdf: {  	[sflag:s3] =	ssyncadd.s32 $0xFFFFFF80  }
0xe0: {  	[tilespmem:s5], [sflag:$0x1] =	stream.indirect.gather [hbm4b:s4+s5], $0x80, s2, s5, $0xb8;
	[tilespmem:$0x4080] =	vst v63  }
0xe1: {  	_ =	swait.ge [sflag:s6], $0x4000  }
0xe2: {  	[sflag:s6] =	ssyncset.done $0x0  }
0xe3: {  	s1 =	rddreg [dreg:$0x6];
	[sflag:s6] =	ssyncadd.s32 $0xFFFFC000  }
0xe4: {  	[hbm4b:s1+s2] =	stream.linear.scatter [tilespmem:s5], [sflag:$0x2], $0x4000, $0x38;
	[tilespmem:$0x4080] =	vst v63  }
0xe5: {  	_ =	swait.ge [sflag:s3], $0x4000  }
0xe6: {  	[sflag:s3] =	ssyncset.done $0x0  }
0xe7: {  	s1 =	rddreg [dreg:$0x7];
	[sflag:s3] =	ssyncadd.s32 $0xFFFFC000  }
0xe8: {  	[tilespmem:s2], [sflag:$0x2] =	stream.linear.gather [hbm4b:s1+s2], $0x80, $0x38;
	[tilespmem:$0x4080] =	vst v63  }
0xe9: {  	_ =	swait.ge [sflag:s3], $0x80  }
0xea: {  	[sflag:s3] =	ssyncset.done $0x0  }
0xeb: {  	[sflag:s3] =	ssyncadd.s32 $0xFFFFFF80  }
0xec: {  	[tilespmem:s5], [sflag:$0x1] =	stream.indirect.gather [hbm4b:s4+s5], $0x80, s2, s5, $0xb8;
	[tilespmem:$0x4080] =	vst v63  }
0xed: {  	_ =	swait.ge [sflag:s6], $0x4000  }
0xee: {  	[sflag:s6] =	ssyncset.done $0x0  }
0xef: {  	s1 =	rddreg [dreg:$0x8];
	[sflag:s6] =	ssyncadd.s32 $0xFFFFC000  }
0xf0: {  	[hbm4b:s1+s2] =	stream.linear.scatter [tilespmem:s5], [sflag:$0x2], $0x4000, $0x38;
	[tilespmem:$0x4080] =	vst v63  }
0xf1: {  	_ =	swait.ge [sflag:s3], $0x4000  }
0xf2: {  	[sflag:s3] =	ssyncset.done $0x0  }
0xf3: {  	s1 =	rddreg [dreg:$0x9];
	[sflag:s3] =	ssyncadd.s32 $0xFFFFC000  }
0xf4: {  	[tilespmem:s2], [sflag:$0x2] =	stream.linear.gather [hbm4b:s1+s2], $0x80, $0x38;
	[tilespmem:$0x4080] =	vst v63  }
0xf5: {  	_ =	swait.ge [sflag:s3], $0x80  }
0xf6: {  	[sflag:s3] =	ssyncset.done $0x0  }
0xf7: {  	[sflag:s3] =	ssyncadd.s32 $0xFFFFFF80  }
0xf8: {  	[tilespmem:s5], [sflag:$0x1] =	stream.indirect.gather [hbm4b:s4+s5], $0x80, s2, s5, $0xb8;
	[tilespmem:$0x4080] =	vst v63  }
0xf9: {  	_ =	swait.ge [sflag:s6], $0x4000  }
0xfa: {  	[sflag:s6] =	ssyncset.done $0x0  }
0xfb: {  	s1 =	rddreg [dreg:$0xa];
	[sflag:s6] =	ssyncadd.s32 $0xFFFFC000  }
0xfc: {  	[hbm4b:s1+s2] =	stream.linear.scatter [tilespmem:s5], [sflag:$0x2], $0x4000, $0x38;
	[tilespmem:$0x4080] =	vst v63  }
0xfd: {  	_ =	swait.ge [sflag:s3], $0x4000  }
0xfe: {  	[sflag:s3] =	ssyncset.done $0x0  }
0xff: {  	[sflag:s3] =	ssyncadd.s32 $0xFFFFC000  }
0x100: {  	[tilespmem:s2], [sflag:$0x2] =	stream.linear.gather [hbm4b:s7+s2], $0x80, $0x38;
	[tilespmem:$0x4080] =	vst v63  }
0x101: {  	_ =	swait.ge [sflag:s3], $0x80  }
0x102: {  	[sflag:s3] =	ssyncset.done $0x0  }
0x103: {  	[sflag:s3] =	ssyncadd.s32 $0xFFFFFF80  }
0x104: {  	[tilespmem:s5], [sflag:$0x1] =	stream.indirect.gather [hbm4b:s4+s5], $0x80, s2, s5, $0xb8;
	[tilespmem:$0x4080] =	vst v63  }
0x105: {  	_ =	swait.ge [sflag:s6], $0x4000  }
0x106: {  	[sflag:s6] =	ssyncset.done $0x0  }
0x107: {  	[sflag:s6] =	ssyncadd.s32 $0xFFFFC000  }
0x108: {  	[hbm4b:s8+s2] =	stream.linear.scatter [tilespmem:s5], [sflag:$0x2], $0x4000, $0x38;
	[tilespmem:$0x4080] =	vst v63  }
0x109: {  	_ =	swait.ge [sflag:s3], $0x4000  }
0x10a: {  	[sflag:s3] =	ssyncset.done $0x0  }
0x10b: {  	[sflag:s3] =	ssyncadd.s32 $0xFFFFC000  }
0x10c: {  	[tilespmem:s2], [sflag:$0x2] =	stream.linear.gather [hbm4b:s9+s2], $0x80, $0x38;
	[tilespmem:$0x4080] =	vst v63  }
0x10d: {  	_ =	swait.ge [sflag:s3], $0x80  }
0x10e: {  	[sflag:s3] =	ssyncset.done $0x0  }
0x10f: {  	[sflag:s3] =	ssyncadd.s32 $0xFFFFFF80  }
0x110: {  	[tilespmem:s5], [sflag:$0x1] =	stream.indirect.gather [hbm4b:s4+s5], $0x80, s2, s5, $0xb8;
	[tilespmem:$0x4080] =	vst v63  }
0x111: {  	_ =	swait.ge [sflag:s6], $0x4000  }
0x112: {  	[sflag:s6] =	ssyncset.done $0x0  }
0x113: {  	[sflag:s6] =	ssyncadd.s32 $0xFFFFC000  }
0x114: {  	[hbm4b:s10+s2] =	stream.linear.scatter [tilespmem:s5], [sflag:$0x2], $0x4000, $0x38;
	[tilespmem:$0x4080] =	vst v63  }
0x115: {  	_ =	swait.ge [sflag:s3], $0x4000  }
0x116: {  	[sflag:s3] =	ssyncset.done $0x0  }
0x117: {  	[sflag:s3] =	ssyncadd.s32 $0xFFFFC000  }
0x118: {  	[tilespmem:s2], [sflag:$0x2] =	stream.linear.gather [hbm4b:s11+s2], $0x80, $0x38;
	[tilespmem:$0x4080] =	vst v63  }
0x119: {  	_ =	swait.ge [sflag:s3], $0x80  }
0x11a: {  	[sflag:s3] =	ssyncset.done $0x0  }
0x11b: {  	[sflag:s3] =	ssyncadd.s32 $0xFFFFFF80  }
0x11c: {  	[tilespmem:s5], [sflag:$0x1] =	stream.indirect.gather [hbm4b:s4+s5], $0x80, s2, s5, $0xb8;
	[tilespmem:$0x4080] =	vst v63  }
0x11d: {  	_ =	swait.ge [sflag:s6], $0x4000  }
0x11e: {  	[sflag:s6] =	ssyncset.done $0x0  }
0x11f: {  	[sflag:s6] =	ssyncadd.s32 $0xFFFFC000  }
0x120: {  	[hbm4b:s12+s2] =	stream.linear.scatter [tilespmem:s5], [sflag:$0x2], $0x4000, $0x38;
	[tilespmem:$0x4080] =	vst v63  }
0x121: {  	_ =	swait.ge [sflag:s3], $0x4000  }
0x122: {  	[sflag:s3] =	ssyncset.done $0x0  }
0x123: {  	[sflag:s3] =	ssyncadd.s32 $0xFFFFC000  }
0x124: {  	[tilespmem:s2], [sflag:$0x2] =	stream.linear.gather [hbm4b:s13+s2], $0x80, $0x38;
	[tilespmem:$0x4080] =	vst v63  }
0x125: {  	_ =	swait.ge [sflag:s3], $0x80  }
0x126: {  	[sflag:s3] =	ssyncset.done $0x0  }
0x127: {  	[sflag:s3] =	ssyncadd.s32 $0xFFFFFF80  }
0x128: {  	[tilespmem:s5], [sflag:$0x1] =	stream.indirect.gather [hbm4b:s4+s5], $0x80, s2, s5, $0xb8;
	[tilespmem:$0x4080] =	vst v63  }
0x129: {  	_ =	swait.ge [sflag:s6], $0x4000  }
0x12a: {  	[sflag:s6] =	ssyncset.done $0x0  }
0x12b: {  	[sflag:s6] =	ssyncadd.s32 $0xFFFFC000  }
0x12c: {  	[hbm4b:s14+s2] =	stream.linear.scatter [tilespmem:s5], [sflag:$0x2], $0x4000, $0x38;
	[tilespmem:$0x4080] =	vst v63  }
0x12d: {  	_ =	swait.ge [sflag:s3], $0x4000  }
0x12e: {  	[sflag:s3] =	ssyncset.done $0x0  }
0x12f: {  	[sflag:s3] =	ssyncadd.s32 $0xFFFFC000  }
0x130: {  	[tilespmem:s2], [sflag:$0x2] =	stream.linear.gather [hbm4b:s15+s2], $0x80, $0x38;
	[tilespmem:$0x4080] =	vst v63  }
0x131: {  	_ =	swait.ge [sflag:s3], $0x80  }
0x132: {  	[sflag:s3] =	ssyncset.done $0x0  }
0x133: {  	[sflag:s3] =	ssyncadd.s32 $0xFFFFFF80  }
0x134: {  	[tilespmem:s5], [sflag:$0x1] =	stream.indirect.gather [hbm4b:s4+s5], $0x80, s2, s5, $0xb8;
	[tilespmem:$0x4080] =	vst v63  }
0x135: {  	_ =	swait.ge [sflag:s6], $0x4000  }
0x136: {  	[sflag:s6] =	ssyncset.done $0x0  }
0x137: {  	[sflag:s6] =	ssyncadd.s32 $0xFFFFC000  }
0x138: {  	[hbm4b:s16+s2] =	stream.linear.scatter [tilespmem:s5], [sflag:$0x2], $0x4000, $0x38;
	[tilespmem:$0x4080] =	vst v63  }
0x139: {  	_ =	swait.ge [sflag:s3], $0x4000  }
0x13a: {  	[sflag:s3] =	ssyncset.done $0x0  }
0x13b: {  	[sflag:s3] =	ssyncadd.s32 $0xFFFFC000  }
0x13c: {  	[tilespmem:s2], [sflag:$0x2] =	stream.linear.gather [hbm4b:s17+s2], $0x80, $0x38;
	[tilespmem:$0x4080] =	vst v63  }
0x13d: {  	_ =	swait.ge [sflag:s3], $0x80  }
0x13e: {  	[sflag:s3] =	ssyncset.done $0x0  }
0x13f: {  	[sflag:s3] =	ssyncadd.s32 $0xFFFFFF80  }
0x140: {  	[tilespmem:s5], [sflag:$0x1] =	stream.indirect.gather [hbm4b:s4+s5], $0x80, s2, s5, $0xb8;
	[tilespmem:$0x4080] =	vst v63  }
0x141: {  	_ =	swait.ge [sflag:s6], $0x4000  }
0x142: {  	[sflag:s6] =	ssyncset.done $0x0  }
0x143: {  	[sflag:s6] =	ssyncadd.s32 $0xFFFFC000  }
0x144: {  	[hbm4b:s18+s2] =	stream.linear.scatter [tilespmem:s5], [sflag:$0x2], $0x4000, $0x38;
	[tilespmem:$0x4080] =	vst v63  }
0x145: {  	_ =	swait.ge [sflag:s3], $0x4000  }
0x146: {  	[sflag:s3] =	ssyncset.done $0x0  }
0x147: {  	[sflag:s3] =	ssyncadd.s32 $0xFFFFC000  }
0x148: {  	[tilespmem:s2], [sflag:$0x2] =	stream.linear.gather [hbm4b:s19+s2], $0x80, $0x38;
	[tilespmem:$0x4080] =	vst v63  }
0x149: {  	_ =	swait.ge [sflag:s3], $0x80  }
0x14a: {  	[sflag:s3] =	ssyncset.done $0x0  }
0x14b: {  	[sflag:s3] =	ssyncadd.s32 $0xFFFFFF80  }
0x14c: {  	[tilespmem:s5], [sflag:$0x1] =	stream.indirect.gather [hbm4b:s4+s5], $0x80, s2, s5, $0xb8;
	[tilespmem:$0x4080] =	vst v63  }
0x14d: {  	_ =	swait.ge [sflag:s6], $0x4000  }
0x14e: {  	[sflag:s6] =	ssyncset.done $0x0  }
0x14f: {  	[sflag:s6] =	ssyncadd.s32 $0xFFFFC000  }
0x150: {  	[hbm4b:s20+s2] =	stream.linear.scatter [tilespmem:s5], [sflag:$0x2], $0x4000, $0x38;
	[tilespmem:$0x4080] =	vst v63  }
0x151: {  	_ =	swait.ge [sflag:s3], $0x4000  }
0x152: {  	[sflag:s3] =	ssyncset.done $0x0  }
0x153: {  	[sflag:s3] =	ssyncadd.s32 $0xFFFFC000  }
0x154: {  	[tilespmem:s2], [sflag:$0x2] =	stream.linear.gather [hbm4b:s21+s2], $0x80, $0x38;
	[tilespmem:$0x4080] =	vst v63  }
0x155: {  	_ =	swait.ge [sflag:s3], $0x80  }
0x156: {  	[sflag:s3] =	ssyncset.done $0x0  }
0x157: {  	[sflag:s3] =	ssyncadd.s32 $0xFFFFFF80  }
0x158: {  	[tilespmem:s5], [sflag:$0x1] =	stream.indirect.gather [hbm4b:s4+s5], $0x80, s2, s5, $0xb8;
	[tilespmem:$0x4080] =	vst v63  }
0x159: {  	_ =	swait.ge [sflag:s6], $0x4000  }
0x15a: {  	[sflag:s6] =	ssyncset.done $0x0  }
0x15b: {  	[sflag:s6] =	ssyncadd.s32 $0xFFFFC000  }
0x15c: {  	[hbm4b:s22+s2] =	stream.linear.scatter [tilespmem:s5], [sflag:$0x2], $0x4000, $0x38;
	[tilespmem:$0x4080] =	vst v63  }
0x15d: {  	_ =	swait.ge [sflag:s3], $0x4000  }
0x15e: {  	[sflag:s3] =	ssyncset.done $0x0  }
0x15f: {  	[sflag:s3] =	ssyncadd.s32 $0xFFFFC000  }
0x160: {  	[tilespmem:s2], [sflag:$0x2] =	stream.linear.gather [hbm4b:s23+s2], $0x80, $0x38;
	[tilespmem:$0x4080] =	vst v63  }
0x161: {  	_ =	swait.ge [sflag:s3], $0x80  }
0x162: {  	[sflag:s3] =	ssyncset.done $0x0  }
0x163: {  	[sflag:s3] =	ssyncadd.s32 $0xFFFFFF80  }
0x164: {  	[tilespmem:s5], [sflag:$0x1] =	stream.indirect.gather [hbm4b:s4+s5], $0x80, s2, s5, $0xb8;
	[tilespmem:$0x4080] =	vst v63  }
0x165: {  	_ =	swait.ge [sflag:s6], $0x4000  }
0x166: {  	[sflag:s6] =	ssyncset.done $0x0  }
0x167: {  	[sflag:s6] =	ssyncadd.s32 $0xFFFFC000  }
0x168: {  	[hbm4b:s24+s2] =	stream.linear.scatter [tilespmem:s5], [sflag:$0x2], $0x4000, $0x38;
	[tilespmem:$0x4080] =	vst v63  }
0x169: {  	_ =	swait.ge [sflag:s3], $0x4000  }
0x16a: {  	[sflag:s3] =	ssyncset.done $0x0  }
0x16b: {  	[sflag:s3] =	ssyncadd.s32 $0xFFFFC000  }
0x16c: {  	[tilespmem:s2], [sflag:$0x2] =	stream.linear.gather [hbm4b:s25+s2], $0x80, $0x38;
	[tilespmem:$0x4080] =	vst v63  }
0x16d: {  	_ =	swait.ge [sflag:s3], $0x80  }
0x16e: {  	[sflag:s3] =	ssyncset.done $0x0  }
0x16f: {  	[sflag:s3] =	ssyncadd.s32 $0xFFFFFF80  }
0x170: {  	[tilespmem:s5], [sflag:$0x1] =	stream.indirect.gather [hbm4b:s4+s5], $0x80, s2, s5, $0xb8;
	[tilespmem:$0x4080] =	vst v63  }
0x171: {  	_ =	swait.ge [sflag:s6], $0x4000  }
0x172: {  	[sflag:s6] =	ssyncset.done $0x0  }
0x173: {  	[sflag:s6] =	ssyncadd.s32 $0xFFFFC000  }
0x174: {  	[hbm4b:s26+s2] =	stream.linear.scatter [tilespmem:s5], [sflag:$0x2], $0x4000, $0x38;
	[tilespmem:$0x4080] =	vst v63  }
0x175: {  	_ =	swait.ge [sflag:s3], $0x4000  }
0x176: {  	[sflag:s3] =	ssyncset.done $0x0  }
0x177: {  	[sflag:s3] =	ssyncadd.s32 $0xFFFFC000  }
0x178: {  	[tilespmem:s2], [sflag:$0x2] =	stream.linear.gather [hbm4b:s28+s2], $0x80, $0x38;
	[tilespmem:$0x4080] =	vst v63  }
0x179: {  	_ =	swait.ge [sflag:s3], $0x80  }
0x17a: {  	[sflag:s3] =	ssyncset.done $0x0  }
0x17b: {  	[sflag:s3] =	ssyncadd.s32 $0xFFFFFF80  }
0x17c: {  	[tilespmem:s5], [sflag:$0x1] =	stream.indirect.gather [hbm4b:s4+s5], $0x80, s2, s5, $0xb8;
	[tilespmem:$0x4080] =	vst v63  }
0x17d: {  	_ =	swait.ge [sflag:s6], $0x4000  }
0x17e: {  	[sflag:s6] =	ssyncset.done $0x0  }
0x17f: {  	[sflag:s6] =	ssyncadd.s32 $0xFFFFC000  }
0x180: {  	[hbm4b:s29+s2] =	stream.linear.scatter [tilespmem:s5], [sflag:$0x2], $0x4000, $0x38;
	[tilespmem:$0x4080] =	vst v63  }
0x181: {  	_ =	swait.ge [sflag:s3], $0x4000  }
0x182: {  	[sflag:s3] =	ssyncset.done $0x0  }
0x183: {  	[sflag:s3] =	ssyncadd.s32 $0xFFFFC000  }
0x184: {  	[tilespmem:s2], [sflag:$0x2] =	stream.linear.gather [hbm4b:s30+s2], $0x80, $0x38;
	[tilespmem:$0x4080] =	vst v63  }
0x185: {  	_ =	swait.ge [sflag:s3], $0x80  }
0x186: {  	[sflag:s3] =	ssyncset.done $0x0  }
0x187: {  	p0 =	sne.s32 s0, $0x1;
	[sflag:s3] =	ssyncadd.s32 $0xFFFFFF80  }
0x188: {  	[tilespmem:s5], [sflag:$0x1] =	stream.indirect.gather [hbm4b:s4+s5], $0x80, s2, s5, $0xb8;
	[tilespmem:$0x4080] =	vst v63  }
.Ltmp1:
0x189: {  	_ =	swait.ge [sflag:s6], $0x4000;
	(pc) =	sbr.rel @p0 .LBB2_1-.Ltmp1, $4  }
0x18a: {  	[sflag:s6] =	ssyncset.done $0x0  }
0x18b: {  	[sflag:s6] =	ssyncadd.s32 $0xFFFFC000  }
0x18c: {  	[hbm4b:s31+s2] =	stream.linear.scatter [tilespmem:s5], [sflag:$0x2], $0x4000, $0x38;
	[tilespmem:$0x4080] =	vst v63  }
0x18d: {  	s0 =	sadd.s32 $0xFFFFFFFF, s0;
	_ =	swait.ge [sflag:s3], $0x4000  }
.LBB2_2:
0x18e: {  	[sflag:s3] =	ssyncset.done $0x0  }
0x18f: {  	[sflag:s3] =	ssyncadd.s32 $0xFFFFC000  }
0x190: {  	_ =	sfence.sel $0x180000  }
0x191: {  	[bflag:$0x0] =	sbarrier.arrive $0xFFFF  }
0x192: {  	_ =	strace $0x90000047  }
0x193: {  	s0 =	stileid.u32;
	[bflag:$0x2] =	sbarrier.arrive $0xFFFF  }
0x194: {  	p0 =	sne.s32 s0, $0x0;
	s0 =	rddreg [dreg:$0x2]  }
0x195: {  	s0 =	sadd.s32 @!p0 $0x100000, s0  }
0x196: {  	[sflag:s0] =	ssyncadd.tile.s32 @!p0 $0x1;
	_ =	shalt  }
.Lfunc_end2:
_tile_overlayer_lowered:
.L_overlay_start_2:
0x197: {  	(tag) =	ssettag $0x2  }
0x198: {  	s0 =	rddreg [dreg:$0x0];
	s2 =	stileid.u32  }
0x199: {  	s1 =	rddreg [dreg:$0x1];
	p0 =	sne.s32 s2, $0x0  }
0x19a: {  	s3 =	rddreg [dreg:$0x2];
	[bflag:$0x3] =	sbarrier.arrive $0xFFFF;
	s2 =	simm.s32 @!p0 $0x1C02  }
0x19b: {  	[timem:s3], [sflag:s2] =	dma.local @!p0 [hbm:s0], s1  }
0x19c: {  	s0 =	simm.s32 @!p0 $0x2  }
0x19d: {  	_ =	swait.ge @!p0 [sflag:s0], s1  }
0x19e: {  	s1 =	ssub.s32 @!p0 $0x0, s1;
	[sflag:s0] =	ssyncset.done @!p0 $0x0  }
0x19f: {  	[sflag:s0] =	ssyncadd.s32 @!p0 s1  }
0x1a0: {  	[bflag:$0x3] =	sbarrier.arrive $0xFFFF  }
0x1a1: {  	_ =	shalt  }

</sc_bundles>
